<compile_context>
chip_gen: v7x
topology: tpu7x:2x2x1
jax: 0.10.2.dev20260603
libtpu: 0.0.44.dev20260713+nightly
codegen_flags: <defaults>
</compile_context>

<pallas_src>
import functools

import jax
import jax.numpy as jnp
from jax import lax
from jax.experimental import pallas as pl
from jax.experimental.pallas import tpu as pltpu
from jax.experimental.pallas import tpu_sc as plsc

K = 20
NEG = -3.0e38


def _lrelu(x):
    return jnp.where(x > 0, x, 0.2 * x)


def _xx_body(xt_ref, o_ref):
    xt = xt_ref[0]
    o_ref[0] = jnp.sum(xt * xt, axis=0, keepdims=True)


def _xx(xt3):
    B, C, N = xt3.shape
    return pl.pallas_call(
        _xx_body,
        grid=(B,),
        in_specs=[pl.BlockSpec((1, C, N), lambda b: (b, 0, 0))],
        out_specs=pl.BlockSpec((1, 1, N), lambda b: (b, 0, 0)),
        out_shape=jax.ShapeDtypeStruct((B, 1, N), jnp.float32),
    )(xt3)


def _knn_body(x_ref, xt_ref, xxr_ref, xxc_ref, o_ref, *, tn, n):
    b = pl.program_id(0)
    xr = x_ref[0]
    xt = xt_ref[0]
    s = jnp.dot(xr, xt, preferred_element_type=jnp.float32)
    pd = (2.0 * s - xxr_ref[0]) - xxc_ref[0]
    colid = lax.broadcasted_iota(jnp.int32, (tn, n), 1)
    slotid = lax.broadcasted_iota(jnp.int32, (tn, 32), 1)
    buf = jnp.zeros((tn, 32), jnp.int32)
    for j in range(K):
        m = jnp.max(pd, axis=1, keepdims=True)
        am = jnp.min(jnp.where(pd == m, colid, n), axis=1, keepdims=True)
        buf = jnp.where(slotid == j, am + b * n, buf)
        pd = jnp.where(colid == am, NEG, pd)
    o_ref[0] = buf


def _knn_topk(x3, xt3, tn=256):
    B, N, C = x3.shape
    xx = _xx(xt3)
    xxc = xx.transpose(0, 2, 1)
    return pl.pallas_call(
        functools.partial(_knn_body, tn=tn, n=N),
        grid=(B, N // tn),
        in_specs=[
            pl.BlockSpec((1, tn, C), lambda b, t: (b, t, 0)),
            pl.BlockSpec((1, C, N), lambda b, t: (b, 0, 0)),
            pl.BlockSpec((1, 1, N), lambda b, t: (b, 0, 0)),
            pl.BlockSpec((1, tn, 1), lambda b, t: (b, t, 0)),
        ],
        out_specs=pl.BlockSpec((1, tn, 32), lambda b, t: (b, t, 0)),
        out_shape=jax.ShapeDtypeStruct((B, N, 32), jnp.int32),
    )(x3, xt3, xx, xxc)


def _edge1_body(feat_ref, x_ref, w_ref, a_ref, s_ref, cat_ref, *, tp, first):
    C = x_ref.shape[1]
    e3 = feat_ref[...].reshape(tp, K, C) - x_ref[...][:, None, :]
    xe3 = jnp.broadcast_to(x_ref[...][:, None, :], (tp, K, C))
    if first:
        cat_ref[:, 0:64] = e3.reshape(tp * K, 64)
        cat_ref[:, 50:114] = xe3.reshape(tp * K, 64)
        cat_ref[:, 114:128] = jnp.zeros((tp * K, 14), jnp.float32)
        cat = cat_ref[...]
    else:
        cat = jnp.concatenate([e3, xe3], axis=2).reshape(tp * K, 2 * C)
    a = jnp.dot(cat, w_ref[...], preferred_element_type=jnp.float32)
    a_ref[...] = a
    s_ref[0] = jnp.sum(a, axis=0, keepdims=True)


def _edge1(feat, xf, wcat, first, tp=128):
    P, C = xf.shape
    D = wcat.shape[1]
    ck = wcat.shape[0]
    return pl.pallas_call(
        functools.partial(_edge1_body, tp=tp, first=first),
        grid=(P // tp,),
        in_specs=[
            pl.BlockSpec((tp * K, C), lambda t: (t, 0)),
            pl.BlockSpec((tp, C), lambda t: (t, 0)),
            pl.BlockSpec((ck, D), lambda t: (0, 0)),
        ],
        out_specs=[
            pl.BlockSpec((tp * K, D), lambda t: (t, 0)),
            pl.BlockSpec((1, 1, D), lambda t: (t, 0, 0)),
        ],
        out_shape=[
            jax.ShapeDtypeStruct((P * K, D), jnp.float32),
            jax.ShapeDtypeStruct((P // tp, 1, D), jnp.float32),
        ],
        scratch_shapes=[pltpu.VMEM((tp * K, 128), jnp.float32)],
    )(feat, xf, wcat)


def _edge2_body(a_ref, s_ref, mx_ref, q_ref, *, tp, cnt):
    a3 = a_ref[...].reshape(tp, K, -1)
    mx_ref[...] = jnp.max(a3, axis=1)
    m = jnp.sum(s_ref[...][:, 0, :], axis=0, keepdims=True) / cnt
    dev = a_ref[...] - m
    q_ref[0] = jnp.sum(dev * dev, axis=0, keepdims=True)


def _edge2(a, s, P, tp=128):
    D = a.shape[1]
    nb = s.shape[0]
    return pl.pallas_call(
        functools.partial(_edge2_body, tp=tp, cnt=float(P * K)),
        grid=(P // tp,),
        in_specs=[
            pl.BlockSpec((tp * K, D), lambda t: (t, 0)),
            pl.BlockSpec((nb, 1, D), lambda t: (0, 0, 0)),
        ],
        out_specs=[
            pl.BlockSpec((tp, D), lambda t: (t, 0)),
            pl.BlockSpec((1, 1, D), lambda t: (t, 0, 0)),
        ],
        out_shape=[
            jax.ShapeDtypeStruct((P, D), jnp.float32),
            jax.ShapeDtypeStruct((P // tp, 1, D), jnp.float32),
        ],
    )(a, s)


def _apply_body(mx_ref, s_ref, q_ref, g_ref, b_ref, o_ref, *, cnt):
    m = jnp.sum(s_ref[...][:, 0, :], axis=0, keepdims=True) / cnt
    v = jnp.sum(q_ref[...][:, 0, :], axis=0, keepdims=True) / cnt
    o_ref[...] = _lrelu(
        (mx_ref[...] - m) / jnp.sqrt(v + 1e-5) * g_ref[...] + b_ref[...])


def _apply(mx, s, q, g, b, tm=2048):
    P, D = mx.shape
    nb = s.shape[0]
    return pl.pallas_call(
        functools.partial(_apply_body, cnt=float(P * K)),
        grid=(P // tm,),
        in_specs=[
            pl.BlockSpec((tm, D), lambda t: (t, 0)),
            pl.BlockSpec((nb, 1, D), lambda t: (0, 0, 0)),
            pl.BlockSpec((nb, 1, D), lambda t: (0, 0, 0)),
            pl.BlockSpec((1, D), lambda t: (0, 0)),
            pl.BlockSpec((1, D), lambda t: (0, 0)),
        ],
        out_specs=pl.BlockSpec((tm, D), lambda t: (t, 0)),
        out_shape=jax.ShapeDtypeStruct((P, D), jnp.float32),
    )(mx, s, q, g, b)


def _apply2_body(mx_ref, sq_ref, g_ref, b_ref, o_ref):
    m = sq_ref[0]
    v = sq_ref[1]
    o_ref[...] = _lrelu(
        (mx_ref[...] - m) / jnp.sqrt(v + 1e-5) * g_ref[...] + b_ref[...])


def _apply2(mx, sq, g, b, tm=2048):
    P, D = mx.shape
    return pl.pallas_call(
        _apply2_body,
        grid=(P // tm,),
        in_specs=[
            pl.BlockSpec((tm, D), lambda t: (t, 0)),
            pl.BlockSpec((2, 1, D), lambda t: (0, 0, 0)),
            pl.BlockSpec((1, D), lambda t: (0, 0)),
            pl.BlockSpec((1, D), lambda t: (0, 0)),
        ],
        out_specs=pl.BlockSpec((tm, D), lambda t: (t, 0)),
        out_shape=jax.ShapeDtypeStruct((P, D), jnp.float32),
    )(mx, sq, g, b)


def _w5_body(h_ref, w5_ref, y_ref, sq_ref):
    y = jnp.dot(h_ref[...], w5_ref[...], preferred_element_type=jnp.float32)
    y_ref[...] = y

    @pl.when(pl.program_id(0) == 0)
    def _():
        sq_ref[...] = jnp.zeros_like(sq_ref)

    sq_ref[0:1, :] += jnp.sum(y, axis=0, keepdims=True)
    sq_ref[1:2, :] += jnp.sum(y * y, axis=0, keepdims=True)


def _w5(hcat, w5p, tm=512):
    P = hcat.shape[0]
    return pl.pallas_call(
        _w5_body,
        grid=(P // tm,),
        in_specs=[
            pl.BlockSpec((tm, 1536), lambda t: (t, 0)),
            pl.BlockSpec((1536, 64), lambda t: (0, 0)),
        ],
        out_specs=[
            pl.BlockSpec((tm, 64), lambda t: (t, 0)),
            pl.BlockSpec((8, 64), lambda t: (0, 0)),
        ],
        out_shape=[
            jax.ShapeDtypeStruct((P, 64), jnp.float32),
            jax.ShapeDtypeStruct((8, 64), jnp.float32),
        ],
    )(hcat, w5p)


def _pool_body(y_ref, sq_ref, g_ref, b_ref, o_ref, *, cnt):
    mean = sq_ref[0:1, :] / cnt
    var = sq_ref[1:2, :] / cnt - mean * mean
    v = _lrelu((y_ref[0] - mean) / jnp.sqrt(var + 1e-5) * g_ref[...]
               + b_ref[...])
    mx = jnp.max(v, axis=0, keepdims=True)
    sm = jnp.sum(v, axis=0, keepdims=True)

    @pl.when(pl.program_id(1) == 0)
    def _():
        o_ref[0, 0:1, :] = jnp.full_like(mx, NEG)
        o_ref[0, 1:2, :] = jnp.zeros_like(sm)

    o_ref[0, 0:1, :] = jnp.maximum(o_ref[0, 0:1, :], mx)
    o_ref[0, 1:2, :] += sm


def _pool(y3, sq, g, b, tn=2048):
    B, N, _ = y3.shape
    return pl.pallas_call(
        functools.partial(_pool_body, cnt=float(B * N)),
        grid=(B, N // tn),
        in_specs=[
            pl.BlockSpec((1, tn, 64), lambda bb, t: (bb, t, 0)),
            pl.BlockSpec((8, 64), lambda bb, t: (0, 0)),
            pl.BlockSpec((1, 64), lambda bb, t: (0, 0)),
            pl.BlockSpec((1, 64), lambda bb, t: (0, 0)),
        ],
        out_specs=pl.BlockSpec((1, 8, 64), lambda bb, t: (bb, 0, 0)),
        out_shape=jax.ShapeDtypeStruct((B, 8, 64), jnp.float32),
    )(y3, sq, g, b)


def _mlp_body(p_ref, l1a_ref, l1b_ref, g6_ref, b6_ref, l2_ref, l2b_ref,
              g7_ref, b7_ref, l3_ref, l3b_ref, o_ref, *, n):
    p1 = p_ref[:, 0, :]
    pm = p_ref[:, 1, :] / n
    t1 = jnp.dot(p1, l1a_ref[...], preferred_element_type=jnp.float32)
    t1 += jnp.dot(pm, l1b_ref[...], preferred_element_type=jnp.float32)
    m = jnp.mean(t1, axis=0, keepdims=True)
    v = jnp.mean((t1 - m) * (t1 - m), axis=0, keepdims=True)
    h1 = _lrelu((t1 - m) / jnp.sqrt(v + 1e-5) * g6_ref[...] + b6_ref[...])
    t2 = jnp.dot(h1, l2_ref[...], preferred_element_type=jnp.float32)
    t2 += l2b_ref[...]
    m = jnp.mean(t2, axis=0, keepdims=True)
    v = jnp.mean((t2 - m) * (t2 - m), axis=0, keepdims=True)
    h2 = _lrelu((t2 - m) / jnp.sqrt(v + 1e-5) * g7_ref[...] + b7_ref[...])
    o_ref[...] = jnp.dot(h2, l3_ref[...], preferred_element_type=jnp.float32)
    o_ref[...] += l3b_ref[...]


def _mlp(p, n, l1a, l1b, g6, b6, l2, l2b, g7, b7, l3, l3b):
    B = p.shape[0]
    return pl.pallas_call(
        functools.partial(_mlp_body, n=float(n)),
        out_shape=jax.ShapeDtypeStruct((B, 40), jnp.float32),
    )(p, l1a, l1b, g6, b6, l2, l2b, g7, b7, l3, l3b)


def _gather_rows(src, gidx):
    return src[gidx]


def _bn_ref(x_, g, b, ax):
    axes = tuple(i for i in range(x_.ndim) if i != ax)
    m = jnp.mean(x_, axis=axes, keepdims=True)
    v = jnp.var(x_, axis=axes, keepdims=True)
    sh = [1] * x_.ndim
    sh[ax] = -1
    return (x_ - m) / jnp.sqrt(v + 1e-5) * g.reshape(sh) + b.reshape(sh)


def kernel(x, emb, W1, g1, b1, W2, g2, b2, W3, g3, b3, W4, g4, b4, W5, g5, b5,
           L1, g6, b6, L2, L2b, g7, b7, L3, L3b):
    B, N = x.shape
    P = B * N

    h = jnp.transpose(emb[x], (0, 2, 1))

    feats = []
    for (W, g, b) in ((W1, g1, b1), (W2, g2, b2), (W3, g3, b3), (W4, g4, b4)):
        C = h.shape[1]
        x3 = jnp.transpose(h, (0, 2, 1))
        if C == 50:
            x3p = jnp.pad(x3, ((0, 0), (0, 0), (0, 14)))
        else:
            x3p = x3
        idx = _knn_topk(x3p, x3p.transpose(0, 2, 1))
        idxl = idx[:, :, :K] - (jnp.arange(B) * N)[:, None, None]
        feat = jax.vmap(lambda xb, ib: xb[ib])(x3, idxl)
        xe = jnp.broadcast_to(x3[:, :, None, :], (B, N, K, C))
        f = jnp.concatenate([feat - xe, xe], axis=3)
        f = jnp.transpose(f, (0, 3, 1, 2))
        f = _lrelu(_bn_ref(jnp.einsum('bcnk,cd->bdnk', f, W), g, b, 1))
        h = jnp.max(f, axis=-1)
        feats.append(jnp.transpose(h, (0, 2, 1)).reshape(P, -1))

    hh = jnp.transpose(jnp.concatenate(feats, axis=1).reshape(B, N, 1536),
                       (0, 2, 1))
    hh = _lrelu(_bn_ref(jnp.einsum('bcn,cd->bdn', hh, W5), g5, b5, 1))
    p1 = jnp.max(hh, axis=-1)
    p2 = jnp.mean(hh, axis=-1)
    hh = jnp.concatenate([p1, p2], axis=1)
    hh = _lrelu(_bn_ref(hh @ L1, g6, b6, 1))
    hh = _lrelu(_bn_ref(hh @ L2 + L2b, g7, b7, 1))
    return hh @ L3 + L3b

# --- scband reference (transcript-rebuilt; emitter-appended) ---
"""Pipeline reference for scband-dgcnn-3702261809320 (READ-ONLY COPY).

The authoritative reference and input builder live on the scoring server;
editing this copy changes nothing except your own understanding.
"""

import jax, jax.numpy as jnp
import numpy as np

K = 20

def _bn(x, g, b, ax):
    axes = tuple(i for i in range(x.ndim) if i != ax)
    m = jnp.mean(x, axis=axes, keepdims=True)
    v = jnp.var(x, axis=axes, keepdims=True)
    sh = [1] * x.ndim
    sh[ax] = -1
    return (x - m) / jnp.sqrt(v + 1e-5) * g.reshape(sh) + b.reshape(sh)

def _lrelu(x):
    return jnp.where(x > 0, x, 0.2 * x)

def _knn(x, k):
    inner = -2.0 * jnp.einsum('bcn,bcm->bnm', x, x)
    xx = jnp.sum(x * x, axis=1, keepdims=True)
    pd = -xx - inner - jnp.transpose(xx, (0, 2, 1))
    return jax.lax.top_k(pd, k)[1]

def _graph_feature(x, k):
    B, C, N = x.shape
    idx = _knn(x, k)
    xt = jnp.transpose(x, (0, 2, 1))
    feat = jax.vmap(lambda xb, ib: xb[ib])(xt, idx)
    xe = jnp.broadcast_to(xt[:, :, None, :], (B, N, k, C))
    out = jnp.concatenate([feat - xe, xe], axis=3)
    return jnp.transpose(out, (0, 3, 1, 2))

def setup_inputs(seed: int = 0):
    key = jax.random.key(seed)
    ks = jax.random.split(key, 12)
    B, N = 8, 2048
    def rn(k, shape, scale):
        return jax.random.normal(k, shape, dtype=jnp.float32) * scale
    return {
        'x': jax.random.randint(ks[0], (B, N), 0, 6187),
        'emb': rn(ks[1], (6187, 50), 1.0),
        'W1': rn(ks[2], (100, 256), 0.1), 'g1': jnp.ones(256, jnp.float32), 'b1': jnp.zeros(256, jnp.float32),
        'W2': rn(ks[3], (512, 256), 0.05), 'g2': jnp.ones(256, jnp.float32), 'b2': jnp.zeros(256, jnp.float32),
        'W3': rn(ks[4], (512, 512), 0.05), 'g3': jnp.ones(512, jnp.float32), 'b3': jnp.zeros(512, jnp.float32),
        'W4': rn(ks[5], (1024, 512), 0.05), 'g4': jnp.ones(512, jnp.float32), 'b4': jnp.zeros(512, jnp.float32),
        'W5': rn(ks[6], (1536, 50), 0.05), 'g5': jnp.ones(50, jnp.float32), 'b5': jnp.zeros(50, jnp.float32),
        'L1': rn(ks[7], (100, 256), 0.1), 'g6': jnp.ones(256, jnp.float32), 'b6': jnp.zeros(256, jnp.float32),
        'L2': rn(ks[8], (256, 128), 0.1), 'L2b': jnp.zeros(128, jnp.float32), 'g7': jnp.ones(128, jnp.float32), 'b7': jnp.zeros(128, jnp.float32),
        'L3': rn(ks[9], (128, 40), 0.1), 'L3b': jnp.zeros(40, jnp.float32),
    }

def reference(x, emb, W1, g1, b1, W2, g2, b2, W3, g3, b3, W4, g4, b4, W5, g5, b5, L1, g6, b6, L2, L2b, g7, b7, L3, L3b):
    h = emb[x]
    h = jnp.transpose(h, (0, 2, 1))
    f = _graph_feature(h, K)
    f = _lrelu(_bn(jnp.einsum('bcnk,cd->bdnk', f, W1), g1, b1, 1))
    x1 = jnp.max(f, axis=-1)
    f = _graph_feature(x1, K)
    f = _lrelu(_bn(jnp.einsum('bcnk,cd->bdnk', f, W2), g2, b2, 1))
    x2 = jnp.max(f, axis=-1)
    f = _graph_feature(x2, K)
    f = _lrelu(_bn(jnp.einsum('bcnk,cd->bdnk', f, W3), g3, b3, 1))
    x3 = jnp.max(f, axis=-1)
    f = _graph_feature(x3, K)
    f = _lrelu(_bn(jnp.einsum('bcnk,cd->bdnk', f, W4), g4, b4, 1))
    x4 = jnp.max(f, axis=-1)
    h = jnp.concatenate([x1, x2, x3, x4], axis=1)
    h = _lrelu(_bn(jnp.einsum('bcn,cd->bdn', h, W5), g5, b5, 1))
    p1 = jnp.max(h, axis=-1)
    p2 = jnp.mean(h, axis=-1)
    h = jnp.concatenate([p1, p2], axis=1)
    h = _lrelu(_bn(h @ L1, g6, b6, 1))
    h = _lrelu(_bn(h @ L2 + L2b, g7, b7, 1))
    return h @ L3 + L3b

if __name__ == "__main__":
    import jax
    _d = setup_inputs()
    print(jax.jit(kernel)(*tuple(_d.values())))

</pallas_src>

<mosaic_0001>
module attributes {stable_mosaic.version = 14 : i64} {
  func.func @_xx_body(%arg0: i32, %arg1: memref<1x64x2048xf32, #tpu.memory_space<vmem>>, %arg2: memref<1x1x2048xf32, #tpu.memory_space<vmem>>) attributes {dimension_semantics = [#tpu.dimension_semantics<arbitrary>], iteration_bounds = array<i64: 8>, scalar_prefetch = 0 : i64, scratch_operands = 0 : i64, tpu.core_type = #tpu.core_type<tc>, window_params = [{transform_indices = @transform_0, window_bounds = array<i64: 1, 64, 2048>}, {transform_indices = @transform_1, window_bounds = array<i64: 1, 1, 2048>}]} {
    %get3A = arith.constant 0 : index
    %get3A_0 = arith.constant 0 : index
    %get3A_1 = arith.constant 0 : index
    %get3A_2 = vector.load %arg1[%get3A, %get3A_0, %get3A_1] : memref<1x64x2048xf32, #tpu.memory_space<vmem>>, vector<1x64x2048xf32>
    %get3A_3 = vector.shape_cast %get3A_2 : vector<1x64x2048xf32> to vector<64x2048xf32>
    %mul3A = arith.mulf %get3A_3, %get3A_3 : vector<64x2048xf32>
    %reduce_sum3A = arith.constant dense<0.000000e+00> : vector<2048xf32>
    %reduce_sum3A_4 = vector.multi_reduction <add>, %mul3A, %reduce_sum3A [0] : vector<64x2048xf32> to vector<2048xf32>
    %broadcast_in_dim3A = vector.shape_cast %reduce_sum3A_4 : vector<2048xf32> to vector<1x2048xf32>
    %swap3A = arith.constant 0 : index
    %swap3A_5 = arith.constant 0 : index
    %swap3A_6 = arith.constant 0 : index
    %swap3A_7 = vector.load %arg2[%swap3A, %swap3A_5, %swap3A_6] : memref<1x1x2048xf32, #tpu.memory_space<vmem>>, vector<1x1x2048xf32>
    %swap3A_8 = vector.shape_cast %swap3A_7 : vector<1x1x2048xf32> to vector<1x2048xf32>
    %swap3A_9 = vector.shape_cast %broadcast_in_dim3A : vector<1x2048xf32> to vector<1x1x2048xf32>
    tpu.vector_store %arg2[%swap3A, %swap3A_5, %swap3A_6], %swap3A_9 {strides = array<i32>} : memref<1x1x2048xf32, #tpu.memory_space<vmem>>, vector<1x1x2048xf32>,
    return
  }
  func.func @transform_0(%arg0: i32) -> (i32, i32, i32) {
    %c0_i32 = arith.constant 0 : i32
    %c0_i32_0 = arith.constant 0 : i32
    %c0_i32_1 = arith.constant 0 : i32
    return %arg0, %c0_i32, %c0_i32_0 : i32, i32, i32
  }
  func.func @transform_1(%arg0: i32) -> (i32, i32, i32) {
    %c0_i32 = arith.constant 0 : i32
    %c0_i32_0 = arith.constant 0 : i32
    %c0_i32_1 = arith.constant 0 : i32
    return %arg0, %c0_i32, %c0_i32_0 : i32, i32, i32
  }
}

module attributes {stable_mosaic.version = 14 : i64} {
  func.func @_knn_body(%arg0: i32, %arg1: i32, %arg2: memref<1x256x64xf32, #tpu.memory_space<vmem>>, %arg3: memref<1x64x2048xf32, #tpu.memory_space<vmem>>, %arg4: memref<1x1x2048xf32, #tpu.memory_space<vmem>>, %arg5: memref<1x256x1xf32, #tpu.memory_space<vmem>>, %arg6: memref<1x256x32xi32, #tpu.memory_space<vmem>>) attributes {dimension_semantics = [#tpu.dimension_semantics<arbitrary>, #tpu.dimension_semantics<arbitrary>], iteration_bounds = array<i64: 8, 8>, scalar_prefetch = 0 : i64, scratch_operands = 0 : i64, tpu.core_type = #tpu.core_type<tc>, window_params = [{transform_indices = @transform_0, window_bounds = array<i64: 1, 256, 64>}, {transform_indices = @transform_1, window_bounds = array<i64: 1, 64, 2048>}, {transform_indices = @transform_2, window_bounds = array<i64: 1, 1, 2048>}, {transform_indices = @transform_3, window_bounds = array<i64: 1, 256, 1>}, {transform_indices = @transform_4, window_bounds = array<i64: 1, 256, 32>}]} {
    %get3A = arith.constant 0 : index
    %get3A_0 = arith.constant 0 : index
    %get3A_1 = arith.constant 0 : index
    %get3A_2 = vector.load %arg2[%get3A, %get3A_0, %get3A_1] : memref<1x256x64xf32, #tpu.memory_space<vmem>>, vector<1x256x64xf32>
    %get3A_3 = vector.shape_cast %get3A_2 : vector<1x256x64xf32> to vector<256x64xf32>
    %get3A_4 = arith.constant 0 : index
    %get3A_5 = arith.constant 0 : index
    %get3A_6 = arith.constant 0 : index
    %get3A_7 = vector.load %arg3[%get3A_4, %get3A_5, %get3A_6] : memref<1x64x2048xf32, #tpu.memory_space<vmem>>, vector<1x64x2048xf32>
    %get3A_8 = vector.shape_cast %get3A_7 : vector<1x64x2048xf32> to vector<64x2048xf32>
    %dot_general3A = arith.constant dense<0.000000e+00> : vector<256x2048xf32>
    %dot_general3A_9 = tpu.matmul %get3A_3, %get3A_8, %dot_general3A {dimension_numbers = #tpu.dot_dimension_numbers<[1], [0], [0], [1], [0, 0, 1, 1], [], []>, transpose_lhs_hint = false} : vector<256x64xf32>, vector<64x2048xf32>, vector<256x2048xf32> -> vector<256x2048xf32>
    %mul3A = arith.constant 2.000000e+00 : f32
    %mul3A_10 = vector.broadcast %mul3A : f32 to vector<256x2048xf32>
    %mul3A_11 = arith.mulf %mul3A_10, %dot_general3A_9 : vector<256x2048xf32>
    %get3A_12 = arith.constant 0 : index
    %get3A_13 = arith.constant 0 : index
    %get3A_14 = arith.constant 0 : index
    %get3A_15 = vector.load %arg4[%get3A_12, %get3A_13, %get3A_14] : memref<1x1x2048xf32, #tpu.memory_space<vmem>>, vector<1x1x2048xf32>
    %get3A_16 = vector.shape_cast %get3A_15 : vector<1x1x2048xf32> to vector<1x2048xf32>
    %sub3A = vector.broadcast %get3A_16 : vector<1x2048xf32> to vector<256x2048xf32>
    %sub3A_17 = arith.subf %mul3A_11, %sub3A : vector<256x2048xf32>
    %get3A_18 = arith.constant 0 : index
    %get3A_19 = arith.constant 0 : index
    %get3A_20 = arith.constant 0 : index
    %get3A_21 = vector.load %arg5[%get3A_18, %get3A_19, %get3A_20] : memref<1x256x1xf32, #tpu.memory_space<vmem>>, vector<1x256x1xf32>
    %get3A_22 = vector.shape_cast %get3A_21 : vector<1x256x1xf32> to vector<256x1xf32>
    %sub3A_23 = vector.broadcast %get3A_22 : vector<256x1xf32> to vector<256x2048xf32>
    %sub3A_24 = arith.subf %sub3A_17, %sub3A_23 : vector<256x2048xf32>
    %iota3A = tpu.iota {dimensions = array<i32: 1>} : vector<256x2048xi32>
    %iota3A_25 = tpu.iota {dimensions = array<i32: 1>} : vector<256x32xi32>
    %broadcast_in_dim3A = arith.constant 0 : i32
    %broadcast_in_dim3A_26 = vector.broadcast %broadcast_in_dim3A : i32 to vector<256x32xi32>
    %reduce_max3A = arith.constant dense<0xFF800000> : vector<256xf32>
    %reduce_max3A_27 = vector.multi_reduction <maximumf>, %sub3A_24, %reduce_max3A [1] : vector<256x2048xf32> to vector<256xf32>
    %broadcast_in_dim3A_28 = vector.shape_cast %reduce_max3A_27 : vector<256xf32> to vector<256x1xf32>
    %eq3A = vector.broadcast %broadcast_in_dim3A_28 : vector<256x1xf32> to vector<256x2048xf32>
    %eq3A_29 = arith.cmpf oeq, %sub3A_24, %eq3A : vector<256x2048xf32>
    %jit3A = arith.constant 2048 : i32
    %broadcast_in_dim3A_30 = vector.broadcast %jit3A : i32 to vector<256x2048xi32>
    %select_n3A = arith.select %eq3A_29, %iota3A, %broadcast_in_dim3A_30 : vector<256x2048xi1>, vector<256x2048xi32>
    %reduce_min3A = arith.constant dense<2147483647> : vector<256xi32>
    %reduce_min3A_31 = vector.multi_reduction <minsi>, %select_n3A, %reduce_min3A [1] : vector<256x2048xi32> to vector<256xi32>
    %broadcast_in_dim3A_32 = vector.shape_cast %reduce_min3A_31 : vector<256xi32> to vector<256x1xi32>
    %eq3A_33 = arith.constant 0 : i32
    %eq3A_34 = vector.broadcast %eq3A_33 : i32 to vector<256x32xi32>
    %eq3A_35 = arith.cmpi eq, %iota3A_25, %eq3A_34 : vector<256x32xi32>
    %mul3A_36 = arith.constant 2048 : i32
    %mul3A_37 = arith.muli %arg0, %mul3A_36 : i32
    %add3A = vector.broadcast %mul3A_37 : i32 to vector<256x1xi32>
    %add3A_38 = arith.addi %broadcast_in_dim3A_32, %add3A : vector<256x1xi32>
    %broadcast_in_dim3A_39 = vector.shape_cast %add3A_38 : vector<256x1xi32> to vector<256x1xi32>
    %broadcast_in_dim3A_40 = vector.broadcast %broadcast_in_dim3A_39 : vector<256x1xi32> to vector<256x32xi32>
    %select_n3A_41 = arith.select %eq3A_35, %broadcast_in_dim3A_40, %broadcast_in_dim3A_26 : vector<256x32xi1>, vector<256x32xi32>
    %eq3A_42 = vector.broadcast %broadcast_in_dim3A_32 : vector<256x1xi32> to vector<256x2048xi32>
    %eq3A_43 = arith.cmpi eq, %iota3A, %eq3A_42 : vector<256x2048xi32>
    %jit3A_44 = arith.constant -3.000000e+38 : f32
    %broadcast_in_dim3A_45 = vector.broadcast %jit3A_44 : f32 to vector<256x2048xf32>
    %select_n3A_46 = arith.select %eq3A_43, %broadcast_in_dim3A_45, %sub3A_24 : vector<256x2048xi1>, vector<256x2048xf32>
    %reduce_max3A_47 = arith.constant dense<0xFF800000> : vector<256xf32>
    %reduce_max3A_48 = vector.multi_reduction <maximumf>, %select_n3A_46, %reduce_max3A_47 [1] : vector<256x2048xf32> to vector<256xf32>
    %broadcast_in_dim3A_49 = vector.shape_cast %reduce_max3A_48 : vector<256xf32> to vector<256x1xf32>
    %eq3A_50 = vector.broadcast %broadcast_in_dim3A_49 : vector<256x1xf32> to vector<256x2048xf32>
    %eq3A_51 = arith.cmpf oeq, %select_n3A_46, %eq3A_50 : vector<256x2048xf32>
    %jit3A_52 = arith.constant 2048 : i32
    %broadcast_in_dim3A_53 = vector.broadcast %jit3A_52 : i32 to vector<256x2048xi32>
    %select_n3A_54 = arith.select %eq3A_51, %iota3A, %broadcast_in_dim3A_53 : vector<256x2048xi1>, vector<256x2048xi32>
    %reduce_min3A_55 = arith.constant dense<2147483647> : vector<256xi32>
    %reduce_min3A_56 = vector.multi_reduction <minsi>, %select_n3A_54, %reduce_min3A_55 [1] : vector<256x2048xi32> to vector<256xi32>
    %broadcast_in_dim3A_57 = vector.shape_cast %reduce_min3A_56 : vector<256xi32> to vector<256x1xi32>
    %eq3A_58 = arith.constant 1 : i32
    %eq3A_59 = vector.broadcast %eq3A_58 : i32 to vector<256x32xi32>
    %eq3A_60 = arith.cmpi eq, %iota3A_25, %eq3A_59 : vector<256x32xi32>
    %mul3A_61 = arith.constant 2048 : i32
    %mul3A_62 = arith.muli %arg0, %mul3A_61 : i32
    %add3A_63 = vector.broadcast %mul3A_62 : i32 to vector<256x1xi32>
    %add3A_64 = arith.addi %broadcast_in_dim3A_57, %add3A_63 : vector<256x1xi32>
    %broadcast_in_dim3A_65 = vector.shape_cast %add3A_64 : vector<256x1xi32> to vector<256x1xi32>
    %broadcast_in_dim3A_66 = vector.broadcast %broadcast_in_dim3A_65 : vector<256x1xi32> to vector<256x32xi32>
    %select_n3A_67 = arith.select %eq3A_60, %broadcast_in_dim3A_66, %select_n3A_41 : vector<256x32xi1>, vector<256x32xi32>
    %eq3A_68 = vector.broadcast %broadcast_in_dim3A_57 : vector<256x1xi32> to vector<256x2048xi32>
    %eq3A_69 = arith.cmpi eq, %iota3A, %eq3A_68 : vector<256x2048xi32>
    %jit3A_70 = arith.constant -3.000000e+38 : f32
    %broadcast_in_dim3A_71 = vector.broadcast %jit3A_70 : f32 to vector<256x2048xf32>
    %select_n3A_72 = arith.select %eq3A_69, %broadcast_in_dim3A_71, %select_n3A_46 : vector<256x2048xi1>, vector<256x2048xf32>
    %reduce_max3A_73 = arith.constant dense<0xFF800000> : vector<256xf32>
    %reduce_max3A_74 = vector.multi_reduction <maximumf>, %select_n3A_72, %reduce_max3A_73 [1] : vector<256x2048xf32> to vector<256xf32>
    %broadcast_in_dim3A_75 = vector.shape_cast %reduce_max3A_74 : vector<256xf32> to vector<256x1xf32>
    %eq3A_76 = vector.broadcast %broadcast_in_dim3A_75 : vector<256x1xf32> to vector<256x2048xf32>
    %eq3A_77 = arith.cmpf oeq, %select_n3A_72, %eq3A_76 : vector<256x2048xf32>
    %jit3A_78 = arith.constant 2048 : i32
    %broadcast_in_dim3A_79 = vector.broadcast %jit3A_78 : i32 to vector<256x2048xi32>
    %select_n3A_80 = arith.select %eq3A_77, %iota3A, %broadcast_in_dim3A_79 : vector<256x2048xi1>, vector<256x2048xi32>
    %reduce_min3A_81 = arith.constant dense<2147483647> : vector<256xi32>
    %reduce_min3A_82 = vector.multi_reduction <minsi>, %select_n3A_80, %reduce_min3A_81 [1] : vector<256x2048xi32> to vector<256xi32>
    %broadcast_in_dim3A_83 = vector.shape_cast %reduce_min3A_82 : vector<256xi32> to vector<256x1xi32>
    %eq3A_84 = arith.constant 2 : i32
    %eq3A_85 = vector.broadcast %eq3A_84 : i32 to vector<256x32xi32>
    %eq3A_86 = arith.cmpi eq, %iota3A_25, %eq3A_85 : vector<256x32xi32>
    %mul3A_87 = arith.constant 2048 : i32
    %mul3A_88 = arith.muli %arg0, %mul3A_87 : i32
    %add3A_89 = vector.broadcast %mul3A_88 : i32 to vector<256x1xi32>
    %add3A_90 = arith.addi %broadcast_in_dim3A_83, %add3A_89 : vector<256x1xi32>
    %broadcast_in_dim3A_91 = vector.shape_cast %add3A_90 : vector<256x1xi32> to vector<256x1xi32>
    %broadcast_in_dim3A_92 = vector.broadcast %broadcast_in_dim3A_91 : vector<256x1xi32> to vector<256x32xi32>
    %select_n3A_93 = arith.select %eq3A_86, %broadcast_in_dim3A_92, %select_n3A_67 : vector<256x32xi1>, vector<256x32xi32>
    %eq3A_94 = vector.broadcast %broadcast_in_dim3A_83 : vector<256x1xi32> to vector<256x2048xi32>
    %eq3A_95 = arith.cmpi eq, %iota3A, %eq3A_94 : vector<256x2048xi32>
    %jit3A_96 = arith.constant -3.000000e+38 : f32
    %broadcast_in_dim3A_97 = vector.broadcast %jit3A_96 : f32 to vector<256x2048xf32>
    %select_n3A_98 = arith.select %eq3A_95, %broadcast_in_dim3A_97, %select_n3A_72 : vector<256x2048xi1>, vector<256x2048xf32>
    %reduce_max3A_99 = arith.constant dense<0xFF800000> : vector<256xf32>
    %reduce_max3A_100 = vector.multi_reduction <maximumf>, %select_n3A_98, %reduce_max3A_99 [1] : vector<256x2048xf32> to vector<256xf32>
    %broadcast_in_dim3A_101 = vector.shape_cast %reduce_max3A_100 : vector<256xf32> to vector<256x1xf32>
    %eq3A_102 = vector.broadcast %broadcast_in_dim3A_101 : vector<256x1xf32> to vector<256x2048xf32>
    %eq3A_103 = arith.cmpf oeq, %select_n3A_98, %eq3A_102 : vector<256x2048xf32>
    %jit3A_104 = arith.constant 2048 : i32
    %broadcast_in_dim3A_105 = vector.broadcast %jit3A_104 : i32 to vector<256x2048xi32>
    %select_n3A_106 = arith.select %eq3A_103, %iota3A, %broadcast_in_dim3A_105 : vector<256x2048xi1>, vector<256x2048xi32>
    %reduce_min3A_107 = arith.constant dense<2147483647> : vector<256xi32>
    %reduce_min3A_108 = vector.multi_reduction <minsi>, %select_n3A_106, %reduce_min3A_107 [1] : vector<256x2048xi32> to vector<256xi32>
    %broadcast_in_dim3A_109 = vector.shape_cast %reduce_min3A_108 : vector<256xi32> to vector<256x1xi32>
    %eq3A_110 = arith.constant 3 : i32
    %eq3A_111 = vector.broadcast %eq3A_110 : i32 to vector<256x32xi32>
    %eq3A_112 = arith.cmpi eq, %iota3A_25, %eq3A_111 : vector<256x32xi32>
    %mul3A_113 = arith.constant 2048 : i32
    %mul3A_114 = arith.muli %arg0, %mul3A_113 : i32
    %add3A_115 = vector.broadcast %mul3A_114 : i32 to vector<256x1xi32>
    %add3A_116 = arith.addi %broadcast_in_dim3A_109, %add3A_115 : vector<256x1xi32>
    %broadcast_in_dim3A_117 = vector.shape_cast %add3A_116 : vector<256x1xi32> to vector<256x1xi32>
    %broadcast_in_dim3A_118 = vector.broadcast %broadcast_in_dim3A_117 : vector<256x1xi32> to vector<256x32xi32>
    %select_n3A_119 = arith.select %eq3A_112, %broadcast_in_dim3A_118, %select_n3A_93 : vector<256x32xi1>, vector<256x32xi32>
    %eq3A_120 = vector.broadcast %broadcast_in_dim3A_109 : vector<256x1xi32> to vector<256x2048xi32>
    %eq3A_121 = arith.cmpi eq, %iota3A, %eq3A_120 : vector<256x2048xi32>
    %jit3A_122 = arith.constant -3.000000e+38 : f32
    %broadcast_in_dim3A_123 = vector.broadcast %jit3A_122 : f32 to vector<256x2048xf32>
    %select_n3A_124 = arith.select %eq3A_121, %broadcast_in_dim3A_123, %select_n3A_98 : vector<256x2048xi1>, vector<256x2048xf32>
    %reduce_max3A_125 = arith.constant dense<0xFF800000> : vector<256xf32>
    %reduce_max3A_126 = vector.multi_reduction <maximumf>, %select_n3A_124, %reduce_max3A_125 [1] : vector<256x2048xf32> to vector<256xf32>
    %broadcast_in_dim3A_127 = vector.shape_cast %reduce_max3A_126 : vector<256xf32> to vector<256x1xf32>
    %eq3A_128 = vector.broadcast %broadcast_in_dim3A_127 : vector<256x1xf32> to vector<256x2048xf32>
    %eq3A_129 = arith.cmpf oeq, %select_n3A_124, %eq3A_128 : vector<256x2048xf32>
    %jit3A_130 = arith.constant 2048 : i32
    %broadcast_in_dim3A_131 = vector.broadcast %jit3A_130 : i32 to vector<256x2048xi32>
    %select_n3A_132 = arith.select %eq3A_129, %iota3A, %broadcast_in_dim3A_131 : vector<256x2048xi1>, vector<256x2048xi32>
    %reduce_min3A_133 = arith.constant dense<2147483647> : vector<256xi32>
    %reduce_min3A_134 = vector.multi_reduction <minsi>, %select_n3A_132, %reduce_min3A_133 [1] : vector<256x2048xi32> to vector<256xi32>
    %broadcast_in_dim3A_135 = vector.shape_cast %reduce_min3A_134 : vector<256xi32> to vector<256x1xi32>
    %eq3A_136 = arith.constant 4 : i32
    %eq3A_137 = vector.broadcast %eq3A_136 : i32 to vector<256x32xi32>
    %eq3A_138 = arith.cmpi eq, %iota3A_25, %eq3A_137 : vector<256x32xi32>
    %mul3A_139 = arith.constant 2048 : i32
    %mul3A_140 = arith.muli %arg0, %mul3A_139 : i32
    %add3A_141 = vector.broadcast %mul3A_140 : i32 to vector<256x1xi32>
    %add3A_142 = arith.addi %broadcast_in_dim3A_135, %add3A_141 : vector<256x1xi32>
    %broadcast_in_dim3A_143 = vector.shape_cast %add3A_142 : vector<256x1xi32> to vector<256x1xi32>
    %broadcast_in_dim3A_144 = vector.broadcast %broadcast_in_dim3A_143 : vector<256x1xi32> to vector<256x32xi32>
    %select_n3A_145 = arith.select %eq3A_138, %broadcast_in_dim3A_144, %select_n3A_119 : vector<256x32xi1>, vector<256x32xi32>
    %eq3A_146 = vector.broadcast %broadcast_in_dim3A_135 : vector<256x1xi32> to vector<256x2048xi32>
    %eq3A_147 = arith.cmpi eq, %iota3A, %eq3A_146 : vector<256x2048xi32>
    %jit3A_148 = arith.constant -3.000000e+38 : f32
    %broadcast_in_dim3A_149 = vector.broadcast %jit3A_148 : f32 to vector<256x2048xf32>
    %select_n3A_150 = arith.select %eq3A_147, %broadcast_in_dim3A_149, %select_n3A_124 : vector<256x2048xi1>, vector<256x2048xf32>
    %reduce_max3A_151 = arith.constant dense<0xFF800000> : vector<256xf32>
    %reduce_max3A_152 = vector.multi_reduction <maximumf>, %select_n3A_150, %reduce_max3A_151 [1] : vector<256x2048xf32> to vector<256xf32>
    %broadcast_in_dim3A_153 = vector.shape_cast %reduce_max3A_152 : vector<256xf32> to vector<256x1xf32>
    %eq3A_154 = vector.broadcast %broadcast_in_dim3A_153 : vector<256x1xf32> to vector<256x2048xf32>
    %eq3A_155 = arith.cmpf oeq, %select_n3A_150, %eq3A_154 : vector<256x2048xf32>
    %jit3A_156 = arith.constant 2048 : i32
    %broadcast_in_dim3A_157 = vector.broadcast %jit3A_156 : i32 to vector<256x2048xi32>
    %select_n3A_158 = arith.select %eq3A_155, %iota3A, %broadcast_in_dim3A_157 : vector<256x2048xi1>, vector<256x2048xi32>
    %reduce_min3A_159 = arith.constant dense<2147483647> : vector<256xi32>
    %reduce_min3A_160 = vector.multi_reduction <minsi>, %select_n3A_158, %reduce_min3A_159 [1] : vector<256x2048xi32> to vector<256xi32>
    %broadcast_in_dim3A_161 = vector.shape_cast %reduce_min3A_160 : vector<256xi32> to vector<256x1xi32>
    %eq3A_162 = arith.constant 5 : i32
    %eq3A_163 = vector.broadcast %eq3A_162 : i32 to vector<256x32xi32>
    %eq3A_164 = arith.cmpi eq, %iota3A_25, %eq3A_163 : vector<256x32xi32>
    %mul3A_165 = arith.constant 2048 : i32
    %mul3A_166 = arith.muli %arg0, %mul3A_165 : i32
    %add3A_167 = vector.broadcast %mul3A_166 : i32 to vector<256x1xi32>
    %add3A_168 = arith.addi %broadcast_in_dim3A_161, %add3A_167 : vector<256x1xi32>
    %broadcast_in_dim3A_169 = vector.shape_cast %add3A_168 : vector<256x1xi32> to vector<256x1xi32>
    %broadcast_in_dim3A_170 = vector.broadcast %broadcast_in_dim3A_169 : vector<256x1xi32> to vector<256x32xi32>
    %select_n3A_171 = arith.select %eq3A_164, %broadcast_in_dim3A_170, %select_n3A_145 : vector<256x32xi1>, vector<256x32xi32>
    %eq3A_172 = vector.broadcast %broadcast_in_dim3A_161 : vector<256x1xi32> to vector<256x2048xi32>
    %eq3A_173 = arith.cmpi eq, %iota3A, %eq3A_172 : vector<256x2048xi32>
    %jit3A_174 = arith.constant -3.000000e+38 : f32
    %broadcast_in_dim3A_175 = vector.broadcast %jit3A_174 : f32 to vector<256x2048xf32>
    %select_n3A_176 = arith.select %eq3A_173, %broadcast_in_dim3A_175, %select_n3A_150 : vector<256x2048xi1>, vector<256x2048xf32>
    %reduce_max3A_177 = arith.constant dense<0xFF800000> : vector<256xf32>
    %reduce_max3A_178 = vector.multi_reduction <maximumf>, %select_n3A_176, %reduce_max3A_177 [1] : vector<256x2048xf32> to vector<256xf32>
    %broadcast_in_dim3A_179 = vector.shape_cast %reduce_max3A_178 : vector<256xf32> to vector<256x1xf32>
    %eq3A_180 = vector.broadcast %broadcast_in_dim3A_179 : vector<256x1xf32> to vector<256x2048xf32>
    %eq3A_181 = arith.cmpf oeq, %select_n3A_176, %eq3A_180 : vector<256x2048xf32>
    %jit3A_182 = arith.constant 2048 : i32
    %broadcast_in_dim3A_183 = vector.broadcast %jit3A_182 : i32 to vector<256x2048xi32>
    %select_n3A_184 = arith.select %eq3A_181, %iota3A, %broadcast_in_dim3A_183 : vector<256x2048xi1>, vector<256x2048xi32>
    %reduce_min3A_185 = arith.constant dense<2147483647> : vector<256xi32>
    %reduce_min3A_186 = vector.multi_reduction <minsi>, %select_n3A_184, %reduce_min3A_185 [1] : vector<256x2048xi32> to vector<256xi32>
    %broadcast_in_dim3A_187 = vector.shape_cast %reduce_min3A_186 : vector<256xi32> to vector<256x1xi32>
    %eq3A_188 = arith.constant 6 : i32
    %eq3A_189 = vector.broadcast %eq3A_188 : i32 to vector<256x32xi32>
    %eq3A_190 = arith.cmpi eq, %iota3A_25, %eq3A_189 : vector<256x32xi32>
    %mul3A_191 = arith.constant 2048 : i32
    %mul3A_192 = arith.muli %arg0, %mul3A_191 : i32
    %add3A_193 = vector.broadcast %mul3A_192 : i32 to vector<256x1xi32>
    %add3A_194 = arith.addi %broadcast_in_dim3A_187, %add3A_193 : vector<256x1xi32>
    %broadcast_in_dim3A_195 = vector.shape_cast %add3A_194 : vector<256x1xi32> to vector<256x1xi32>
    %broadcast_in_dim3A_196 = vector.broadcast %broadcast_in_dim3A_195 : vector<256x1xi32> to vector<256x32xi32>
    %select_n3A_197 = arith.select %eq3A_190, %broadcast_in_dim3A_196, %select_n3A_171 : vector<256x32xi1>, vector<256x32xi32>
    %eq3A_198 = vector.broadcast %broadcast_in_dim3A_187 : vector<256x1xi32> to vector<256x2048xi32>
    %eq3A_199 = arith.cmpi eq, %iota3A, %eq3A_198 : vector<256x2048xi32>
    %jit3A_200 = arith.constant -3.000000e+38 : f32
    %broadcast_in_dim3A_201 = vector.broadcast %jit3A_200 : f32 to vector<256x2048xf32>
    %select_n3A_202 = arith.select %eq3A_199, %broadcast_in_dim3A_201, %select_n3A_176 : vector<256x2048xi1>, vector<256x2048xf32>
    %reduce_max3A_203 = arith.constant dense<0xFF800000> : vector<256xf32>
    %reduce_max3A_204 = vector.multi_reduction <maximumf>, %select_n3A_202, %reduce_max3A_203 [1] : vector<256x2048xf32> to vector<256xf32>
    %broadcast_in_dim3A_205 = vector.shape_cast %reduce_max3A_204 : vector<256xf32> to vector<256x1xf32>
    %eq3A_206 = vector.broadcast %broadcast_in_dim3A_205 : vector<256x1xf32> to vector<256x2048xf32>
    %eq3A_207 = arith.cmpf oeq, %select_n3A_202, %eq3A_206 : vector<256x2048xf32>
    %jit3A_208 = arith.constant 2048 : i32
    %broadcast_in_dim3A_209 = vector.broadcast %jit3A_208 : i32 to vector<256x2048xi32>
    %select_n3A_210 = arith.select %eq3A_207, %iota3A, %broadcast_in_dim3A_209 : vector<256x2048xi1>, vector<256x2048xi32>
    %reduce_min3A_211 = arith.constant dense<2147483647> : vector<256xi32>
    %reduce_min3A_212 = vector.multi_reduction <minsi>, %select_n3A_210, %reduce_min3A_211 [1] : vector<256x2048xi32> to vector<256xi32>
    %broadcast_in_dim3A_213 = vector.shape_cast %reduce_min3A_212 : vector<256xi32> to vector<256x1xi32>
    %eq3A_214 = arith.constant 7 : i32
    %eq3A_215 = vector.broadcast %eq3A_214 : i32 to vector<256x32xi32>
    %eq3A_216 = arith.cmpi eq, %iota3A_25, %eq3A_215 : vector<256x32xi32>
    %mul3A_217 = arith.constant 2048 : i32
    %mul3A_218 = arith.muli %arg0, %mul3A_217 : i32
    %add3A_219 = vector.broadcast %mul3A_218 : i32 to vector<256x1xi32>
    %add3A_220 = arith.addi %broadcast_in_dim3A_213, %add3A_219 : vector<256x1xi32>
    %broadcast_in_dim3A_221 = vector.shape_cast %add3A_220 : vector<256x1xi32> to vector<256x1xi32>
    %broadcast_in_dim3A_222 = vector.broadcast %broadcast_in_dim3A_221 : vector<256x1xi32> to vector<256x32xi32>
    %select_n3A_223 = arith.select %eq3A_216, %broadcast_in_dim3A_222, %select_n3A_197 : vector<256x32xi1>, vector<256x32xi32>
    %eq3A_224 = vector.broadcast %broadcast_in_dim3A_213 : vector<256x1xi32> to vector<256x2048xi32>
    %eq3A_225 = arith.cmpi eq, %iota3A, %eq3A_224 : vector<256x2048xi32>
    %jit3A_226 = arith.constant -3.000000e+38 : f32
    %broadcast_in_dim3A_227 = vector.broadcast %jit3A_226 : f32 to vector<256x2048xf32>
    %select_n3A_228 = arith.select %eq3A_225, %broadcast_in_dim3A_227, %select_n3A_202 : vector<256x2048xi1>, vector<256x2048xf32>
    %reduce_max3A_229 = arith.constant dense<0xFF800000> : vector<256xf32>
    %reduce_max3A_230 = vector.multi_reduction <maximumf>, %select_n3A_228, %reduce_max3A_229 [1] : vector<256x2048xf32> to vector<256xf32>
    %broadcast_in_dim3A_231 = vector.shape_cast %reduce_max3A_230 : vector<256xf32> to vector<256x1xf32>
    %eq3A_232 = vector.broadcast %broadcast_in_dim3A_231 : vector<256x1xf32> to vector<256x2048xf32>
    %eq3A_233 = arith.cmpf oeq, %select_n3A_228, %eq3A_232 : vector<256x2048xf32>
    %jit3A_234 = arith.constant 2048 : i32
    %broadcast_in_dim3A_235 = vector.broadcast %jit3A_234 : i32 to vector<256x2048xi32>
    %select_n3A_236 = arith.select %eq3A_233, %iota3A, %broadcast_in_dim3A_235 : vector<256x2048xi1>, vector<256x2048xi32>
    %reduce_min3A_237 = arith.constant dense<2147483647> : vector<256xi32>
    %reduce_min3A_238 = vector.multi_reduction <minsi>, %select_n3A_236, %reduce_min3A_237 [1] : vector<256x2048xi32> to vector<256xi32>
    %broadcast_in_dim3A_239 = vector.shape_cast %reduce_min3A_238 : vector<256xi32> to vector<256x1xi32>
    %eq3A_240 = arith.constant 8 : i32
    %eq3A_241 = vector.broadcast %eq3A_240 : i32 to vector<256x32xi32>
    %eq3A_242 = arith.cmpi eq, %iota3A_25, %eq3A_241 : vector<256x32xi32>
    %mul3A_243 = arith.constant 2048 : i32
    %mul3A_244 = arith.muli %arg0, %mul3A_243 : i32
    %add3A_245 = vector.broadcast %mul3A_244 : i32 to vector<256x1xi32>
    %add3A_246 = arith.addi %broadcast_in_dim3A_239, %add3A_245 : vector<256x1xi32>
    %broadcast_in_dim3A_247 = vector.shape_cast %add3A_246 : vector<256x1xi32> to vector<256x1xi32>
    %broadcast_in_dim3A_248 = vector.broadcast %broadcast_in_dim3A_247 : vector<256x1xi32> to vector<256x32xi32>
    %select_n3A_249 = arith.select %eq3A_242, %broadcast_in_dim3A_248, %select_n3A_223 : vector<256x32xi1>, vector<256x32xi32>
    %eq3A_250 = vector.broadcast %broadcast_in_dim3A_239 : vector<256x1xi32> to vector<256x2048xi32>
    %eq3A_251 = arith.cmpi eq, %iota3A, %eq3A_250 : vector<256x2048xi32>
    %jit3A_252 = arith.constant -3.000000e+38 : f32
    %broadcast_in_dim3A_253 = vector.broadcast %jit3A_252 : f32 to vector<256x2048xf32>
    %select_n3A_254 = arith.select %eq3A_251, %broadcast_in_dim3A_253, %select_n3A_228 : vector<256x2048xi1>, vector<256x2048xf32>
    %reduce_max3A_255 = arith.constant dense<0xFF800000> : vector<256xf32>
    %reduce_max3A_256 = vector.multi_reduction <maximumf>, %select_n3A_254, %reduce_max3A_255 [1] : vector<256x2048xf32> to vector<256xf32>
    %broadcast_in_dim3A_257 = vector.shape_cast %reduce_max3A_256 : vector<256xf32> to vector<256x1xf32>
    %eq3A_258 = vector.broadcast %broadcast_in_dim3A_257 : vector<256x1xf32> to vector<256x2048xf32>
    %eq3A_259 = arith.cmpf oeq, %select_n3A_254, %eq3A_258 : vector<256x2048xf32>
    %jit3A_260 = arith.constant 2048 : i32
    %broadcast_in_dim3A_261 = vector.broadcast %jit3A_260 : i32 to vector<256x2048xi32>
    %select_n3A_262 = arith.select %eq3A_259, %iota3A, %broadcast_in_dim3A_261 : vector<256x2048xi1>, vector<256x2048xi32>
    %reduce_min3A_263 = arith.constant dense<2147483647> : vector<256xi32>
    %reduce_min3A_264 = vector.multi_reduction <minsi>, %select_n3A_262, %reduce_min3A_263 [1] : vector<256x2048xi32> to vector<256xi32>
    %broadcast_in_dim3A_265 = vector.shape_cast %reduce_min3A_264 : vector<256xi32> to vector<256x1xi32>
    %eq3A_266 = arith.constant 9 : i32
    %eq3A_267 = vector.broadcast %eq3A_266 : i32 to vector<256x32xi32>
    %eq3A_268 = arith.cmpi eq, %iota3A_25, %eq3A_267 : vector<256x32xi32>
    %mul3A_269 = arith.constant 2048 : i32
    %mul3A_270 = arith.muli %arg0, %mul3A_269 : i32
    %add3A_271 = vector.broadcast %mul3A_270 : i32 to vector<256x1xi32>
    %add3A_272 = arith.addi %broadcast_in_dim3A_265, %add3A_271 : vector<256x1xi32>
    %broadcast_in_dim3A_273 = vector.shape_cast %add3A_272 : vector<256x1xi32> to vector<256x1xi32>
    %broadcast_in_dim3A_274 = vector.broadcast %broadcast_in_dim3A_273 : vector<256x1xi32> to vector<256x32xi32>
    %select_n3A_275 = arith.select %eq3A_268, %broadcast_in_dim3A_274, %select_n3A_249 : vector<256x32xi1>, vector<256x32xi32>
    %eq3A_276 = vector.broadcast %broadcast_in_dim3A_265 : vector<256x1xi32> to vector<256x2048xi32>
    %eq3A_277 = arith.cmpi eq, %iota3A, %eq3A_276 : vector<256x2048xi32>
    %jit3A_278 = arith.constant -3.000000e+38 : f32
    %broadcast_in_dim3A_279 = vector.broadcast %jit3A_278 : f32 to vector<256x2048xf32>
    %select_n3A_280 = arith.select %eq3A_277, %broadcast_in_dim3A_279, %select_n3A_254 : vector<256x2048xi1>, vector<256x2048xf32>
    %reduce_max3A_281 = arith.constant dense<0xFF800000> : vector<256xf32>
    %reduce_max3A_282 = vector.multi_reduction <maximumf>, %select_n3A_280, %reduce_max3A_281 [1] : vector<256x2048xf32> to vector<256xf32>
    %broadcast_in_dim3A_283 = vector.shape_cast %reduce_max3A_282 : vector<256xf32> to vector<256x1xf32>
    %eq3A_284 = vector.broadcast %broadcast_in_dim3A_283 : vector<256x1xf32> to vector<256x2048xf32>
    %eq3A_285 = arith.cmpf oeq, %select_n3A_280, %eq3A_284 : vector<256x2048xf32>
    %jit3A_286 = arith.constant 2048 : i32
    %broadcast_in_dim3A_287 = vector.broadcast %jit3A_286 : i32 to vector<256x2048xi32>
    %select_n3A_288 = arith.select %eq3A_285, %iota3A, %broadcast_in_dim3A_287 : vector<256x2048xi1>, vector<256x2048xi32>
    %reduce_min3A_289 = arith.constant dense<2147483647> : vector<256xi32>
    %reduce_min3A_290 = vector.multi_reduction <minsi>, %select_n3A_288, %reduce_min3A_289 [1] : vector<256x2048xi32> to vector<256xi32>
    %broadcast_in_dim3A_291 = vector.shape_cast %reduce_min3A_290 : vector<256xi32> to vector<256x1xi32>
    %eq3A_292 = arith.constant 10 : i32
    %eq3A_293 = vector.broadcast %eq3A_292 : i32 to vector<256x32xi32>
    %eq3A_294 = arith.cmpi eq, %iota3A_25, %eq3A_293 : vector<256x32xi32>
    %mul3A_295 = arith.constant 2048 : i32
    %mul3A_296 = arith.muli %arg0, %mul3A_295 : i32
    %add3A_297 = vector.broadcast %mul3A_296 : i32 to vector<256x1xi32>
    %add3A_298 = arith.addi %broadcast_in_dim3A_291, %add3A_297 : vector<256x1xi32>
    %broadcast_in_dim3A_299 = vector.shape_cast %add3A_298 : vector<256x1xi32> to vector<256x1xi32>
    %broadcast_in_dim3A_300 = vector.broadcast %broadcast_in_dim3A_299 : vector<256x1xi32> to vector<256x32xi32>
    %select_n3A_301 = arith.select %eq3A_294, %broadcast_in_dim3A_300, %select_n3A_275 : vector<256x32xi1>, vector<256x32xi32>
    %eq3A_302 = vector.broadcast %broadcast_in_dim3A_291 : vector<256x1xi32> to vector<256x2048xi32>
    %eq3A_303 = arith.cmpi eq, %iota3A, %eq3A_302 : vector<256x2048xi32>
    %jit3A_304 = arith.constant -3.000000e+38 : f32
    %broadcast_in_dim3A_305 = vector.broadcast %jit3A_304 : f32 to vector<256x2048xf32>
    %select_n3A_306 = arith.select %eq3A_303, %broadcast_in_dim3A_305, %select_n3A_280 : vector<256x2048xi1>, vector<256x2048xf32>
    %reduce_max3A_307 = arith.constant dense<0xFF800000> : vector<256xf32>
    %reduce_max3A_308 = vector.multi_reduction <maximumf>, %select_n3A_306, %reduce_max3A_307 [1] : vector<256x2048xf32> to vector<256xf32>
    %broadcast_in_dim3A_309 = vector.shape_cast %reduce_max3A_308 : vector<256xf32> to vector<256x1xf32>
    %eq3A_310 = vector.broadcast %broadcast_in_dim3A_309 : vector<256x1xf32> to vector<256x2048xf32>
    %eq3A_311 = arith.cmpf oeq, %select_n3A_306, %eq3A_310 : vector<256x2048xf32>
    %jit3A_312 = arith.constant 2048 : i32
    %broadcast_in_dim3A_313 = vector.broadcast %jit3A_312 : i32 to vector<256x2048xi32>
    %select_n3A_314 = arith.select %eq3A_311, %iota3A, %broadcast_in_dim3A_313 : vector<256x2048xi1>, vector<256x2048xi32>
    %reduce_min3A_315 = arith.constant dense<2147483647> : vector<256xi32>
    %reduce_min3A_316 = vector.multi_reduction <minsi>, %select_n3A_314, %reduce_min3A_315 [1] : vector<256x2048xi32> to vector<256xi32>
    %broadcast_in_dim3A_317 = vector.shape_cast %reduce_min3A_316 : vector<256xi32> to vector<256x1xi32>
    %eq3A_318 = arith.constant 11 : i32
    %eq3A_319 = vector.broadcast %eq3A_318 : i32 to vector<256x32xi32>
    %eq3A_320 = arith.cmpi eq, %iota3A_25, %eq3A_319 : vector<256x32xi32>
    %mul3A_321 = arith.constant 2048 : i32
    %mul3A_322 = arith.muli %arg0, %mul3A_321 : i32
    %add3A_323 = vector.broadcast %mul3A_322 : i32 to vector<256x1xi32>
    %add3A_324 = arith.addi %broadcast_in_dim3A_317, %add3A_323 : vector<256x1xi32>
    %broadcast_in_dim3A_325 = vector.shape_cast %add3A_324 : vector<256x1xi32> to vector<256x1xi32>
    %broadcast_in_dim3A_326 = vector.broadcast %broadcast_in_dim3A_325 : vector<256x1xi32> to vector<256x32xi32>
    %select_n3A_327 = arith.select %eq3A_320, %broadcast_in_dim3A_326, %select_n3A_301 : vector<256x32xi1>, vector<256x32xi32>
    %eq3A_328 = vector.broadcast %broadcast_in_dim3A_317 : vector<256x1xi32> to vector<256x2048xi32>
    %eq3A_329 = arith.cmpi eq, %iota3A, %eq3A_328 : vector<256x2048xi32>
    %jit3A_330 = arith.constant -3.000000e+38 : f32
    %broadcast_in_dim3A_331 = vector.broadcast %jit3A_330 : f32 to vector<256x2048xf32>
    %select_n3A_332 = arith.select %eq3A_329, %broadcast_in_dim3A_331, %select_n3A_306 : vector<256x2048xi1>, vector<256x2048xf32>
    %reduce_max3A_333 = arith.constant dense<0xFF800000> : vector<256xf32>
    %reduce_max3A_334 = vector.multi_reduction <maximumf>, %select_n3A_332, %reduce_max3A_333 [1] : vector<256x2048xf32> to vector<256xf32>
    %broadcast_in_dim3A_335 = vector.shape_cast %reduce_max3A_334 : vector<256xf32> to vector<256x1xf32>
    %eq3A_336 = vector.broadcast %broadcast_in_dim3A_335 : vector<256x1xf32> to vector<256x2048xf32>
    %eq3A_337 = arith.cmpf oeq, %select_n3A_332, %eq3A_336 : vector<256x2048xf32>
    %jit3A_338 = arith.constant 2048 : i32
    %broadcast_in_dim3A_339 = vector.broadcast %jit3A_338 : i32 to vector<256x2048xi32>
    %select_n3A_340 = arith.select %eq3A_337, %iota3A, %broadcast_in_dim3A_339 : vector<256x2048xi1>, vector<256x2048xi32>
    %reduce_min3A_341 = arith.constant dense<2147483647> : vector<256xi32>
    %reduce_min3A_342 = vector.multi_reduction <minsi>, %select_n3A_340, %reduce_min3A_341 [1] : vector<256x2048xi32> to vector<256xi32>
    %broadcast_in_dim3A_343 = vector.shape_cast %reduce_min3A_342 : vector<256xi32> to vector<256x1xi32>
    %eq3A_344 = arith.constant 12 : i32
    %eq3A_345 = vector.broadcast %eq3A_344 : i32 to vector<256x32xi32>
    %eq3A_346 = arith.cmpi eq, %iota3A_25, %eq3A_345 : vector<256x32xi32>
    %mul3A_347 = arith.constant 2048 : i32
    %mul3A_348 = arith.muli %arg0, %mul3A_347 : i32
    %add3A_349 = vector.broadcast %mul3A_348 : i32 to vector<256x1xi32>
    %add3A_350 = arith.addi %broadcast_in_dim3A_343, %add3A_349 : vector<256x1xi32>
    %broadcast_in_dim3A_351 = vector.shape_cast %add3A_350 : vector<256x1xi32> to vector<256x1xi32>
    %broadcast_in_dim3A_352 = vector.broadcast %broadcast_in_dim3A_351 : vector<256x1xi32> to vector<256x32xi32>
    %select_n3A_353 = arith.select %eq3A_346, %broadcast_in_dim3A_352, %select_n3A_327 : vector<256x32xi1>, vector<256x32xi32>
    %eq3A_354 = vector.broadcast %broadcast_in_dim3A_343 : vector<256x1xi32> to vector<256x2048xi32>
    %eq3A_355 = arith.cmpi eq, %iota3A, %eq3A_354 : vector<256x2048xi32>
    %jit3A_356 = arith.constant -3.000000e+38 : f32
    %broadcast_in_dim3A_357 = vector.broadcast %jit3A_356 : f32 to vector<256x2048xf32>
    %select_n3A_358 = arith.select %eq3A_355, %broadcast_in_dim3A_357, %select_n3A_332 : vector<256x2048xi1>, vector<256x2048xf32>
    %reduce_max3A_359 = arith.constant dense<0xFF800000> : vector<256xf32>
    %reduce_max3A_360 = vector.multi_reduction <maximumf>, %select_n3A_358, %reduce_max3A_359 [1] : vector<256x2048xf32> to vector<256xf32>
    %broadcast_in_dim3A_361 = vector.shape_cast %reduce_max3A_360 : vector<256xf32> to vector<256x1xf32>
    %eq3A_362 = vector.broadcast %broadcast_in_dim3A_361 : vector<256x1xf32> to vector<256x2048xf32>
    %eq3A_363 = arith.cmpf oeq, %select_n3A_358, %eq3A_362 : vector<256x2048xf32>
    %jit3A_364 = arith.constant 2048 : i32
    %broadcast_in_dim3A_365 = vector.broadcast %jit3A_364 : i32 to vector<256x2048xi32>
    %select_n3A_366 = arith.select %eq3A_363, %iota3A, %broadcast_in_dim3A_365 : vector<256x2048xi1>, vector<256x2048xi32>
    %reduce_min3A_367 = arith.constant dense<2147483647> : vector<256xi32>
    %reduce_min3A_368 = vector.multi_reduction <minsi>, %select_n3A_366, %reduce_min3A_367 [1] : vector<256x2048xi32> to vector<256xi32>
    %broadcast_in_dim3A_369 = vector.shape_cast %reduce_min3A_368 : vector<256xi32> to vector<256x1xi32>
    %eq3A_370 = arith.constant 13 : i32
    %eq3A_371 = vector.broadcast %eq3A_370 : i32 to vector<256x32xi32>
    %eq3A_372 = arith.cmpi eq, %iota3A_25, %eq3A_371 : vector<256x32xi32>
    %mul3A_373 = arith.constant 2048 : i32
    %mul3A_374 = arith.muli %arg0, %mul3A_373 : i32
    %add3A_375 = vector.broadcast %mul3A_374 : i32 to vector<256x1xi32>
    %add3A_376 = arith.addi %broadcast_in_dim3A_369, %add3A_375 : vector<256x1xi32>
    %broadcast_in_dim3A_377 = vector.shape_cast %add3A_376 : vector<256x1xi32> to vector<256x1xi32>
    %broadcast_in_dim3A_378 = vector.broadcast %broadcast_in_dim3A_377 : vector<256x1xi32> to vector<256x32xi32>
    %select_n3A_379 = arith.select %eq3A_372, %broadcast_in_dim3A_378, %select_n3A_353 : vector<256x32xi1>, vector<256x32xi32>
    %eq3A_380 = vector.broadcast %broadcast_in_dim3A_369 : vector<256x1xi32> to vector<256x2048xi32>
    %eq3A_381 = arith.cmpi eq, %iota3A, %eq3A_380 : vector<256x2048xi32>
    %jit3A_382 = arith.constant -3.000000e+38 : f32
    %broadcast_in_dim3A_383 = vector.broadcast %jit3A_382 : f32 to vector<256x2048xf32>
    %select_n3A_384 = arith.select %eq3A_381, %broadcast_in_dim3A_383, %select_n3A_358 : vector<256x2048xi1>, vector<256x2048xf32>
    %reduce_max3A_385 = arith.constant dense<0xFF800000> : vector<256xf32>
    %reduce_max3A_386 = vector.multi_reduction <maximumf>, %select_n3A_384, %reduce_max3A_385 [1] : vector<256x2048xf32> to vector<256xf32>
    %broadcast_in_dim3A_387 = vector.shape_cast %reduce_max3A_386 : vector<256xf32> to vector<256x1xf32>
    %eq3A_388 = vector.broadcast %broadcast_in_dim3A_387 : vector<256x1xf32> to vector<256x2048xf32>
    %eq3A_389 = arith.cmpf oeq, %select_n3A_384, %eq3A_388 : vector<256x2048xf32>
    %jit3A_390 = arith.constant 2048 : i32
    %broadcast_in_dim3A_391 = vector.broadcast %jit3A_390 : i32 to vector<256x2048xi32>
    %select_n3A_392 = arith.select %eq3A_389, %iota3A, %broadcast_in_dim3A_391 : vector<256x2048xi1>, vector<256x2048xi32>
    %reduce_min3A_393 = arith.constant dense<2147483647> : vector<256xi32>
    %reduce_min3A_394 = vector.multi_reduction <minsi>, %select_n3A_392, %reduce_min3A_393 [1] : vector<256x2048xi32> to vector<256xi32>
    %broadcast_in_dim3A_395 = vector.shape_cast %reduce_min3A_394 : vector<256xi32> to vector<256x1xi32>
    %eq3A_396 = arith.constant 14 : i32
    %eq3A_397 = vector.broadcast %eq3A_396 : i32 to vector<256x32xi32>
    %eq3A_398 = arith.cmpi eq, %iota3A_25, %eq3A_397 : vector<256x32xi32>
    %mul3A_399 = arith.constant 2048 : i32
    %mul3A_400 = arith.muli %arg0, %mul3A_399 : i32
    %add3A_401 = vector.broadcast %mul3A_400 : i32 to vector<256x1xi32>
    %add3A_402 = arith.addi %broadcast_in_dim3A_395, %add3A_401 : vector<256x1xi32>
    %broadcast_in_dim3A_403 = vector.shape_cast %add3A_402 : vector<256x1xi32> to vector<256x1xi32>
    %broadcast_in_dim3A_404 = vector.broadcast %broadcast_in_dim3A_403 : vector<256x1xi32> to vector<256x32xi32>
    %select_n3A_405 = arith.select %eq3A_398, %broadcast_in_dim3A_404, %select_n3A_379 : vector<256x32xi1>, vector<256x32xi32>
    %eq3A_406 = vector.broadcast %broadcast_in_dim3A_395 : vector<256x1xi32> to vector<256x2048xi32>
    %eq3A_407 = arith.cmpi eq, %iota3A, %eq3A_406 : vector<256x2048xi32>
    %jit3A_408 = arith.constant -3.000000e+38 : f32
    %broadcast_in_dim3A_409 = vector.broadcast %jit3A_408 : f32 to vector<256x2048xf32>
    %select_n3A_410 = arith.select %eq3A_407, %broadcast_in_dim3A_409, %select_n3A_384 : vector<256x2048xi1>, vector<256x2048xf32>
    %reduce_max3A_411 = arith.constant dense<0xFF800000> : vector<256xf32>
    %reduce_max3A_412 = vector.multi_reduction <maximumf>, %select_n3A_410, %reduce_max3A_411 [1] : vector<256x2048xf32> to vector<256xf32>
    %broadcast_in_dim3A_413 = vector.shape_cast %reduce_max3A_412 : vector<256xf32> to vector<256x1xf32>
    %eq3A_414 = vector.broadcast %broadcast_in_dim3A_413 : vector<256x1xf32> to vector<256x2048xf32>
    %eq3A_415 = arith.cmpf oeq, %select_n3A_410, %eq3A_414 : vector<256x2048xf32>
    %jit3A_416 = arith.constant 2048 : i32
    %broadcast_in_dim3A_417 = vector.broadcast %jit3A_416 : i32 to vector<256x2048xi32>
    %select_n3A_418 = arith.select %eq3A_415, %iota3A, %broadcast_in_dim3A_417 : vector<256x2048xi1>, vector<256x2048xi32>
    %reduce_min3A_419 = arith.constant dense<2147483647> : vector<256xi32>
    %reduce_min3A_420 = vector.multi_reduction <minsi>, %select_n3A_418, %reduce_min3A_419 [1] : vector<256x2048xi32> to vector<256xi32>
    %broadcast_in_dim3A_421 = vector.shape_cast %reduce_min3A_420 : vector<256xi32> to vector<256x1xi32>
    %eq3A_422 = arith.constant 15 : i32
    %eq3A_423 = vector.broadcast %eq3A_422 : i32 to vector<256x32xi32>
    %eq3A_424 = arith.cmpi eq, %iota3A_25, %eq3A_423 : vector<256x32xi32>
    %mul3A_425 = arith.constant 2048 : i32
    %mul3A_426 = arith.muli %arg0, %mul3A_425 : i32
    %add3A_427 = vector.broadcast %mul3A_426 : i32 to vector<256x1xi32>
    %add3A_428 = arith.addi %broadcast_in_dim3A_421, %add3A_427 : vector<256x1xi32>
    %broadcast_in_dim3A_429 = vector.shape_cast %add3A_428 : vector<256x1xi32> to vector<256x1xi32>
    %broadcast_in_dim3A_430 = vector.broadcast %broadcast_in_dim3A_429 : vector<256x1xi32> to vector<256x32xi32>
    %select_n3A_431 = arith.select %eq3A_424, %broadcast_in_dim3A_430, %select_n3A_405 : vector<256x32xi1>, vector<256x32xi32>
    %eq3A_432 = vector.broadcast %broadcast_in_dim3A_421 : vector<256x1xi32> to vector<256x2048xi32>
    %eq3A_433 = arith.cmpi eq, %iota3A, %eq3A_432 : vector<256x2048xi32>
    %jit3A_434 = arith.constant -3.000000e+38 : f32
    %broadcast_in_dim3A_435 = vector.broadcast %jit3A_434 : f32 to vector<256x2048xf32>
    %select_n3A_436 = arith.select %eq3A_433, %broadcast_in_dim3A_435, %select_n3A_410 : vector<256x2048xi1>, vector<256x2048xf32>
    %reduce_max3A_437 = arith.constant dense<0xFF800000> : vector<256xf32>
    %reduce_max3A_438 = vector.multi_reduction <maximumf>, %select_n3A_436, %reduce_max3A_437 [1] : vector<256x2048xf32> to vector<256xf32>
    %broadcast_in_dim3A_439 = vector.shape_cast %reduce_max3A_438 : vector<256xf32> to vector<256x1xf32>
    %eq3A_440 = vector.broadcast %broadcast_in_dim3A_439 : vector<256x1xf32> to vector<256x2048xf32>
    %eq3A_441 = arith.cmpf oeq, %select_n3A_436, %eq3A_440 : vector<256x2048xf32>
    %jit3A_442 = arith.constant 2048 : i32
    %broadcast_in_dim3A_443 = vector.broadcast %jit3A_442 : i32 to vector<256x2048xi32>
    %select_n3A_444 = arith.select %eq3A_441, %iota3A, %broadcast_in_dim3A_443 : vector<256x2048xi1>, vector<256x2048xi32>
    %reduce_min3A_445 = arith.constant dense<2147483647> : vector<256xi32>
    %reduce_min3A_446 = vector.multi_reduction <minsi>, %select_n3A_444, %reduce_min3A_445 [1] : vector<256x2048xi32> to vector<256xi32>
    %broadcast_in_dim3A_447 = vector.shape_cast %reduce_min3A_446 : vector<256xi32> to vector<256x1xi32>
    %eq3A_448 = arith.constant 16 : i32
    %eq3A_449 = vector.broadcast %eq3A_448 : i32 to vector<256x32xi32>
    %eq3A_450 = arith.cmpi eq, %iota3A_25, %eq3A_449 : vector<256x32xi32>
    %mul3A_451 = arith.constant 2048 : i32
    %mul3A_452 = arith.muli %arg0, %mul3A_451 : i32
    %add3A_453 = vector.broadcast %mul3A_452 : i32 to vector<256x1xi32>
    %add3A_454 = arith.addi %broadcast_in_dim3A_447, %add3A_453 : vector<256x1xi32>
    %broadcast_in_dim3A_455 = vector.shape_cast %add3A_454 : vector<256x1xi32> to vector<256x1xi32>
    %broadcast_in_dim3A_456 = vector.broadcast %broadcast_in_dim3A_455 : vector<256x1xi32> to vector<256x32xi32>
    %select_n3A_457 = arith.select %eq3A_450, %broadcast_in_dim3A_456, %select_n3A_431 : vector<256x32xi1>, vector<256x32xi32>
    %eq3A_458 = vector.broadcast %broadcast_in_dim3A_447 : vector<256x1xi32> to vector<256x2048xi32>
    %eq3A_459 = arith.cmpi eq, %iota3A, %eq3A_458 : vector<256x2048xi32>
    %jit3A_460 = arith.constant -3.000000e+38 : f32
    %broadcast_in_dim3A_461 = vector.broadcast %jit3A_460 : f32 to vector<256x2048xf32>
    %select_n3A_462 = arith.select %eq3A_459, %broadcast_in_dim3A_461, %select_n3A_436 : vector<256x2048xi1>, vector<256x2048xf32>
    %reduce_max3A_463 = arith.constant dense<0xFF800000> : vector<256xf32>
    %reduce_max3A_464 = vector.multi_reduction <maximumf>, %select_n3A_462, %reduce_max3A_463 [1] : vector<256x2048xf32> to vector<256xf32>
    %broadcast_in_dim3A_465 = vector.shape_cast %reduce_max3A_464 : vector<256xf32> to vector<256x1xf32>
    %eq3A_466 = vector.broadcast %broadcast_in_dim3A_465 : vector<256x1xf32> to vector<256x2048xf32>
    %eq3A_467 = arith.cmpf oeq, %select_n3A_462, %eq3A_466 : vector<256x2048xf32>
    %jit3A_468 = arith.constant 2048 : i32
    %broadcast_in_dim3A_469 = vector.broadcast %jit3A_468 : i32 to vector<256x2048xi32>
    %select_n3A_470 = arith.select %eq3A_467, %iota3A, %broadcast_in_dim3A_469 : vector<256x2048xi1>, vector<256x2048xi32>
    %reduce_min3A_471 = arith.constant dense<2147483647> : vector<256xi32>
    %reduce_min3A_472 = vector.multi_reduction <minsi>, %select_n3A_470, %reduce_min3A_471 [1] : vector<256x2048xi32> to vector<256xi32>
    %broadcast_in_dim3A_473 = vector.shape_cast %reduce_min3A_472 : vector<256xi32> to vector<256x1xi32>
    %eq3A_474 = arith.constant 17 : i32
    %eq3A_475 = vector.broadcast %eq3A_474 : i32 to vector<256x32xi32>
    %eq3A_476 = arith.cmpi eq, %iota3A_25, %eq3A_475 : vector<256x32xi32>
    %mul3A_477 = arith.constant 2048 : i32
    %mul3A_478 = arith.muli %arg0, %mul3A_477 : i32
    %add3A_479 = vector.broadcast %mul3A_478 : i32 to vector<256x1xi32>
    %add3A_480 = arith.addi %broadcast_in_dim3A_473, %add3A_479 : vector<256x1xi32>
    %broadcast_in_dim3A_481 = vector.shape_cast %add3A_480 : vector<256x1xi32> to vector<256x1xi32>
    %broadcast_in_dim3A_482 = vector.broadcast %broadcast_in_dim3A_481 : vector<256x1xi32> to vector<256x32xi32>
    %select_n3A_483 = arith.select %eq3A_476, %broadcast_in_dim3A_482, %select_n3A_457 : vector<256x32xi1>, vector<256x32xi32>
    %eq3A_484 = vector.broadcast %broadcast_in_dim3A_473 : vector<256x1xi32> to vector<256x2048xi32>
    %eq3A_485 = arith.cmpi eq, %iota3A, %eq3A_484 : vector<256x2048xi32>
    %jit3A_486 = arith.constant -3.000000e+38 : f32
    %broadcast_in_dim3A_487 = vector.broadcast %jit3A_486 : f32 to vector<256x2048xf32>
    %select_n3A_488 = arith.select %eq3A_485, %broadcast_in_dim3A_487, %select_n3A_462 : vector<256x2048xi1>, vector<256x2048xf32>
    %reduce_max3A_489 = arith.constant dense<0xFF800000> : vector<256xf32>
    %reduce_max3A_490 = vector.multi_reduction <maximumf>, %select_n3A_488, %reduce_max3A_489 [1] : vector<256x2048xf32> to vector<256xf32>
    %broadcast_in_dim3A_491 = vector.shape_cast %reduce_max3A_490 : vector<256xf32> to vector<256x1xf32>
    %eq3A_492 = vector.broadcast %broadcast_in_dim3A_491 : vector<256x1xf32> to vector<256x2048xf32>
    %eq3A_493 = arith.cmpf oeq, %select_n3A_488, %eq3A_492 : vector<256x2048xf32>
    %jit3A_494 = arith.constant 2048 : i32
    %broadcast_in_dim3A_495 = vector.broadcast %jit3A_494 : i32 to vector<256x2048xi32>
    %select_n3A_496 = arith.select %eq3A_493, %iota3A, %broadcast_in_dim3A_495 : vector<256x2048xi1>, vector<256x2048xi32>
    %reduce_min3A_497 = arith.constant dense<2147483647> : vector<256xi32>
    %reduce_min3A_498 = vector.multi_reduction <minsi>, %select_n3A_496, %reduce_min3A_497 [1] : vector<256x2048xi32> to vector<256xi32>
    %broadcast_in_dim3A_499 = vector.shape_cast %reduce_min3A_498 : vector<256xi32> to vector<256x1xi32>
    %eq3A_500 = arith.constant 18 : i32
    %eq3A_501 = vector.broadcast %eq3A_500 : i32 to vector<256x32xi32>
    %eq3A_502 = arith.cmpi eq, %iota3A_25, %eq3A_501 : vector<256x32xi32>
    %mul3A_503 = arith.constant 2048 : i32
    %mul3A_504 = arith.muli %arg0, %mul3A_503 : i32
    %add3A_505 = vector.broadcast %mul3A_504 : i32 to vector<256x1xi32>
    %add3A_506 = arith.addi %broadcast_in_dim3A_499, %add3A_505 : vector<256x1xi32>
    %broadcast_in_dim3A_507 = vector.shape_cast %add3A_506 : vector<256x1xi32> to vector<256x1xi32>
    %broadcast_in_dim3A_508 = vector.broadcast %broadcast_in_dim3A_507 : vector<256x1xi32> to vector<256x32xi32>
    %select_n3A_509 = arith.select %eq3A_502, %broadcast_in_dim3A_508, %select_n3A_483 : vector<256x32xi1>, vector<256x32xi32>
    %eq3A_510 = vector.broadcast %broadcast_in_dim3A_499 : vector<256x1xi32> to vector<256x2048xi32>
    %eq3A_511 = arith.cmpi eq, %iota3A, %eq3A_510 : vector<256x2048xi32>
    %jit3A_512 = arith.constant -3.000000e+38 : f32
    %broadcast_in_dim3A_513 = vector.broadcast %jit3A_512 : f32 to vector<256x2048xf32>
    %select_n3A_514 = arith.select %eq3A_511, %broadcast_in_dim3A_513, %select_n3A_488 : vector<256x2048xi1>, vector<256x2048xf32>
    %reduce_max3A_515 = arith.constant dense<0xFF800000> : vector<256xf32>
    %reduce_max3A_516 = vector.multi_reduction <maximumf>, %select_n3A_514, %reduce_max3A_515 [1] : vector<256x2048xf32> to vector<256xf32>
    %broadcast_in_dim3A_517 = vector.shape_cast %reduce_max3A_516 : vector<256xf32> to vector<256x1xf32>
    %eq3A_518 = vector.broadcast %broadcast_in_dim3A_517 : vector<256x1xf32> to vector<256x2048xf32>
    %eq3A_519 = arith.cmpf oeq, %select_n3A_514, %eq3A_518 : vector<256x2048xf32>
    %jit3A_520 = arith.constant 2048 : i32
    %broadcast_in_dim3A_521 = vector.broadcast %jit3A_520 : i32 to vector<256x2048xi32>
    %select_n3A_522 = arith.select %eq3A_519, %iota3A, %broadcast_in_dim3A_521 : vector<256x2048xi1>, vector<256x2048xi32>
    %reduce_min3A_523 = arith.constant dense<2147483647> : vector<256xi32>
    %reduce_min3A_524 = vector.multi_reduction <minsi>, %select_n3A_522, %reduce_min3A_523 [1] : vector<256x2048xi32> to vector<256xi32>
    %broadcast_in_dim3A_525 = vector.shape_cast %reduce_min3A_524 : vector<256xi32> to vector<256x1xi32>
    %eq3A_526 = arith.constant 19 : i32
    %eq3A_527 = vector.broadcast %eq3A_526 : i32 to vector<256x32xi32>
    %eq3A_528 = arith.cmpi eq, %iota3A_25, %eq3A_527 : vector<256x32xi32>
    %mul3A_529 = arith.constant 2048 : i32
    %mul3A_530 = arith.muli %arg0, %mul3A_529 : i32
    %add3A_531 = vector.broadcast %mul3A_530 : i32 to vector<256x1xi32>
    %add3A_532 = arith.addi %broadcast_in_dim3A_525, %add3A_531 : vector<256x1xi32>
    %broadcast_in_dim3A_533 = vector.shape_cast %add3A_532 : vector<256x1xi32> to vector<256x1xi32>
    %broadcast_in_dim3A_534 = vector.broadcast %broadcast_in_dim3A_533 : vector<256x1xi32> to vector<256x32xi32>
    %select_n3A_535 = arith.select %eq3A_528, %broadcast_in_dim3A_534, %select_n3A_509 : vector<256x32xi1>, vector<256x32xi32>
    %swap3A = arith.constant 0 : index
    %swap3A_536 = arith.constant 0 : index
    %swap3A_537 = arith.constant 0 : index
    %swap3A_538 = vector.load %arg6[%swap3A, %swap3A_536, %swap3A_537] : memref<1x256x32xi32, #tpu.memory_space<vmem>>, vector<1x256x32xi32>
    %swap3A_539 = vector.shape_cast %swap3A_538 : vector<1x256x32xi32> to vector<256x32xi32>
    %swap3A_540 = vector.shape_cast %select_n3A_535 : vector<256x32xi32> to vector<1x256x32xi32>
    tpu.vector_store %arg6[%swap3A, %swap3A_536, %swap3A_537], %swap3A_540 {strides = array<i32>} : memref<1x256x32xi32, #tpu.memory_space<vmem>>, vector<1x256x32xi32>,
    return
  }
  func.func @transform_0(%arg0: i32, %arg1: i32) -> (i32, i32, i32) {
    %c0_i32 = arith.constant 0 : i32
    %c0_i32_0 = arith.constant 0 : i32
    return %arg0, %arg1, %c0_i32 : i32, i32, i32
  }
  func.func @transform_1(%arg0: i32, %arg1: i32) -> (i32, i32, i32) {
    %c0_i32 = arith.constant 0 : i32
    %c0_i32_0 = arith.constant 0 : i32
    %c0_i32_1 = arith.constant 0 : i32
    return %arg0, %c0_i32, %c0_i32_0 : i32, i32, i32
  }
  func.func @transform_2(%arg0: i32, %arg1: i32) -> (i32, i32, i32) {
    %c0_i32 = arith.constant 0 : i32
    %c0_i32_0 = arith.constant 0 : i32
    %c0_i32_1 = arith.constant 0 : i32
    return %arg0, %c0_i32, %c0_i32_0 : i32, i32, i32
  }
  func.func @transform_3(%arg0: i32, %arg1: i32) -> (i32, i32, i32) {
    %c0_i32 = arith.constant 0 : i32
    %c0_i32_0 = arith.constant 0 : i32
    return %arg0, %arg1, %c0_i32 : i32, i32, i32
  }
  func.func @transform_4(%arg0: i32, %arg1: i32) -> (i32, i32, i32) {
    %c0_i32 = arith.constant 0 : i32
    %c0_i32_0 = arith.constant 0 : i32
    return %arg0, %arg1, %c0_i32 : i32, i32, i32
  }
}

module attributes {stable_mosaic.version = 14 : i64} {
  func.func @_xx_body(%arg0: i32, %arg1: memref<1x256x2048xf32, #tpu.memory_space<vmem>>, %arg2: memref<1x1x2048xf32, #tpu.memory_space<vmem>>) attributes {dimension_semantics = [#tpu.dimension_semantics<arbitrary>], iteration_bounds = array<i64: 8>, scalar_prefetch = 0 : i64, scratch_operands = 0 : i64, tpu.core_type = #tpu.core_type<tc>, window_params = [{transform_indices = @transform_0, window_bounds = array<i64: 1, 256, 2048>}, {transform_indices = @transform_1, window_bounds = array<i64: 1, 1, 2048>}]} {
    %get3A = arith.constant 0 : index
    %get3A_0 = arith.constant 0 : index
    %get3A_1 = arith.constant 0 : index
    %get3A_2 = vector.load %arg1[%get3A, %get3A_0, %get3A_1] : memref<1x256x2048xf32, #tpu.memory_space<vmem>>, vector<1x256x2048xf32>
    %get3A_3 = vector.shape_cast %get3A_2 : vector<1x256x2048xf32> to vector<256x2048xf32>
    %mul3A = arith.mulf %get3A_3, %get3A_3 : vector<256x2048xf32>
    %reduce_sum3A = arith.constant dense<0.000000e+00> : vector<2048xf32>
    %reduce_sum3A_4 = vector.multi_reduction <add>, %mul3A, %reduce_sum3A [0] : vector<256x2048xf32> to vector<2048xf32>
    %broadcast_in_dim3A = vector.shape_cast %reduce_sum3A_4 : vector<2048xf32> to vector<1x2048xf32>
    %swap3A = arith.constant 0 : index
    %swap3A_5 = arith.constant 0 : index
    %swap3A_6 = arith.constant 0 : index
    %swap3A_7 = vector.load %arg2[%swap3A, %swap3A_5, %swap3A_6] : memref<1x1x2048xf32, #tpu.memory_space<vmem>>, vector<1x1x2048xf32>
    %swap3A_8 = vector.shape_cast %swap3A_7 : vector<1x1x2048xf32> to vector<1x2048xf32>
    %swap3A_9 = vector.shape_cast %broadcast_in_dim3A : vector<1x2048xf32> to vector<1x1x2048xf32>
    tpu.vector_store %arg2[%swap3A, %swap3A_5, %swap3A_6], %swap3A_9 {strides = array<i32>} : memref<1x1x2048xf32, #tpu.memory_space<vmem>>, vector<1x1x2048xf32>,
    return
  }
  func.func @transform_0(%arg0: i32) -> (i32, i32, i32) {
    %c0_i32 = arith.constant 0 : i32
    %c0_i32_0 = arith.constant 0 : i32
    %c0_i32_1 = arith.constant 0 : i32
    return %arg0, %c0_i32, %c0_i32_0 : i32, i32, i32
  }
  func.func @transform_1(%arg0: i32) -> (i32, i32, i32) {
    %c0_i32 = arith.constant 0 : i32
    %c0_i32_0 = arith.constant 0 : i32
    %c0_i32_1 = arith.constant 0 : i32
    return %arg0, %c0_i32, %c0_i32_0 : i32, i32, i32
  }
}

module attributes {stable_mosaic.version = 14 : i64} {
  func.func @_knn_body(%arg0: i32, %arg1: i32, %arg2: memref<1x256x256xf32, #tpu.memory_space<vmem>>, %arg3: memref<1x256x2048xf32, #tpu.memory_space<vmem>>, %arg4: memref<1x1x2048xf32, #tpu.memory_space<vmem>>, %arg5: memref<1x256x1xf32, #tpu.memory_space<vmem>>, %arg6: memref<1x256x32xi32, #tpu.memory_space<vmem>>) attributes {dimension_semantics = [#tpu.dimension_semantics<arbitrary>, #tpu.dimension_semantics<arbitrary>], iteration_bounds = array<i64: 8, 8>, scalar_prefetch = 0 : i64, scratch_operands = 0 : i64, tpu.core_type = #tpu.core_type<tc>, window_params = [{transform_indices = @transform_0, window_bounds = array<i64: 1, 256, 256>}, {transform_indices = @transform_1, window_bounds = array<i64: 1, 256, 2048>}, {transform_indices = @transform_2, window_bounds = array<i64: 1, 1, 2048>}, {transform_indices = @transform_3, window_bounds = array<i64: 1, 256, 1>}, {transform_indices = @transform_4, window_bounds = array<i64: 1, 256, 32>}]} {
    %get3A = arith.constant 0 : index
    %get3A_0 = arith.constant 0 : index
    %get3A_1 = arith.constant 0 : index
    %get3A_2 = vector.load %arg2[%get3A, %get3A_0, %get3A_1] : memref<1x256x256xf32, #tpu.memory_space<vmem>>, vector<1x256x256xf32>
    %get3A_3 = vector.shape_cast %get3A_2 : vector<1x256x256xf32> to vector<256x256xf32>
    %get3A_4 = arith.constant 0 : index
    %get3A_5 = arith.constant 0 : index
    %get3A_6 = arith.constant 0 : index
    %get3A_7 = vector.load %arg3[%get3A_4, %get3A_5, %get3A_6] : memref<1x256x2048xf32, #tpu.memory_space<vmem>>, vector<1x256x2048xf32>
    %get3A_8 = vector.shape_cast %get3A_7 : vector<1x256x2048xf32> to vector<256x2048xf32>
    %dot_general3A = arith.constant dense<0.000000e+00> : vector<256x2048xf32>
    %dot_general3A_9 = tpu.matmul %get3A_3, %get3A_8, %dot_general3A {dimension_numbers = #tpu.dot_dimension_numbers<[1], [0], [0], [1], [0, 0, 1, 1], [], []>, transpose_lhs_hint = false} : vector<256x256xf32>, vector<256x2048xf32>, vector<256x2048xf32> -> vector<256x2048xf32>
    %mul3A = arith.constant 2.000000e+00 : f32
    %mul3A_10 = vector.broadcast %mul3A : f32 to vector<256x2048xf32>
    %mul3A_11 = arith.mulf %mul3A_10, %dot_general3A_9 : vector<256x2048xf32>
    %get3A_12 = arith.constant 0 : index
    %get3A_13 = arith.constant 0 : index
    %get3A_14 = arith.constant 0 : index
    %get3A_15 = vector.load %arg4[%get3A_12, %get3A_13, %get3A_14] : memref<1x1x2048xf32, #tpu.memory_space<vmem>>, vector<1x1x2048xf32>
    %get3A_16 = vector.shape_cast %get3A_15 : vector<1x1x2048xf32> to vector<1x2048xf32>
    %sub3A = vector.broadcast %get3A_16 : vector<1x2048xf32> to vector<256x2048xf32>
    %sub3A_17 = arith.subf %mul3A_11, %sub3A : vector<256x2048xf32>
    %get3A_18 = arith.constant 0 : index
    %get3A_19 = arith.constant 0 : index
    %get3A_20 = arith.constant 0 : index
    %get3A_21 = vector.load %arg5[%get3A_18, %get3A_19, %get3A_20] : memref<1x256x1xf32, #tpu.memory_space<vmem>>, vector<1x256x1xf32>
    %get3A_22 = vector.shape_cast %get3A_21 : vector<1x256x1xf32> to vector<256x1xf32>
    %sub3A_23 = vector.broadcast %get3A_22 : vector<256x1xf32> to vector<256x2048xf32>
    %sub3A_24 = arith.subf %sub3A_17, %sub3A_23 : vector<256x2048xf32>
    %iota3A = tpu.iota {dimensions = array<i32: 1>} : vector<256x2048xi32>
    %iota3A_25 = tpu.iota {dimensions = array<i32: 1>} : vector<256x32xi32>
    %broadcast_in_dim3A = arith.constant 0 : i32
    %broadcast_in_dim3A_26 = vector.broadcast %broadcast_in_dim3A : i32 to vector<256x32xi32>
    %reduce_max3A = arith.constant dense<0xFF800000> : vector<256xf32>
    %reduce_max3A_27 = vector.multi_reduction <maximumf>, %sub3A_24, %reduce_max3A [1] : vector<256x2048xf32> to vector<256xf32>
    %broadcast_in_dim3A_28 = vector.shape_cast %reduce_max3A_27 : vector<256xf32> to vector<256x1xf32>
    %eq3A = vector.broadcast %broadcast_in_dim3A_28 : vector<256x1xf32> to vector<256x2048xf32>
    %eq3A_29 = arith.cmpf oeq, %sub3A_24, %eq3A : vector<256x2048xf32>
    %jit3A = arith.constant 2048 : i32
    %broadcast_in_dim3A_30 = vector.broadcast %jit3A : i32 to vector<256x2048xi32>
    %select_n3A = arith.select %eq3A_29, %iota3A, %broadcast_in_dim3A_30 : vector<256x2048xi1>, vector<256x2048xi32>
    %reduce_min3A = arith.constant dense<2147483647> : vector<256xi32>
    %reduce_min3A_31 = vector.multi_reduction <minsi>, %select_n3A, %reduce_min3A [1] : vector<256x2048xi32> to vector<256xi32>
    %broadcast_in_dim3A_32 = vector.shape_cast %reduce_min3A_31 : vector<256xi32> to vector<256x1xi32>
    %eq3A_33 = arith.constant 0 : i32
    %eq3A_34 = vector.broadcast %eq3A_33 : i32 to vector<256x32xi32>
    %eq3A_35 = arith.cmpi eq, %iota3A_25, %eq3A_34 : vector<256x32xi32>
    %mul3A_36 = arith.constant 2048 : i32
    %mul3A_37 = arith.muli %arg0, %mul3A_36 : i32
    %add3A = vector.broadcast %mul3A_37 : i32 to vector<256x1xi32>
    %add3A_38 = arith.addi %broadcast_in_dim3A_32, %add3A : vector<256x1xi32>
    %broadcast_in_dim3A_39 = vector.shape_cast %add3A_38 : vector<256x1xi32> to vector<256x1xi32>
    %broadcast_in_dim3A_40 = vector.broadcast %broadcast_in_dim3A_39 : vector<256x1xi32> to vector<256x32xi32>
    %select_n3A_41 = arith.select %eq3A_35, %broadcast_in_dim3A_40, %broadcast_in_dim3A_26 : vector<256x32xi1>, vector<256x32xi32>
    %eq3A_42 = vector.broadcast %broadcast_in_dim3A_32 : vector<256x1xi32> to vector<256x2048xi32>
    %eq3A_43 = arith.cmpi eq, %iota3A, %eq3A_42 : vector<256x2048xi32>
    %jit3A_44 = arith.constant -3.000000e+38 : f32
    %broadcast_in_dim3A_45 = vector.broadcast %jit3A_44 : f32 to vector<256x2048xf32>
    %select_n3A_46 = arith.select %eq3A_43, %broadcast_in_dim3A_45, %sub3A_24 : vector<256x2048xi1>, vector<256x2048xf32>
    %reduce_max3A_47 = arith.constant dense<0xFF800000> : vector<256xf32>
    %reduce_max3A_48 = vector.multi_reduction <maximumf>, %select_n3A_46, %reduce_max3A_47 [1] : vector<256x2048xf32> to vector<256xf32>
    %broadcast_in_dim3A_49 = vector.shape_cast %reduce_max3A_48 : vector<256xf32> to vector<256x1xf32>
    %eq3A_50 = vector.broadcast %broadcast_in_dim3A_49 : vector<256x1xf32> to vector<256x2048xf32>
    %eq3A_51 = arith.cmpf oeq, %select_n3A_46, %eq3A_50 : vector<256x2048xf32>
    %jit3A_52 = arith.constant 2048 : i32
    %broadcast_in_dim3A_53 = vector.broadcast %jit3A_52 : i32 to vector<256x2048xi32>
    %select_n3A_54 = arith.select %eq3A_51, %iota3A, %broadcast_in_dim3A_53 : vector<256x2048xi1>, vector<256x2048xi32>
    %reduce_min3A_55 = arith.constant dense<2147483647> : vector<256xi32>
    %reduce_min3A_56 = vector.multi_reduction <minsi>, %select_n3A_54, %reduce_min3A_55 [1] : vector<256x2048xi32> to vector<256xi32>
    %broadcast_in_dim3A_57 = vector.shape_cast %reduce_min3A_56 : vector<256xi32> to vector<256x1xi32>
    %eq3A_58 = arith.constant 1 : i32
    %eq3A_59 = vector.broadcast %eq3A_58 : i32 to vector<256x32xi32>
    %eq3A_60 = arith.cmpi eq, %iota3A_25, %eq3A_59 : vector<256x32xi32>
    %mul3A_61 = arith.constant 2048 : i32
    %mul3A_62 = arith.muli %arg0, %mul3A_61 : i32
    %add3A_63 = vector.broadcast %mul3A_62 : i32 to vector<256x1xi32>
    %add3A_64 = arith.addi %broadcast_in_dim3A_57, %add3A_63 : vector<256x1xi32>
    %broadcast_in_dim3A_65 = vector.shape_cast %add3A_64 : vector<256x1xi32> to vector<256x1xi32>
    %broadcast_in_dim3A_66 = vector.broadcast %broadcast_in_dim3A_65 : vector<256x1xi32> to vector<256x32xi32>
    %select_n3A_67 = arith.select %eq3A_60, %broadcast_in_dim3A_66, %select_n3A_41 : vector<256x32xi1>, vector<256x32xi32>
    %eq3A_68 = vector.broadcast %broadcast_in_dim3A_57 : vector<256x1xi32> to vector<256x2048xi32>
    %eq3A_69 = arith.cmpi eq, %iota3A, %eq3A_68 : vector<256x2048xi32>
    %jit3A_70 = arith.constant -3.000000e+38 : f32
    %broadcast_in_dim3A_71 = vector.broadcast %jit3A_70 : f32 to vector<256x2048xf32>
    %select_n3A_72 = arith.select %eq3A_69, %broadcast_in_dim3A_71, %select_n3A_46 : vector<256x2048xi1>, vector<256x2048xf32>
    %reduce_max3A_73 = arith.constant dense<0xFF800000> : vector<256xf32>
    %reduce_max3A_74 = vector.multi_reduction <maximumf>, %select_n3A_72, %reduce_max3A_73 [1] : vector<256x2048xf32> to vector<256xf32>
    %broadcast_in_dim3A_75 = vector.shape_cast %reduce_max3A_74 : vector<256xf32> to vector<256x1xf32>
    %eq3A_76 = vector.broadcast %broadcast_in_dim3A_75 : vector<256x1xf32> to vector<256x2048xf32>
    %eq3A_77 = arith.cmpf oeq, %select_n3A_72, %eq3A_76 : vector<256x2048xf32>
    %jit3A_78 = arith.constant 2048 : i32
    %broadcast_in_dim3A_79 = vector.broadcast %jit3A_78 : i32 to vector<256x2048xi32>
    %select_n3A_80 = arith.select %eq3A_77, %iota3A, %broadcast_in_dim3A_79 : vector<256x2048xi1>, vector<256x2048xi32>
    %reduce_min3A_81 = arith.constant dense<2147483647> : vector<256xi32>
    %reduce_min3A_82 = vector.multi_reduction <minsi>, %select_n3A_80, %reduce_min3A_81 [1] : vector<256x2048xi32> to vector<256xi32>
    %broadcast_in_dim3A_83 = vector.shape_cast %reduce_min3A_82 : vector<256xi32> to vector<256x1xi32>
    %eq3A_84 = arith.constant 2 : i32
    %eq3A_85 = vector.broadcast %eq3A_84 : i32 to vector<256x32xi32>
    %eq3A_86 = arith.cmpi eq, %iota3A_25, %eq3A_85 : vector<256x32xi32>
    %mul3A_87 = arith.constant 2048 : i32
    %mul3A_88 = arith.muli %arg0, %mul3A_87 : i32
    %add3A_89 = vector.broadcast %mul3A_88 : i32 to vector<256x1xi32>
    %add3A_90 = arith.addi %broadcast_in_dim3A_83, %add3A_89 : vector<256x1xi32>
    %broadcast_in_dim3A_91 = vector.shape_cast %add3A_90 : vector<256x1xi32> to vector<256x1xi32>
    %broadcast_in_dim3A_92 = vector.broadcast %broadcast_in_dim3A_91 : vector<256x1xi32> to vector<256x32xi32>
    %select_n3A_93 = arith.select %eq3A_86, %broadcast_in_dim3A_92, %select_n3A_67 : vector<256x32xi1>, vector<256x32xi32>
    %eq3A_94 = vector.broadcast %broadcast_in_dim3A_83 : vector<256x1xi32> to vector<256x2048xi32>
    %eq3A_95 = arith.cmpi eq, %iota3A, %eq3A_94 : vector<256x2048xi32>
    %jit3A_96 = arith.constant -3.000000e+38 : f32
    %broadcast_in_dim3A_97 = vector.broadcast %jit3A_96 : f32 to vector<256x2048xf32>
    %select_n3A_98 = arith.select %eq3A_95, %broadcast_in_dim3A_97, %select_n3A_72 : vector<256x2048xi1>, vector<256x2048xf32>
    %reduce_max3A_99 = arith.constant dense<0xFF800000> : vector<256xf32>
    %reduce_max3A_100 = vector.multi_reduction <maximumf>, %select_n3A_98, %reduce_max3A_99 [1] : vector<256x2048xf32> to vector<256xf32>
    %broadcast_in_dim3A_101 = vector.shape_cast %reduce_max3A_100 : vector<256xf32> to vector<256x1xf32>
    %eq3A_102 = vector.broadcast %broadcast_in_dim3A_101 : vector<256x1xf32> to vector<256x2048xf32>
    %eq3A_103 = arith.cmpf oeq, %select_n3A_98, %eq3A_102 : vector<256x2048xf32>
    %jit3A_104 = arith.constant 2048 : i32
    %broadcast_in_dim3A_105 = vector.broadcast %jit3A_104 : i32 to vector<256x2048xi32>
    %select_n3A_106 = arith.select %eq3A_103, %iota3A, %broadcast_in_dim3A_105 : vector<256x2048xi1>, vector<256x2048xi32>
    %reduce_min3A_107 = arith.constant dense<2147483647> : vector<256xi32>
    %reduce_min3A_108 = vector.multi_reduction <minsi>, %select_n3A_106, %reduce_min3A_107 [1] : vector<256x2048xi32> to vector<256xi32>
    %broadcast_in_dim3A_109 = vector.shape_cast %reduce_min3A_108 : vector<256xi32> to vector<256x1xi32>
    %eq3A_110 = arith.constant 3 : i32
    %eq3A_111 = vector.broadcast %eq3A_110 : i32 to vector<256x32xi32>
    %eq3A_112 = arith.cmpi eq, %iota3A_25, %eq3A_111 : vector<256x32xi32>
    %mul3A_113 = arith.constant 2048 : i32
    %mul3A_114 = arith.muli %arg0, %mul3A_113 : i32
    %add3A_115 = vector.broadcast %mul3A_114 : i32 to vector<256x1xi32>
    %add3A_116 = arith.addi %broadcast_in_dim3A_109, %add3A_115 : vector<256x1xi32>
    %broadcast_in_dim3A_117 = vector.shape_cast %add3A_116 : vector<256x1xi32> to vector<256x1xi32>
    %broadcast_in_dim3A_118 = vector.broadcast %broadcast_in_dim3A_117 : vector<256x1xi32> to vector<256x32xi32>
    %select_n3A_119 = arith.select %eq3A_112, %broadcast_in_dim3A_118, %select_n3A_93 : vector<256x32xi1>, vector<256x32xi32>
    %eq3A_120 = vector.broadcast %broadcast_in_dim3A_109 : vector<256x1xi32> to vector<256x2048xi32>
    %eq3A_121 = arith.cmpi eq, %iota3A, %eq3A_120 : vector<256x2048xi32>
    %jit3A_122 = arith.constant -3.000000e+38 : f32
    %broadcast_in_dim3A_123 = vector.broadcast %jit3A_122 : f32 to vector<256x2048xf32>
    %select_n3A_124 = arith.select %eq3A_121, %broadcast_in_dim3A_123, %select_n3A_98 : vector<256x2048xi1>, vector<256x2048xf32>
    %reduce_max3A_125 = arith.constant dense<0xFF800000> : vector<256xf32>
    %reduce_max3A_126 = vector.multi_reduction <maximumf>, %select_n3A_124, %reduce_max3A_125 [1] : vector<256x2048xf32> to vector<256xf32>
    %broadcast_in_dim3A_127 = vector.shape_cast %reduce_max3A_126 : vector<256xf32> to vector<256x1xf32>
    %eq3A_128 = vector.broadcast %broadcast_in_dim3A_127 : vector<256x1xf32> to vector<256x2048xf32>
    %eq3A_129 = arith.cmpf oeq, %select_n3A_124, %eq3A_128 : vector<256x2048xf32>
    %jit3A_130 = arith.constant 2048 : i32
    %broadcast_in_dim3A_131 = vector.broadcast %jit3A_130 : i32 to vector<256x2048xi32>
    %select_n3A_132 = arith.select %eq3A_129, %iota3A, %broadcast_in_dim3A_131 : vector<256x2048xi1>, vector<256x2048xi32>
    %reduce_min3A_133 = arith.constant dense<2147483647> : vector<256xi32>
    %reduce_min3A_134 = vector.multi_reduction <minsi>, %select_n3A_132, %reduce_min3A_133 [1] : vector<256x2048xi32> to vector<256xi32>
    %broadcast_in_dim3A_135 = vector.shape_cast %reduce_min3A_134 : vector<256xi32> to vector<256x1xi32>
    %eq3A_136 = arith.constant 4 : i32
    %eq3A_137 = vector.broadcast %eq3A_136 : i32 to vector<256x32xi32>
    %eq3A_138 = arith.cmpi eq, %iota3A_25, %eq3A_137 : vector<256x32xi32>
    %mul3A_139 = arith.constant 2048 : i32
    %mul3A_140 = arith.muli %arg0, %mul3A_139 : i32
    %add3A_141 = vector.broadcast %mul3A_140 : i32 to vector<256x1xi32>
    %add3A_142 = arith.addi %broadcast_in_dim3A_135, %add3A_141 : vector<256x1xi32>
    %broadcast_in_dim3A_143 = vector.shape_cast %add3A_142 : vector<256x1xi32> to vector<256x1xi32>
    %broadcast_in_dim3A_144 = vector.broadcast %broadcast_in_dim3A_143 : vector<256x1xi32> to vector<256x32xi32>
    %select_n3A_145 = arith.select %eq3A_138, %broadcast_in_dim3A_144, %select_n3A_119 : vector<256x32xi1>, vector<256x32xi32>
    %eq3A_146 = vector.broadcast %broadcast_in_dim3A_135 : vector<256x1xi32> to vector<256x2048xi32>
    %eq3A_147 = arith.cmpi eq, %iota3A, %eq3A_146 : vector<256x2048xi32>
    %jit3A_148 = arith.constant -3.000000e+38 : f32
    %broadcast_in_dim3A_149 = vector.broadcast %jit3A_148 : f32 to vector<256x2048xf32>
    %select_n3A_150 = arith.select %eq3A_147, %broadcast_in_dim3A_149, %select_n3A_124 : vector<256x2048xi1>, vector<256x2048xf32>
    %reduce_max3A_151 = arith.constant dense<0xFF800000> : vector<256xf32>
    %reduce_max3A_152 = vector.multi_reduction <maximumf>, %select_n3A_150, %reduce_max3A_151 [1] : vector<256x2048xf32> to vector<256xf32>
    %broadcast_in_dim3A_153 = vector.shape_cast %reduce_max3A_152 : vector<256xf32> to vector<256x1xf32>
    %eq3A_154 = vector.broadcast %broadcast_in_dim3A_153 : vector<256x1xf32> to vector<256x2048xf32>
    %eq3A_155 = arith.cmpf oeq, %select_n3A_150, %eq3A_154 : vector<256x2048xf32>
    %jit3A_156 = arith.constant 2048 : i32
    %broadcast_in_dim3A_157 = vector.broadcast %jit3A_156 : i32 to vector<256x2048xi32>
    %select_n3A_158 = arith.select %eq3A_155, %iota3A, %broadcast_in_dim3A_157 : vector<256x2048xi1>, vector<256x2048xi32>
    %reduce_min3A_159 = arith.constant dense<2147483647> : vector<256xi32>
    %reduce_min3A_160 = vector.multi_reduction <minsi>, %select_n3A_158, %reduce_min3A_159 [1] : vector<256x2048xi32> to vector<256xi32>
    %broadcast_in_dim3A_161 = vector.shape_cast %reduce_min3A_160 : vector<256xi32> to vector<256x1xi32>
    %eq3A_162 = arith.constant 5 : i32
    %eq3A_163 = vector.broadcast %eq3A_162 : i32 to vector<256x32xi32>
    %eq3A_164 = arith.cmpi eq, %iota3A_25, %eq3A_163 : vector<256x32xi32>
    %mul3A_165 = arith.constant 2048 : i32
    %mul3A_166 = arith.muli %arg0, %mul3A_165 : i32
    %add3A_167 = vector.broadcast %mul3A_166 : i32 to vector<256x1xi32>
    %add3A_168 = arith.addi %broadcast_in_dim3A_161, %add3A_167 : vector<256x1xi32>
    %broadcast_in_dim3A_169 = vector.shape_cast %add3A_168 : vector<256x1xi32> to vector<256x1xi32>
    %broadcast_in_dim3A_170 = vector.broadcast %broadcast_in_dim3A_169 : vector<256x1xi32> to vector<256x32xi32>
    %select_n3A_171 = arith.select %eq3A_164, %broadcast_in_dim3A_170, %select_n3A_145 : vector<256x32xi1>, vector<256x32xi32>
    %eq3A_172 = vector.broadcast %broadcast_in_dim3A_161 : vector<256x1xi32> to vector<256x2048xi32>
    %eq3A_173 = arith.cmpi eq, %iota3A, %eq3A_172 : vector<256x2048xi32>
    %jit3A_174 = arith.constant -3.000000e+38 : f32
    %broadcast_in_dim3A_175 = vector.broadcast %jit3A_174 : f32 to vector<256x2048xf32>
    %select_n3A_176 = arith.select %eq3A_173, %broadcast_in_dim3A_175, %select_n3A_150 : vector<256x2048xi1>, vector<256x2048xf32>
    %reduce_max3A_177 = arith.constant dense<0xFF800000> : vector<256xf32>
    %reduce_max3A_178 = vector.multi_reduction <maximumf>, %select_n3A_176, %reduce_max3A_177 [1] : vector<256x2048xf32> to vector<256xf32>
    %broadcast_in_dim3A_179 = vector.shape_cast %reduce_max3A_178 : vector<256xf32> to vector<256x1xf32>
    %eq3A_180 = vector.broadcast %broadcast_in_dim3A_179 : vector<256x1xf32> to vector<256x2048xf32>
    %eq3A_181 = arith.cmpf oeq, %select_n3A_176, %eq3A_180 : vector<256x2048xf32>
    %jit3A_182 = arith.constant 2048 : i32
    %broadcast_in_dim3A_183 = vector.broadcast %jit3A_182 : i32 to vector<256x2048xi32>
    %select_n3A_184 = arith.select %eq3A_181, %iota3A, %broadcast_in_dim3A_183 : vector<256x2048xi1>, vector<256x2048xi32>
    %reduce_min3A_185 = arith.constant dense<2147483647> : vector<256xi32>
    %reduce_min3A_186 = vector.multi_reduction <minsi>, %select_n3A_184, %reduce_min3A_185 [1] : vector<256x2048xi32> to vector<256xi32>
    %broadcast_in_dim3A_187 = vector.shape_cast %reduce_min3A_186 : vector<256xi32> to vector<256x1xi32>
    %eq3A_188 = arith.constant 6 : i32
    %eq3A_189 = vector.broadcast %eq3A_188 : i32 to vector<256x32xi32>
    %eq3A_190 = arith.cmpi eq, %iota3A_25, %eq3A_189 : vector<256x32xi32>
    %mul3A_191 = arith.constant 2048 : i32
    %mul3A_192 = arith.muli %arg0, %mul3A_191 : i32
    %add3A_193 = vector.broadcast %mul3A_192 : i32 to vector<256x1xi32>
    %add3A_194 = arith.addi %broadcast_in_dim3A_187, %add3A_193 : vector<256x1xi32>
    %broadcast_in_dim3A_195 = vector.shape_cast %add3A_194 : vector<256x1xi32> to vector<256x1xi32>
    %broadcast_in_dim3A_196 = vector.broadcast %broadcast_in_dim3A_195 : vector<256x1xi32> to vector<256x32xi32>
    %select_n3A_197 = arith.select %eq3A_190, %broadcast_in_dim3A_196, %select_n3A_171 : vector<256x32xi1>, vector<256x32xi32>
    %eq3A_198 = vector.broadcast %broadcast_in_dim3A_187 : vector<256x1xi32> to vector<256x2048xi32>
    %eq3A_199 = arith.cmpi eq, %iota3A, %eq3A_198 : vector<256x2048xi32>
    %jit3A_200 = arith.constant -3.000000e+38 : f32
    %broadcast_in_dim3A_201 = vector.broadcast %jit3A_200 : f32 to vector<256x2048xf32>
    %select_n3A_202 = arith.select %eq3A_199, %broadcast_in_dim3A_201, %select_n3A_176 : vector<256x2048xi1>, vector<256x2048xf32>
    %reduce_max3A_203 = arith.constant dense<0xFF800000> : vector<256xf32>
    %reduce_max3A_204 = vector.multi_reduction <maximumf>, %select_n3A_202, %reduce_max3A_203 [1] : vector<256x2048xf32> to vector<256xf32>
    %broadcast_in_dim3A_205 = vector.shape_cast %reduce_max3A_204 : vector<256xf32> to vector<256x1xf32>
    %eq3A_206 = vector.broadcast %broadcast_in_dim3A_205 : vector<256x1xf32> to vector<256x2048xf32>
    %eq3A_207 = arith.cmpf oeq, %select_n3A_202, %eq3A_206 : vector<256x2048xf32>
    %jit3A_208 = arith.constant 2048 : i32
    %broadcast_in_dim3A_209 = vector.broadcast %jit3A_208 : i32 to vector<256x2048xi32>
    %select_n3A_210 = arith.select %eq3A_207, %iota3A, %broadcast_in_dim3A_209 : vector<256x2048xi1>, vector<256x2048xi32>
    %reduce_min3A_211 = arith.constant dense<2147483647> : vector<256xi32>
    %reduce_min3A_212 = vector.multi_reduction <minsi>, %select_n3A_210, %reduce_min3A_211 [1] : vector<256x2048xi32> to vector<256xi32>
    %broadcast_in_dim3A_213 = vector.shape_cast %reduce_min3A_212 : vector<256xi32> to vector<256x1xi32>
    %eq3A_214 = arith.constant 7 : i32
    %eq3A_215 = vector.broadcast %eq3A_214 : i32 to vector<256x32xi32>
    %eq3A_216 = arith.cmpi eq, %iota3A_25, %eq3A_215 : vector<256x32xi32>
    %mul3A_217 = arith.constant 2048 : i32
    %mul3A_218 = arith.muli %arg0, %mul3A_217 : i32
    %add3A_219 = vector.broadcast %mul3A_218 : i32 to vector<256x1xi32>
    %add3A_220 = arith.addi %broadcast_in_dim3A_213, %add3A_219 : vector<256x1xi32>
    %broadcast_in_dim3A_221 = vector.shape_cast %add3A_220 : vector<256x1xi32> to vector<256x1xi32>
    %broadcast_in_dim3A_222 = vector.broadcast %broadcast_in_dim3A_221 : vector<256x1xi32> to vector<256x32xi32>
    %select_n3A_223 = arith.select %eq3A_216, %broadcast_in_dim3A_222, %select_n3A_197 : vector<256x32xi1>, vector<256x32xi32>
    %eq3A_224 = vector.broadcast %broadcast_in_dim3A_213 : vector<256x1xi32> to vector<256x2048xi32>
    %eq3A_225 = arith.cmpi eq, %iota3A, %eq3A_224 : vector<256x2048xi32>
    %jit3A_226 = arith.constant -3.000000e+38 : f32
    %broadcast_in_dim3A_227 = vector.broadcast %jit3A_226 : f32 to vector<256x2048xf32>
    %select_n3A_228 = arith.select %eq3A_225, %broadcast_in_dim3A_227, %select_n3A_202 : vector<256x2048xi1>, vector<256x2048xf32>
    %reduce_max3A_229 = arith.constant dense<0xFF800000> : vector<256xf32>
    %reduce_max3A_230 = vector.multi_reduction <maximumf>, %select_n3A_228, %reduce_max3A_229 [1] : vector<256x2048xf32> to vector<256xf32>
    %broadcast_in_dim3A_231 = vector.shape_cast %reduce_max3A_230 : vector<256xf32> to vector<256x1xf32>
    %eq3A_232 = vector.broadcast %broadcast_in_dim3A_231 : vector<256x1xf32> to vector<256x2048xf32>
    %eq3A_233 = arith.cmpf oeq, %select_n3A_228, %eq3A_232 : vector<256x2048xf32>
    %jit3A_234 = arith.constant 2048 : i32
    %broadcast_in_dim3A_235 = vector.broadcast %jit3A_234 : i32 to vector<256x2048xi32>
    %select_n3A_236 = arith.select %eq3A_233, %iota3A, %broadcast_in_dim3A_235 : vector<256x2048xi1>, vector<256x2048xi32>
    %reduce_min3A_237 = arith.constant dense<2147483647> : vector<256xi32>
    %reduce_min3A_238 = vector.multi_reduction <minsi>, %select_n3A_236, %reduce_min3A_237 [1] : vector<256x2048xi32> to vector<256xi32>
    %broadcast_in_dim3A_239 = vector.shape_cast %reduce_min3A_238 : vector<256xi32> to vector<256x1xi32>
    %eq3A_240 = arith.constant 8 : i32
    %eq3A_241 = vector.broadcast %eq3A_240 : i32 to vector<256x32xi32>
    %eq3A_242 = arith.cmpi eq, %iota3A_25, %eq3A_241 : vector<256x32xi32>
    %mul3A_243 = arith.constant 2048 : i32
    %mul3A_244 = arith.muli %arg0, %mul3A_243 : i32
    %add3A_245 = vector.broadcast %mul3A_244 : i32 to vector<256x1xi32>
    %add3A_246 = arith.addi %broadcast_in_dim3A_239, %add3A_245 : vector<256x1xi32>
    %broadcast_in_dim3A_247 = vector.shape_cast %add3A_246 : vector<256x1xi32> to vector<256x1xi32>
    %broadcast_in_dim3A_248 = vector.broadcast %broadcast_in_dim3A_247 : vector<256x1xi32> to vector<256x32xi32>
    %select_n3A_249 = arith.select %eq3A_242, %broadcast_in_dim3A_248, %select_n3A_223 : vector<256x32xi1>, vector<256x32xi32>
    %eq3A_250 = vector.broadcast %broadcast_in_dim3A_239 : vector<256x1xi32> to vector<256x2048xi32>
    %eq3A_251 = arith.cmpi eq, %iota3A, %eq3A_250 : vector<256x2048xi32>
    %jit3A_252 = arith.constant -3.000000e+38 : f32
    %broadcast_in_dim3A_253 = vector.broadcast %jit3A_252 : f32 to vector<256x2048xf32>
    %select_n3A_254 = arith.select %eq3A_251, %broadcast_in_dim3A_253, %select_n3A_228 : vector<256x2048xi1>, vector<256x2048xf32>
    %reduce_max3A_255 = arith.constant dense<0xFF800000> : vector<256xf32>
    %reduce_max3A_256 = vector.multi_reduction <maximumf>, %select_n3A_254, %reduce_max3A_255 [1] : vector<256x2048xf32> to vector<256xf32>
    %broadcast_in_dim3A_257 = vector.shape_cast %reduce_max3A_256 : vector<256xf32> to vector<256x1xf32>
    %eq3A_258 = vector.broadcast %broadcast_in_dim3A_257 : vector<256x1xf32> to vector<256x2048xf32>
    %eq3A_259 = arith.cmpf oeq, %select_n3A_254, %eq3A_258 : vector<256x2048xf32>
    %jit3A_260 = arith.constant 2048 : i32
    %broadcast_in_dim3A_261 = vector.broadcast %jit3A_260 : i32 to vector<256x2048xi32>
    %select_n3A_262 = arith.select %eq3A_259, %iota3A, %broadcast_in_dim3A_261 : vector<256x2048xi1>, vector<256x2048xi32>
    %reduce_min3A_263 = arith.constant dense<2147483647> : vector<256xi32>
    %reduce_min3A_264 = vector.multi_reduction <minsi>, %select_n3A_262, %reduce_min3A_263 [1] : vector<256x2048xi32> to vector<256xi32>
    %broadcast_in_dim3A_265 = vector.shape_cast %reduce_min3A_264 : vector<256xi32> to vector<256x1xi32>
    %eq3A_266 = arith.constant 9 : i32
    %eq3A_267 = vector.broadcast %eq3A_266 : i32 to vector<256x32xi32>
    %eq3A_268 = arith.cmpi eq, %iota3A_25, %eq3A_267 : vector<256x32xi32>
    %mul3A_269 = arith.constant 2048 : i32
    %mul3A_270 = arith.muli %arg0, %mul3A_269 : i32
    %add3A_271 = vector.broadcast %mul3A_270 : i32 to vector<256x1xi32>
    %add3A_272 = arith.addi %broadcast_in_dim3A_265, %add3A_271 : vector<256x1xi32>
    %broadcast_in_dim3A_273 = vector.shape_cast %add3A_272 : vector<256x1xi32> to vector<256x1xi32>
    %broadcast_in_dim3A_274 = vector.broadcast %broadcast_in_dim3A_273 : vector<256x1xi32> to vector<256x32xi32>
    %select_n3A_275 = arith.select %eq3A_268, %broadcast_in_dim3A_274, %select_n3A_249 : vector<256x32xi1>, vector<256x32xi32>
    %eq3A_276 = vector.broadcast %broadcast_in_dim3A_265 : vector<256x1xi32> to vector<256x2048xi32>
    %eq3A_277 = arith.cmpi eq, %iota3A, %eq3A_276 : vector<256x2048xi32>
    %jit3A_278 = arith.constant -3.000000e+38 : f32
    %broadcast_in_dim3A_279 = vector.broadcast %jit3A_278 : f32 to vector<256x2048xf32>
    %select_n3A_280 = arith.select %eq3A_277, %broadcast_in_dim3A_279, %select_n3A_254 : vector<256x2048xi1>, vector<256x2048xf32>
    %reduce_max3A_281 = arith.constant dense<0xFF800000> : vector<256xf32>
    %reduce_max3A_282 = vector.multi_reduction <maximumf>, %select_n3A_280, %reduce_max3A_281 [1] : vector<256x2048xf32> to vector<256xf32>
    %broadcast_in_dim3A_283 = vector.shape_cast %reduce_max3A_282 : vector<256xf32> to vector<256x1xf32>
    %eq3A_284 = vector.broadcast %broadcast_in_dim3A_283 : vector<256x1xf32> to vector<256x2048xf32>
    %eq3A_285 = arith.cmpf oeq, %select_n3A_280, %eq3A_284 : vector<256x2048xf32>
    %jit3A_286 = arith.constant 2048 : i32
    %broadcast_in_dim3A_287 = vector.broadcast %jit3A_286 : i32 to vector<256x2048xi32>
    %select_n3A_288 = arith.select %eq3A_285, %iota3A, %broadcast_in_dim3A_287 : vector<256x2048xi1>, vector<256x2048xi32>
    %reduce_min3A_289 = arith.constant dense<2147483647> : vector<256xi32>
    %reduce_min3A_290 = vector.multi_reduction <minsi>, %select_n3A_288, %reduce_min3A_289 [1] : vector<256x2048xi32> to vector<256xi32>
    %broadcast_in_dim3A_291 = vector.shape_cast %reduce_min3A_290 : vector<256xi32> to vector<256x1xi32>
    %eq3A_292 = arith.constant 10 : i32
    %eq3A_293 = vector.broadcast %eq3A_292 : i32 to vector<256x32xi32>
    %eq3A_294 = arith.cmpi eq, %iota3A_25, %eq3A_293 : vector<256x32xi32>
    %mul3A_295 = arith.constant 2048 : i32
    %mul3A_296 = arith.muli %arg0, %mul3A_295 : i32
    %add3A_297 = vector.broadcast %mul3A_296 : i32 to vector<256x1xi32>
    %add3A_298 = arith.addi %broadcast_in_dim3A_291, %add3A_297 : vector<256x1xi32>
    %broadcast_in_dim3A_299 = vector.shape_cast %add3A_298 : vector<256x1xi32> to vector<256x1xi32>
    %broadcast_in_dim3A_300 = vector.broadcast %broadcast_in_dim3A_299 : vector<256x1xi32> to vector<256x32xi32>
    %select_n3A_301 = arith.select %eq3A_294, %broadcast_in_dim3A_300, %select_n3A_275 : vector<256x32xi1>, vector<256x32xi32>
    %eq3A_302 = vector.broadcast %broadcast_in_dim3A_291 : vector<256x1xi32> to vector<256x2048xi32>
    %eq3A_303 = arith.cmpi eq, %iota3A, %eq3A_302 : vector<256x2048xi32>
    %jit3A_304 = arith.constant -3.000000e+38 : f32
    %broadcast_in_dim3A_305 = vector.broadcast %jit3A_304 : f32 to vector<256x2048xf32>
    %select_n3A_306 = arith.select %eq3A_303, %broadcast_in_dim3A_305, %select_n3A_280 : vector<256x2048xi1>, vector<256x2048xf32>
    %reduce_max3A_307 = arith.constant dense<0xFF800000> : vector<256xf32>
    %reduce_max3A_308 = vector.multi_reduction <maximumf>, %select_n3A_306, %reduce_max3A_307 [1] : vector<256x2048xf32> to vector<256xf32>
    %broadcast_in_dim3A_309 = vector.shape_cast %reduce_max3A_308 : vector<256xf32> to vector<256x1xf32>
    %eq3A_310 = vector.broadcast %broadcast_in_dim3A_309 : vector<256x1xf32> to vector<256x2048xf32>
    %eq3A_311 = arith.cmpf oeq, %select_n3A_306, %eq3A_310 : vector<256x2048xf32>
    %jit3A_312 = arith.constant 2048 : i32
    %broadcast_in_dim3A_313 = vector.broadcast %jit3A_312 : i32 to vector<256x2048xi32>
    %select_n3A_314 = arith.select %eq3A_311, %iota3A, %broadcast_in_dim3A_313 : vector<256x2048xi1>, vector<256x2048xi32>
    %reduce_min3A_315 = arith.constant dense<2147483647> : vector<256xi32>
    %reduce_min3A_316 = vector.multi_reduction <minsi>, %select_n3A_314, %reduce_min3A_315 [1] : vector<256x2048xi32> to vector<256xi32>
    %broadcast_in_dim3A_317 = vector.shape_cast %reduce_min3A_316 : vector<256xi32> to vector<256x1xi32>
    %eq3A_318 = arith.constant 11 : i32
    %eq3A_319 = vector.broadcast %eq3A_318 : i32 to vector<256x32xi32>
    %eq3A_320 = arith.cmpi eq, %iota3A_25, %eq3A_319 : vector<256x32xi32>
    %mul3A_321 = arith.constant 2048 : i32
    %mul3A_322 = arith.muli %arg0, %mul3A_321 : i32
    %add3A_323 = vector.broadcast %mul3A_322 : i32 to vector<256x1xi32>
    %add3A_324 = arith.addi %broadcast_in_dim3A_317, %add3A_323 : vector<256x1xi32>
    %broadcast_in_dim3A_325 = vector.shape_cast %add3A_324 : vector<256x1xi32> to vector<256x1xi32>
    %broadcast_in_dim3A_326 = vector.broadcast %broadcast_in_dim3A_325 : vector<256x1xi32> to vector<256x32xi32>
    %select_n3A_327 = arith.select %eq3A_320, %broadcast_in_dim3A_326, %select_n3A_301 : vector<256x32xi1>, vector<256x32xi32>
    %eq3A_328 = vector.broadcast %broadcast_in_dim3A_317 : vector<256x1xi32> to vector<256x2048xi32>
    %eq3A_329 = arith.cmpi eq, %iota3A, %eq3A_328 : vector<256x2048xi32>
    %jit3A_330 = arith.constant -3.000000e+38 : f32
    %broadcast_in_dim3A_331 = vector.broadcast %jit3A_330 : f32 to vector<256x2048xf32>
    %select_n3A_332 = arith.select %eq3A_329, %broadcast_in_dim3A_331, %select_n3A_306 : vector<256x2048xi1>, vector<256x2048xf32>
    %reduce_max3A_333 = arith.constant dense<0xFF800000> : vector<256xf32>
    %reduce_max3A_334 = vector.multi_reduction <maximumf>, %select_n3A_332, %reduce_max3A_333 [1] : vector<256x2048xf32> to vector<256xf32>
    %broadcast_in_dim3A_335 = vector.shape_cast %reduce_max3A_334 : vector<256xf32> to vector<256x1xf32>
    %eq3A_336 = vector.broadcast %broadcast_in_dim3A_335 : vector<256x1xf32> to vector<256x2048xf32>
    %eq3A_337 = arith.cmpf oeq, %select_n3A_332, %eq3A_336 : vector<256x2048xf32>
    %jit3A_338 = arith.constant 2048 : i32
    %broadcast_in_dim3A_339 = vector.broadcast %jit3A_338 : i32 to vector<256x2048xi32>
    %select_n3A_340 = arith.select %eq3A_337, %iota3A, %broadcast_in_dim3A_339 : vector<256x2048xi1>, vector<256x2048xi32>
    %reduce_min3A_341 = arith.constant dense<2147483647> : vector<256xi32>
    %reduce_min3A_342 = vector.multi_reduction <minsi>, %select_n3A_340, %reduce_min3A_341 [1] : vector<256x2048xi32> to vector<256xi32>
    %broadcast_in_dim3A_343 = vector.shape_cast %reduce_min3A_342 : vector<256xi32> to vector<256x1xi32>
    %eq3A_344 = arith.constant 12 : i32
    %eq3A_345 = vector.broadcast %eq3A_344 : i32 to vector<256x32xi32>
    %eq3A_346 = arith.cmpi eq, %iota3A_25, %eq3A_345 : vector<256x32xi32>
    %mul3A_347 = arith.constant 2048 : i32
    %mul3A_348 = arith.muli %arg0, %mul3A_347 : i32
    %add3A_349 = vector.broadcast %mul3A_348 : i32 to vector<256x1xi32>
    %add3A_350 = arith.addi %broadcast_in_dim3A_343, %add3A_349 : vector<256x1xi32>
    %broadcast_in_dim3A_351 = vector.shape_cast %add3A_350 : vector<256x1xi32> to vector<256x1xi32>
    %broadcast_in_dim3A_352 = vector.broadcast %broadcast_in_dim3A_351 : vector<256x1xi32> to vector<256x32xi32>
    %select_n3A_353 = arith.select %eq3A_346, %broadcast_in_dim3A_352, %select_n3A_327 : vector<256x32xi1>, vector<256x32xi32>
    %eq3A_354 = vector.broadcast %broadcast_in_dim3A_343 : vector<256x1xi32> to vector<256x2048xi32>
    %eq3A_355 = arith.cmpi eq, %iota3A, %eq3A_354 : vector<256x2048xi32>
    %jit3A_356 = arith.constant -3.000000e+38 : f32
    %broadcast_in_dim3A_357 = vector.broadcast %jit3A_356 : f32 to vector<256x2048xf32>
    %select_n3A_358 = arith.select %eq3A_355, %broadcast_in_dim3A_357, %select_n3A_332 : vector<256x2048xi1>, vector<256x2048xf32>
    %reduce_max3A_359 = arith.constant dense<0xFF800000> : vector<256xf32>
    %reduce_max3A_360 = vector.multi_reduction <maximumf>, %select_n3A_358, %reduce_max3A_359 [1] : vector<256x2048xf32> to vector<256xf32>
    %broadcast_in_dim3A_361 = vector.shape_cast %reduce_max3A_360 : vector<256xf32> to vector<256x1xf32>
    %eq3A_362 = vector.broadcast %broadcast_in_dim3A_361 : vector<256x1xf32> to vector<256x2048xf32>
    %eq3A_363 = arith.cmpf oeq, %select_n3A_358, %eq3A_362 : vector<256x2048xf32>
    %jit3A_364 = arith.constant 2048 : i32
    %broadcast_in_dim3A_365 = vector.broadcast %jit3A_364 : i32 to vector<256x2048xi32>
    %select_n3A_366 = arith.select %eq3A_363, %iota3A, %broadcast_in_dim3A_365 : vector<256x2048xi1>, vector<256x2048xi32>
    %reduce_min3A_367 = arith.constant dense<2147483647> : vector<256xi32>
    %reduce_min3A_368 = vector.multi_reduction <minsi>, %select_n3A_366, %reduce_min3A_367 [1] : vector<256x2048xi32> to vector<256xi32>
    %broadcast_in_dim3A_369 = vector.shape_cast %reduce_min3A_368 : vector<256xi32> to vector<256x1xi32>
    %eq3A_370 = arith.constant 13 : i32
    %eq3A_371 = vector.broadcast %eq3A_370 : i32 to vector<256x32xi32>
    %eq3A_372 = arith.cmpi eq, %iota3A_25, %eq3A_371 : vector<256x32xi32>
    %mul3A_373 = arith.constant 2048 : i32
    %mul3A_374 = arith.muli %arg0, %mul3A_373 : i32
    %add3A_375 = vector.broadcast %mul3A_374 : i32 to vector<256x1xi32>
    %add3A_376 = arith.addi %broadcast_in_dim3A_369, %add3A_375 : vector<256x1xi32>
    %broadcast_in_dim3A_377 = vector.shape_cast %add3A_376 : vector<256x1xi32> to vector<256x1xi32>
    %broadcast_in_dim3A_378 = vector.broadcast %broadcast_in_dim3A_377 : vector<256x1xi32> to vector<256x32xi32>
    %select_n3A_379 = arith.select %eq3A_372, %broadcast_in_dim3A_378, %select_n3A_353 : vector<256x32xi1>, vector<256x32xi32>
    %eq3A_380 = vector.broadcast %broadcast_in_dim3A_369 : vector<256x1xi32> to vector<256x2048xi32>
    %eq3A_381 = arith.cmpi eq, %iota3A, %eq3A_380 : vector<256x2048xi32>
    %jit3A_382 = arith.constant -3.000000e+38 : f32
    %broadcast_in_dim3A_383 = vector.broadcast %jit3A_382 : f32 to vector<256x2048xf32>
    %select_n3A_384 = arith.select %eq3A_381, %broadcast_in_dim3A_383, %select_n3A_358 : vector<256x2048xi1>, vector<256x2048xf32>
    %reduce_max3A_385 = arith.constant dense<0xFF800000> : vector<256xf32>
    %reduce_max3A_386 = vector.multi_reduction <maximumf>, %select_n3A_384, %reduce_max3A_385 [1] : vector<256x2048xf32> to vector<256xf32>
    %broadcast_in_dim3A_387 = vector.shape_cast %reduce_max3A_386 : vector<256xf32> to vector<256x1xf32>
    %eq3A_388 = vector.broadcast %broadcast_in_dim3A_387 : vector<256x1xf32> to vector<256x2048xf32>
    %eq3A_389 = arith.cmpf oeq, %select_n3A_384, %eq3A_388 : vector<256x2048xf32>
    %jit3A_390 = arith.constant 2048 : i32
    %broadcast_in_dim3A_391 = vector.broadcast %jit3A_390 : i32 to vector<256x2048xi32>
    %select_n3A_392 = arith.select %eq3A_389, %iota3A, %broadcast_in_dim3A_391 : vector<256x2048xi1>, vector<256x2048xi32>
    %reduce_min3A_393 = arith.constant dense<2147483647> : vector<256xi32>
    %reduce_min3A_394 = vector.multi_reduction <minsi>, %select_n3A_392, %reduce_min3A_393 [1] : vector<256x2048xi32> to vector<256xi32>
    %broadcast_in_dim3A_395 = vector.shape_cast %reduce_min3A_394 : vector<256xi32> to vector<256x1xi32>
    %eq3A_396 = arith.constant 14 : i32
    %eq3A_397 = vector.broadcast %eq3A_396 : i32 to vector<256x32xi32>
    %eq3A_398 = arith.cmpi eq, %iota3A_25, %eq3A_397 : vector<256x32xi32>
    %mul3A_399 = arith.constant 2048 : i32
    %mul3A_400 = arith.muli %arg0, %mul3A_399 : i32
    %add3A_401 = vector.broadcast %mul3A_400 : i32 to vector<256x1xi32>
    %add3A_402 = arith.addi %broadcast_in_dim3A_395, %add3A_401 : vector<256x1xi32>
    %broadcast_in_dim3A_403 = vector.shape_cast %add3A_402 : vector<256x1xi32> to vector<256x1xi32>
    %broadcast_in_dim3A_404 = vector.broadcast %broadcast_in_dim3A_403 : vector<256x1xi32> to vector<256x32xi32>
    %select_n3A_405 = arith.select %eq3A_398, %broadcast_in_dim3A_404, %select_n3A_379 : vector<256x32xi1>, vector<256x32xi32>
    %eq3A_406 = vector.broadcast %broadcast_in_dim3A_395 : vector<256x1xi32> to vector<256x2048xi32>
    %eq3A_407 = arith.cmpi eq, %iota3A, %eq3A_406 : vector<256x2048xi32>
    %jit3A_408 = arith.constant -3.000000e+38 : f32
    %broadcast_in_dim3A_409 = vector.broadcast %jit3A_408 : f32 to vector<256x2048xf32>
    %select_n3A_410 = arith.select %eq3A_407, %broadcast_in_dim3A_409, %select_n3A_384 : vector<256x2048xi1>, vector<256x2048xf32>
    %reduce_max3A_411 = arith.constant dense<0xFF800000> : vector<256xf32>
    %reduce_max3A_412 = vector.multi_reduction <maximumf>, %select_n3A_410, %reduce_max3A_411 [1] : vector<256x2048xf32> to vector<256xf32>
    %broadcast_in_dim3A_413 = vector.shape_cast %reduce_max3A_412 : vector<256xf32> to vector<256x1xf32>
    %eq3A_414 = vector.broadcast %broadcast_in_dim3A_413 : vector<256x1xf32> to vector<256x2048xf32>
    %eq3A_415 = arith.cmpf oeq, %select_n3A_410, %eq3A_414 : vector<256x2048xf32>
    %jit3A_416 = arith.constant 2048 : i32
    %broadcast_in_dim3A_417 = vector.broadcast %jit3A_416 : i32 to vector<256x2048xi32>
    %select_n3A_418 = arith.select %eq3A_415, %iota3A, %broadcast_in_dim3A_417 : vector<256x2048xi1>, vector<256x2048xi32>
    %reduce_min3A_419 = arith.constant dense<2147483647> : vector<256xi32>
    %reduce_min3A_420 = vector.multi_reduction <minsi>, %select_n3A_418, %reduce_min3A_419 [1] : vector<256x2048xi32> to vector<256xi32>
    %broadcast_in_dim3A_421 = vector.shape_cast %reduce_min3A_420 : vector<256xi32> to vector<256x1xi32>
    %eq3A_422 = arith.constant 15 : i32
    %eq3A_423 = vector.broadcast %eq3A_422 : i32 to vector<256x32xi32>
    %eq3A_424 = arith.cmpi eq, %iota3A_25, %eq3A_423 : vector<256x32xi32>
    %mul3A_425 = arith.constant 2048 : i32
    %mul3A_426 = arith.muli %arg0, %mul3A_425 : i32
    %add3A_427 = vector.broadcast %mul3A_426 : i32 to vector<256x1xi32>
    %add3A_428 = arith.addi %broadcast_in_dim3A_421, %add3A_427 : vector<256x1xi32>
    %broadcast_in_dim3A_429 = vector.shape_cast %add3A_428 : vector<256x1xi32> to vector<256x1xi32>
    %broadcast_in_dim3A_430 = vector.broadcast %broadcast_in_dim3A_429 : vector<256x1xi32> to vector<256x32xi32>
    %select_n3A_431 = arith.select %eq3A_424, %broadcast_in_dim3A_430, %select_n3A_405 : vector<256x32xi1>, vector<256x32xi32>
    %eq3A_432 = vector.broadcast %broadcast_in_dim3A_421 : vector<256x1xi32> to vector<256x2048xi32>
    %eq3A_433 = arith.cmpi eq, %iota3A, %eq3A_432 : vector<256x2048xi32>
    %jit3A_434 = arith.constant -3.000000e+38 : f32
    %broadcast_in_dim3A_435 = vector.broadcast %jit3A_434 : f32 to vector<256x2048xf32>
    %select_n3A_436 = arith.select %eq3A_433, %broadcast_in_dim3A_435, %select_n3A_410 : vector<256x2048xi1>, vector<256x2048xf32>
    %reduce_max3A_437 = arith.constant dense<0xFF800000> : vector<256xf32>
    %reduce_max3A_438 = vector.multi_reduction <maximumf>, %select_n3A_436, %reduce_max3A_437 [1] : vector<256x2048xf32> to vector<256xf32>
    %broadcast_in_dim3A_439 = vector.shape_cast %reduce_max3A_438 : vector<256xf32> to vector<256x1xf32>
    %eq3A_440 = vector.broadcast %broadcast_in_dim3A_439 : vector<256x1xf32> to vector<256x2048xf32>
    %eq3A_441 = arith.cmpf oeq, %select_n3A_436, %eq3A_440 : vector<256x2048xf32>
    %jit3A_442 = arith.constant 2048 : i32
    %broadcast_in_dim3A_443 = vector.broadcast %jit3A_442 : i32 to vector<256x2048xi32>
    %select_n3A_444 = arith.select %eq3A_441, %iota3A, %broadcast_in_dim3A_443 : vector<256x2048xi1>, vector<256x2048xi32>
    %reduce_min3A_445 = arith.constant dense<2147483647> : vector<256xi32>
    %reduce_min3A_446 = vector.multi_reduction <minsi>, %select_n3A_444, %reduce_min3A_445 [1] : vector<256x2048xi32> to vector<256xi32>
    %broadcast_in_dim3A_447 = vector.shape_cast %reduce_min3A_446 : vector<256xi32> to vector<256x1xi32>
    %eq3A_448 = arith.constant 16 : i32
    %eq3A_449 = vector.broadcast %eq3A_448 : i32 to vector<256x32xi32>
    %eq3A_450 = arith.cmpi eq, %iota3A_25, %eq3A_449 : vector<256x32xi32>
    %mul3A_451 = arith.constant 2048 : i32
    %mul3A_452 = arith.muli %arg0, %mul3A_451 : i32
    %add3A_453 = vector.broadcast %mul3A_452 : i32 to vector<256x1xi32>
    %add3A_454 = arith.addi %broadcast_in_dim3A_447, %add3A_453 : vector<256x1xi32>
    %broadcast_in_dim3A_455 = vector.shape_cast %add3A_454 : vector<256x1xi32> to vector<256x1xi32>
    %broadcast_in_dim3A_456 = vector.broadcast %broadcast_in_dim3A_455 : vector<256x1xi32> to vector<256x32xi32>
    %select_n3A_457 = arith.select %eq3A_450, %broadcast_in_dim3A_456, %select_n3A_431 : vector<256x32xi1>, vector<256x32xi32>
    %eq3A_458 = vector.broadcast %broadcast_in_dim3A_447 : vector<256x1xi32> to vector<256x2048xi32>
    %eq3A_459 = arith.cmpi eq, %iota3A, %eq3A_458 : vector<256x2048xi32>
    %jit3A_460 = arith.constant -3.000000e+38 : f32
    %broadcast_in_dim3A_461 = vector.broadcast %jit3A_460 : f32 to vector<256x2048xf32>
    %select_n3A_462 = arith.select %eq3A_459, %broadcast_in_dim3A_461, %select_n3A_436 : vector<256x2048xi1>, vector<256x2048xf32>
    %reduce_max3A_463 = arith.constant dense<0xFF800000> : vector<256xf32>
    %reduce_max3A_464 = vector.multi_reduction <maximumf>, %select_n3A_462, %reduce_max3A_463 [1] : vector<256x2048xf32> to vector<256xf32>
    %broadcast_in_dim3A_465 = vector.shape_cast %reduce_max3A_464 : vector<256xf32> to vector<256x1xf32>
    %eq3A_466 = vector.broadcast %broadcast_in_dim3A_465 : vector<256x1xf32> to vector<256x2048xf32>
    %eq3A_467 = arith.cmpf oeq, %select_n3A_462, %eq3A_466 : vector<256x2048xf32>
    %jit3A_468 = arith.constant 2048 : i32
    %broadcast_in_dim3A_469 = vector.broadcast %jit3A_468 : i32 to vector<256x2048xi32>
    %select_n3A_470 = arith.select %eq3A_467, %iota3A, %broadcast_in_dim3A_469 : vector<256x2048xi1>, vector<256x2048xi32>
    %reduce_min3A_471 = arith.constant dense<2147483647> : vector<256xi32>
    %reduce_min3A_472 = vector.multi_reduction <minsi>, %select_n3A_470, %reduce_min3A_471 [1] : vector<256x2048xi32> to vector<256xi32>
    %broadcast_in_dim3A_473 = vector.shape_cast %reduce_min3A_472 : vector<256xi32> to vector<256x1xi32>
    %eq3A_474 = arith.constant 17 : i32
    %eq3A_475 = vector.broadcast %eq3A_474 : i32 to vector<256x32xi32>
    %eq3A_476 = arith.cmpi eq, %iota3A_25, %eq3A_475 : vector<256x32xi32>
    %mul3A_477 = arith.constant 2048 : i32
    %mul3A_478 = arith.muli %arg0, %mul3A_477 : i32
    %add3A_479 = vector.broadcast %mul3A_478 : i32 to vector<256x1xi32>
    %add3A_480 = arith.addi %broadcast_in_dim3A_473, %add3A_479 : vector<256x1xi32>
    %broadcast_in_dim3A_481 = vector.shape_cast %add3A_480 : vector<256x1xi32> to vector<256x1xi32>
    %broadcast_in_dim3A_482 = vector.broadcast %broadcast_in_dim3A_481 : vector<256x1xi32> to vector<256x32xi32>
    %select_n3A_483 = arith.select %eq3A_476, %broadcast_in_dim3A_482, %select_n3A_457 : vector<256x32xi1>, vector<256x32xi32>
    %eq3A_484 = vector.broadcast %broadcast_in_dim3A_473 : vector<256x1xi32> to vector<256x2048xi32>
    %eq3A_485 = arith.cmpi eq, %iota3A, %eq3A_484 : vector<256x2048xi32>
    %jit3A_486 = arith.constant -3.000000e+38 : f32
    %broadcast_in_dim3A_487 = vector.broadcast %jit3A_486 : f32 to vector<256x2048xf32>
    %select_n3A_488 = arith.select %eq3A_485, %broadcast_in_dim3A_487, %select_n3A_462 : vector<256x2048xi1>, vector<256x2048xf32>
    %reduce_max3A_489 = arith.constant dense<0xFF800000> : vector<256xf32>
    %reduce_max3A_490 = vector.multi_reduction <maximumf>, %select_n3A_488, %reduce_max3A_489 [1] : vector<256x2048xf32> to vector<256xf32>
    %broadcast_in_dim3A_491 = vector.shape_cast %reduce_max3A_490 : vector<256xf32> to vector<256x1xf32>
    %eq3A_492 = vector.broadcast %broadcast_in_dim3A_491 : vector<256x1xf32> to vector<256x2048xf32>
    %eq3A_493 = arith.cmpf oeq, %select_n3A_488, %eq3A_492 : vector<256x2048xf32>
    %jit3A_494 = arith.constant 2048 : i32
    %broadcast_in_dim3A_495 = vector.broadcast %jit3A_494 : i32 to vector<256x2048xi32>
    %select_n3A_496 = arith.select %eq3A_493, %iota3A, %broadcast_in_dim3A_495 : vector<256x2048xi1>, vector<256x2048xi32>
    %reduce_min3A_497 = arith.constant dense<2147483647> : vector<256xi32>
    %reduce_min3A_498 = vector.multi_reduction <minsi>, %select_n3A_496, %reduce_min3A_497 [1] : vector<256x2048xi32> to vector<256xi32>
    %broadcast_in_dim3A_499 = vector.shape_cast %reduce_min3A_498 : vector<256xi32> to vector<256x1xi32>
    %eq3A_500 = arith.constant 18 : i32
    %eq3A_501 = vector.broadcast %eq3A_500 : i32 to vector<256x32xi32>
    %eq3A_502 = arith.cmpi eq, %iota3A_25, %eq3A_501 : vector<256x32xi32>
    %mul3A_503 = arith.constant 2048 : i32
    %mul3A_504 = arith.muli %arg0, %mul3A_503 : i32
    %add3A_505 = vector.broadcast %mul3A_504 : i32 to vector<256x1xi32>
    %add3A_506 = arith.addi %broadcast_in_dim3A_499, %add3A_505 : vector<256x1xi32>
    %broadcast_in_dim3A_507 = vector.shape_cast %add3A_506 : vector<256x1xi32> to vector<256x1xi32>
    %broadcast_in_dim3A_508 = vector.broadcast %broadcast_in_dim3A_507 : vector<256x1xi32> to vector<256x32xi32>
    %select_n3A_509 = arith.select %eq3A_502, %broadcast_in_dim3A_508, %select_n3A_483 : vector<256x32xi1>, vector<256x32xi32>
    %eq3A_510 = vector.broadcast %broadcast_in_dim3A_499 : vector<256x1xi32> to vector<256x2048xi32>
    %eq3A_511 = arith.cmpi eq, %iota3A, %eq3A_510 : vector<256x2048xi32>
    %jit3A_512 = arith.constant -3.000000e+38 : f32
    %broadcast_in_dim3A_513 = vector.broadcast %jit3A_512 : f32 to vector<256x2048xf32>
    %select_n3A_514 = arith.select %eq3A_511, %broadcast_in_dim3A_513, %select_n3A_488 : vector<256x2048xi1>, vector<256x2048xf32>
    %reduce_max3A_515 = arith.constant dense<0xFF800000> : vector<256xf32>
    %reduce_max3A_516 = vector.multi_reduction <maximumf>, %select_n3A_514, %reduce_max3A_515 [1] : vector<256x2048xf32> to vector<256xf32>
    %broadcast_in_dim3A_517 = vector.shape_cast %reduce_max3A_516 : vector<256xf32> to vector<256x1xf32>
    %eq3A_518 = vector.broadcast %broadcast_in_dim3A_517 : vector<256x1xf32> to vector<256x2048xf32>
    %eq3A_519 = arith.cmpf oeq, %select_n3A_514, %eq3A_518 : vector<256x2048xf32>
    %jit3A_520 = arith.constant 2048 : i32
    %broadcast_in_dim3A_521 = vector.broadcast %jit3A_520 : i32 to vector<256x2048xi32>
    %select_n3A_522 = arith.select %eq3A_519, %iota3A, %broadcast_in_dim3A_521 : vector<256x2048xi1>, vector<256x2048xi32>
    %reduce_min3A_523 = arith.constant dense<2147483647> : vector<256xi32>
    %reduce_min3A_524 = vector.multi_reduction <minsi>, %select_n3A_522, %reduce_min3A_523 [1] : vector<256x2048xi32> to vector<256xi32>
    %broadcast_in_dim3A_525 = vector.shape_cast %reduce_min3A_524 : vector<256xi32> to vector<256x1xi32>
    %eq3A_526 = arith.constant 19 : i32
    %eq3A_527 = vector.broadcast %eq3A_526 : i32 to vector<256x32xi32>
    %eq3A_528 = arith.cmpi eq, %iota3A_25, %eq3A_527 : vector<256x32xi32>
    %mul3A_529 = arith.constant 2048 : i32
    %mul3A_530 = arith.muli %arg0, %mul3A_529 : i32
    %add3A_531 = vector.broadcast %mul3A_530 : i32 to vector<256x1xi32>
    %add3A_532 = arith.addi %broadcast_in_dim3A_525, %add3A_531 : vector<256x1xi32>
    %broadcast_in_dim3A_533 = vector.shape_cast %add3A_532 : vector<256x1xi32> to vector<256x1xi32>
    %broadcast_in_dim3A_534 = vector.broadcast %broadcast_in_dim3A_533 : vector<256x1xi32> to vector<256x32xi32>
    %select_n3A_535 = arith.select %eq3A_528, %broadcast_in_dim3A_534, %select_n3A_509 : vector<256x32xi1>, vector<256x32xi32>
    %swap3A = arith.constant 0 : index
    %swap3A_536 = arith.constant 0 : index
    %swap3A_537 = arith.constant 0 : index
    %swap3A_538 = vector.load %arg6[%swap3A, %swap3A_536, %swap3A_537] : memref<1x256x32xi32, #tpu.memory_space<vmem>>, vector<1x256x32xi32>
    %swap3A_539 = vector.shape_cast %swap3A_538 : vector<1x256x32xi32> to vector<256x32xi32>
    %swap3A_540 = vector.shape_cast %select_n3A_535 : vector<256x32xi32> to vector<1x256x32xi32>
    tpu.vector_store %arg6[%swap3A, %swap3A_536, %swap3A_537], %swap3A_540 {strides = array<i32>} : memref<1x256x32xi32, #tpu.memory_space<vmem>>, vector<1x256x32xi32>,
    return
  }
  func.func @transform_0(%arg0: i32, %arg1: i32) -> (i32, i32, i32) {
    %c0_i32 = arith.constant 0 : i32
    %c0_i32_0 = arith.constant 0 : i32
    return %arg0, %arg1, %c0_i32 : i32, i32, i32
  }
  func.func @transform_1(%arg0: i32, %arg1: i32) -> (i32, i32, i32) {
    %c0_i32 = arith.constant 0 : i32
    %c0_i32_0 = arith.constant 0 : i32
    %c0_i32_1 = arith.constant 0 : i32
    return %arg0, %c0_i32, %c0_i32_0 : i32, i32, i32
  }
  func.func @transform_2(%arg0: i32, %arg1: i32) -> (i32, i32, i32) {
    %c0_i32 = arith.constant 0 : i32
    %c0_i32_0 = arith.constant 0 : i32
    %c0_i32_1 = arith.constant 0 : i32
    return %arg0, %c0_i32, %c0_i32_0 : i32, i32, i32
  }
  func.func @transform_3(%arg0: i32, %arg1: i32) -> (i32, i32, i32) {
    %c0_i32 = arith.constant 0 : i32
    %c0_i32_0 = arith.constant 0 : i32
    return %arg0, %arg1, %c0_i32 : i32, i32, i32
  }
  func.func @transform_4(%arg0: i32, %arg1: i32) -> (i32, i32, i32) {
    %c0_i32 = arith.constant 0 : i32
    %c0_i32_0 = arith.constant 0 : i32
    return %arg0, %arg1, %c0_i32 : i32, i32, i32
  }
}

module attributes {stable_mosaic.version = 14 : i64} {
  func.func @_xx_body(%arg0: i32, %arg1: memref<1x512x2048xf32, #tpu.memory_space<vmem>>, %arg2: memref<1x1x2048xf32, #tpu.memory_space<vmem>>) attributes {dimension_semantics = [#tpu.dimension_semantics<arbitrary>], iteration_bounds = array<i64: 8>, scalar_prefetch = 0 : i64, scratch_operands = 0 : i64, tpu.core_type = #tpu.core_type<tc>, window_params = [{transform_indices = @transform_0, window_bounds = array<i64: 1, 512, 2048>}, {transform_indices = @transform_1, window_bounds = array<i64: 1, 1, 2048>}]} {
    %get3A = arith.constant 0 : index
    %get3A_0 = arith.constant 0 : index
    %get3A_1 = arith.constant 0 : index
    %get3A_2 = vector.load %arg1[%get3A, %get3A_0, %get3A_1] : memref<1x512x2048xf32, #tpu.memory_space<vmem>>, vector<1x512x2048xf32>
    %get3A_3 = vector.shape_cast %get3A_2 : vector<1x512x2048xf32> to vector<512x2048xf32>
    %mul3A = arith.mulf %get3A_3, %get3A_3 : vector<512x2048xf32>
    %reduce_sum3A = arith.constant dense<0.000000e+00> : vector<2048xf32>
    %reduce_sum3A_4 = vector.multi_reduction <add>, %mul3A, %reduce_sum3A [0] : vector<512x2048xf32> to vector<2048xf32>
    %broadcast_in_dim3A = vector.shape_cast %reduce_sum3A_4 : vector<2048xf32> to vector<1x2048xf32>
    %swap3A = arith.constant 0 : index
    %swap3A_5 = arith.constant 0 : index
    %swap3A_6 = arith.constant 0 : index
    %swap3A_7 = vector.load %arg2[%swap3A, %swap3A_5, %swap3A_6] : memref<1x1x2048xf32, #tpu.memory_space<vmem>>, vector<1x1x2048xf32>
    %swap3A_8 = vector.shape_cast %swap3A_7 : vector<1x1x2048xf32> to vector<1x2048xf32>
    %swap3A_9 = vector.shape_cast %broadcast_in_dim3A : vector<1x2048xf32> to vector<1x1x2048xf32>
    tpu.vector_store %arg2[%swap3A, %swap3A_5, %swap3A_6], %swap3A_9 {strides = array<i32>} : memref<1x1x2048xf32, #tpu.memory_space<vmem>>, vector<1x1x2048xf32>,
    return
  }
  func.func @transform_0(%arg0: i32) -> (i32, i32, i32) {
    %c0_i32 = arith.constant 0 : i32
    %c0_i32_0 = arith.constant 0 : i32
    %c0_i32_1 = arith.constant 0 : i32
    return %arg0, %c0_i32, %c0_i32_0 : i32, i32, i32
  }
  func.func @transform_1(%arg0: i32) -> (i32, i32, i32) {
    %c0_i32 = arith.constant 0 : i32
    %c0_i32_0 = arith.constant 0 : i32
    %c0_i32_1 = arith.constant 0 : i32
    return %arg0, %c0_i32, %c0_i32_0 : i32, i32, i32
  }
}

module attributes {stable_mosaic.version = 14 : i64} {
  func.func @_knn_body(%arg0: i32, %arg1: i32, %arg2: memref<1x256x512xf32, #tpu.memory_space<vmem>>, %arg3: memref<1x512x2048xf32, #tpu.memory_space<vmem>>, %arg4: memref<1x1x2048xf32, #tpu.memory_space<vmem>>, %arg5: memref<1x256x1xf32, #tpu.memory_space<vmem>>, %arg6: memref<1x256x32xi32, #tpu.memory_space<vmem>>) attributes {dimension_semantics = [#tpu.dimension_semantics<arbitrary>, #tpu.dimension_semantics<arbitrary>], iteration_bounds = array<i64: 8, 8>, scalar_prefetch = 0 : i64, scratch_operands = 0 : i64, tpu.core_type = #tpu.core_type<tc>, window_params = [{transform_indices = @transform_0, window_bounds = array<i64: 1, 256, 512>}, {transform_indices = @transform_1, window_bounds = array<i64: 1, 512, 2048>}, {transform_indices = @transform_2, window_bounds = array<i64: 1, 1, 2048>}, {transform_indices = @transform_3, window_bounds = array<i64: 1, 256, 1>}, {transform_indices = @transform_4, window_bounds = array<i64: 1, 256, 32>}]} {
    %get3A = arith.constant 0 : index
    %get3A_0 = arith.constant 0 : index
    %get3A_1 = arith.constant 0 : index
    %get3A_2 = vector.load %arg2[%get3A, %get3A_0, %get3A_1] : memref<1x256x512xf32, #tpu.memory_space<vmem>>, vector<1x256x512xf32>
    %get3A_3 = vector.shape_cast %get3A_2 : vector<1x256x512xf32> to vector<256x512xf32>
    %get3A_4 = arith.constant 0 : index
    %get3A_5 = arith.constant 0 : index
    %get3A_6 = arith.constant 0 : index
    %get3A_7 = vector.load %arg3[%get3A_4, %get3A_5, %get3A_6] : memref<1x512x2048xf32, #tpu.memory_space<vmem>>, vector<1x512x2048xf32>
    %get3A_8 = vector.shape_cast %get3A_7 : vector<1x512x2048xf32> to vector<512x2048xf32>
    %dot_general3A = arith.constant dense<0.000000e+00> : vector<256x2048xf32>
    %dot_general3A_9 = tpu.matmul %get3A_3, %get3A_8, %dot_general3A {dimension_numbers = #tpu.dot_dimension_numbers<[1], [0], [0], [1], [0, 0, 1, 1], [], []>, transpose_lhs_hint = false} : vector<256x512xf32>, vector<512x2048xf32>, vector<256x2048xf32> -> vector<256x2048xf32>
    %mul3A = arith.constant 2.000000e+00 : f32
    %mul3A_10 = vector.broadcast %mul3A : f32 to vector<256x2048xf32>
    %mul3A_11 = arith.mulf %mul3A_10, %dot_general3A_9 : vector<256x2048xf32>
    %get3A_12 = arith.constant 0 : index
    %get3A_13 = arith.constant 0 : index
    %get3A_14 = arith.constant 0 : index
    %get3A_15 = vector.load %arg4[%get3A_12, %get3A_13, %get3A_14] : memref<1x1x2048xf32, #tpu.memory_space<vmem>>, vector<1x1x2048xf32>
    %get3A_16 = vector.shape_cast %get3A_15 : vector<1x1x2048xf32> to vector<1x2048xf32>
    %sub3A = vector.broadcast %get3A_16 : vector<1x2048xf32> to vector<256x2048xf32>
    %sub3A_17 = arith.subf %mul3A_11, %sub3A : vector<256x2048xf32>
    %get3A_18 = arith.constant 0 : index
    %get3A_19 = arith.constant 0 : index
    %get3A_20 = arith.constant 0 : index
    %get3A_21 = vector.load %arg5[%get3A_18, %get3A_19, %get3A_20] : memref<1x256x1xf32, #tpu.memory_space<vmem>>, vector<1x256x1xf32>
    %get3A_22 = vector.shape_cast %get3A_21 : vector<1x256x1xf32> to vector<256x1xf32>
    %sub3A_23 = vector.broadcast %get3A_22 : vector<256x1xf32> to vector<256x2048xf32>
    %sub3A_24 = arith.subf %sub3A_17, %sub3A_23 : vector<256x2048xf32>
    %iota3A = tpu.iota {dimensions = array<i32: 1>} : vector<256x2048xi32>
    %iota3A_25 = tpu.iota {dimensions = array<i32: 1>} : vector<256x32xi32>
    %broadcast_in_dim3A = arith.constant 0 : i32
    %broadcast_in_dim3A_26 = vector.broadcast %broadcast_in_dim3A : i32 to vector<256x32xi32>
    %reduce_max3A = arith.constant dense<0xFF800000> : vector<256xf32>
    %reduce_max3A_27 = vector.multi_reduction <maximumf>, %sub3A_24, %reduce_max3A [1] : vector<256x2048xf32> to vector<256xf32>
    %broadcast_in_dim3A_28 = vector.shape_cast %reduce_max3A_27 : vector<256xf32> to vector<256x1xf32>
    %eq3A = vector.broadcast %broadcast_in_dim3A_28 : vector<256x1xf32> to vector<256x2048xf32>
    %eq3A_29 = arith.cmpf oeq, %sub3A_24, %eq3A : vector<256x2048xf32>
    %jit3A = arith.constant 2048 : i32
    %broadcast_in_dim3A_30 = vector.broadcast %jit3A : i32 to vector<256x2048xi32>
    %select_n3A = arith.select %eq3A_29, %iota3A, %broadcast_in_dim3A_30 : vector<256x2048xi1>, vector<256x2048xi32>
    %reduce_min3A = arith.constant dense<2147483647> : vector<256xi32>
    %reduce_min3A_31 = vector.multi_reduction <minsi>, %select_n3A, %reduce_min3A [1] : vector<256x2048xi32> to vector<256xi32>
    %broadcast_in_dim3A_32 = vector.shape_cast %reduce_min3A_31 : vector<256xi32> to vector<256x1xi32>
    %eq3A_33 = arith.constant 0 : i32
    %eq3A_34 = vector.broadcast %eq3A_33 : i32 to vector<256x32xi32>
    %eq3A_35 = arith.cmpi eq, %iota3A_25, %eq3A_34 : vector<256x32xi32>
    %mul3A_36 = arith.constant 2048 : i32
    %mul3A_37 = arith.muli %arg0, %mul3A_36 : i32
    %add3A = vector.broadcast %mul3A_37 : i32 to vector<256x1xi32>
    %add3A_38 = arith.addi %broadcast_in_dim3A_32, %add3A : vector<256x1xi32>
    %broadcast_in_dim3A_39 = vector.shape_cast %add3A_38 : vector<256x1xi32> to vector<256x1xi32>
    %broadcast_in_dim3A_40 = vector.broadcast %broadcast_in_dim3A_39 : vector<256x1xi32> to vector<256x32xi32>
    %select_n3A_41 = arith.select %eq3A_35, %broadcast_in_dim3A_40, %broadcast_in_dim3A_26 : vector<256x32xi1>, vector<256x32xi32>
    %eq3A_42 = vector.broadcast %broadcast_in_dim3A_32 : vector<256x1xi32> to vector<256x2048xi32>
    %eq3A_43 = arith.cmpi eq, %iota3A, %eq3A_42 : vector<256x2048xi32>
    %jit3A_44 = arith.constant -3.000000e+38 : f32
    %broadcast_in_dim3A_45 = vector.broadcast %jit3A_44 : f32 to vector<256x2048xf32>
    %select_n3A_46 = arith.select %eq3A_43, %broadcast_in_dim3A_45, %sub3A_24 : vector<256x2048xi1>, vector<256x2048xf32>
    %reduce_max3A_47 = arith.constant dense<0xFF800000> : vector<256xf32>
    %reduce_max3A_48 = vector.multi_reduction <maximumf>, %select_n3A_46, %reduce_max3A_47 [1] : vector<256x2048xf32> to vector<256xf32>
    %broadcast_in_dim3A_49 = vector.shape_cast %reduce_max3A_48 : vector<256xf32> to vector<256x1xf32>
    %eq3A_50 = vector.broadcast %broadcast_in_dim3A_49 : vector<256x1xf32> to vector<256x2048xf32>
    %eq3A_51 = arith.cmpf oeq, %select_n3A_46, %eq3A_50 : vector<256x2048xf32>
    %jit3A_52 = arith.constant 2048 : i32
    %broadcast_in_dim3A_53 = vector.broadcast %jit3A_52 : i32 to vector<256x2048xi32>
    %select_n3A_54 = arith.select %eq3A_51, %iota3A, %broadcast_in_dim3A_53 : vector<256x2048xi1>, vector<256x2048xi32>
    %reduce_min3A_55 = arith.constant dense<2147483647> : vector<256xi32>
    %reduce_min3A_56 = vector.multi_reduction <minsi>, %select_n3A_54, %reduce_min3A_55 [1] : vector<256x2048xi32> to vector<256xi32>
    %broadcast_in_dim3A_57 = vector.shape_cast %reduce_min3A_56 : vector<256xi32> to vector<256x1xi32>
    %eq3A_58 = arith.constant 1 : i32
    %eq3A_59 = vector.broadcast %eq3A_58 : i32 to vector<256x32xi32>
    %eq3A_60 = arith.cmpi eq, %iota3A_25, %eq3A_59 : vector<256x32xi32>
    %mul3A_61 = arith.constant 2048 : i32
    %mul3A_62 = arith.muli %arg0, %mul3A_61 : i32
    %add3A_63 = vector.broadcast %mul3A_62 : i32 to vector<256x1xi32>
    %add3A_64 = arith.addi %broadcast_in_dim3A_57, %add3A_63 : vector<256x1xi32>
    %broadcast_in_dim3A_65 = vector.shape_cast %add3A_64 : vector<256x1xi32> to vector<256x1xi32>
    %broadcast_in_dim3A_66 = vector.broadcast %broadcast_in_dim3A_65 : vector<256x1xi32> to vector<256x32xi32>
    %select_n3A_67 = arith.select %eq3A_60, %broadcast_in_dim3A_66, %select_n3A_41 : vector<256x32xi1>, vector<256x32xi32>
    %eq3A_68 = vector.broadcast %broadcast_in_dim3A_57 : vector<256x1xi32> to vector<256x2048xi32>
    %eq3A_69 = arith.cmpi eq, %iota3A, %eq3A_68 : vector<256x2048xi32>
    %jit3A_70 = arith.constant -3.000000e+38 : f32
    %broadcast_in_dim3A_71 = vector.broadcast %jit3A_70 : f32 to vector<256x2048xf32>
    %select_n3A_72 = arith.select %eq3A_69, %broadcast_in_dim3A_71, %select_n3A_46 : vector<256x2048xi1>, vector<256x2048xf32>
    %reduce_max3A_73 = arith.constant dense<0xFF800000> : vector<256xf32>
    %reduce_max3A_74 = vector.multi_reduction <maximumf>, %select_n3A_72, %reduce_max3A_73 [1] : vector<256x2048xf32> to vector<256xf32>
    %broadcast_in_dim3A_75 = vector.shape_cast %reduce_max3A_74 : vector<256xf32> to vector<256x1xf32>
    %eq3A_76 = vector.broadcast %broadcast_in_dim3A_75 : vector<256x1xf32> to vector<256x2048xf32>
    %eq3A_77 = arith.cmpf oeq, %select_n3A_72, %eq3A_76 : vector<256x2048xf32>
    %jit3A_78 = arith.constant 2048 : i32
    %broadcast_in_dim3A_79 = vector.broadcast %jit3A_78 : i32 to vector<256x2048xi32>
    %select_n3A_80 = arith.select %eq3A_77, %iota3A, %broadcast_in_dim3A_79 : vector<256x2048xi1>, vector<256x2048xi32>
    %reduce_min3A_81 = arith.constant dense<2147483647> : vector<256xi32>
    %reduce_min3A_82 = vector.multi_reduction <minsi>, %select_n3A_80, %reduce_min3A_81 [1] : vector<256x2048xi32> to vector<256xi32>
    %broadcast_in_dim3A_83 = vector.shape_cast %reduce_min3A_82 : vector<256xi32> to vector<256x1xi32>
    %eq3A_84 = arith.constant 2 : i32
    %eq3A_85 = vector.broadcast %eq3A_84 : i32 to vector<256x32xi32>
    %eq3A_86 = arith.cmpi eq, %iota3A_25, %eq3A_85 : vector<256x32xi32>
    %mul3A_87 = arith.constant 2048 : i32
    %mul3A_88 = arith.muli %arg0, %mul3A_87 : i32
    %add3A_89 = vector.broadcast %mul3A_88 : i32 to vector<256x1xi32>
    %add3A_90 = arith.addi %broadcast_in_dim3A_83, %add3A_89 : vector<256x1xi32>
    %broadcast_in_dim3A_91 = vector.shape_cast %add3A_90 : vector<256x1xi32> to vector<256x1xi32>
    %broadcast_in_dim3A_92 = vector.broadcast %broadcast_in_dim3A_91 : vector<256x1xi32> to vector<256x32xi32>
    %select_n3A_93 = arith.select %eq3A_86, %broadcast_in_dim3A_92, %select_n3A_67 : vector<256x32xi1>, vector<256x32xi32>
    %eq3A_94 = vector.broadcast %broadcast_in_dim3A_83 : vector<256x1xi32> to vector<256x2048xi32>
    %eq3A_95 = arith.cmpi eq, %iota3A, %eq3A_94 : vector<256x2048xi32>
    %jit3A_96 = arith.constant -3.000000e+38 : f32
    %broadcast_in_dim3A_97 = vector.broadcast %jit3A_96 : f32 to vector<256x2048xf32>
    %select_n3A_98 = arith.select %eq3A_95, %broadcast_in_dim3A_97, %select_n3A_72 : vector<256x2048xi1>, vector<256x2048xf32>
    %reduce_max3A_99 = arith.constant dense<0xFF800000> : vector<256xf32>
    %reduce_max3A_100 = vector.multi_reduction <maximumf>, %select_n3A_98, %reduce_max3A_99 [1] : vector<256x2048xf32> to vector<256xf32>
    %broadcast_in_dim3A_101 = vector.shape_cast %reduce_max3A_100 : vector<256xf32> to vector<256x1xf32>
    %eq3A_102 = vector.broadcast %broadcast_in_dim3A_101 : vector<256x1xf32> to vector<256x2048xf32>
    %eq3A_103 = arith.cmpf oeq, %select_n3A_98, %eq3A_102 : vector<256x2048xf32>
    %jit3A_104 = arith.constant 2048 : i32
    %broadcast_in_dim3A_105 = vector.broadcast %jit3A_104 : i32 to vector<256x2048xi32>
    %select_n3A_106 = arith.select %eq3A_103, %iota3A, %broadcast_in_dim3A_105 : vector<256x2048xi1>, vector<256x2048xi32>
    %reduce_min3A_107 = arith.constant dense<2147483647> : vector<256xi32>
    %reduce_min3A_108 = vector.multi_reduction <minsi>, %select_n3A_106, %reduce_min3A_107 [1] : vector<256x2048xi32> to vector<256xi32>
    %broadcast_in_dim3A_109 = vector.shape_cast %reduce_min3A_108 : vector<256xi32> to vector<256x1xi32>
    %eq3A_110 = arith.constant 3 : i32
    %eq3A_111 = vector.broadcast %eq3A_110 : i32 to vector<256x32xi32>
    %eq3A_112 = arith.cmpi eq, %iota3A_25, %eq3A_111 : vector<256x32xi32>
    %mul3A_113 = arith.constant 2048 : i32
    %mul3A_114 = arith.muli %arg0, %mul3A_113 : i32
    %add3A_115 = vector.broadcast %mul3A_114 : i32 to vector<256x1xi32>
    %add3A_116 = arith.addi %broadcast_in_dim3A_109, %add3A_115 : vector<256x1xi32>
    %broadcast_in_dim3A_117 = vector.shape_cast %add3A_116 : vector<256x1xi32> to vector<256x1xi32>
    %broadcast_in_dim3A_118 = vector.broadcast %broadcast_in_dim3A_117 : vector<256x1xi32> to vector<256x32xi32>
    %select_n3A_119 = arith.select %eq3A_112, %broadcast_in_dim3A_118, %select_n3A_93 : vector<256x32xi1>, vector<256x32xi32>
    %eq3A_120 = vector.broadcast %broadcast_in_dim3A_109 : vector<256x1xi32> to vector<256x2048xi32>
    %eq3A_121 = arith.cmpi eq, %iota3A, %eq3A_120 : vector<256x2048xi32>
    %jit3A_122 = arith.constant -3.000000e+38 : f32
    %broadcast_in_dim3A_123 = vector.broadcast %jit3A_122 : f32 to vector<256x2048xf32>
    %select_n3A_124 = arith.select %eq3A_121, %broadcast_in_dim3A_123, %select_n3A_98 : vector<256x2048xi1>, vector<256x2048xf32>
    %reduce_max3A_125 = arith.constant dense<0xFF800000> : vector<256xf32>
    %reduce_max3A_126 = vector.multi_reduction <maximumf>, %select_n3A_124, %reduce_max3A_125 [1] : vector<256x2048xf32> to vector<256xf32>
    %broadcast_in_dim3A_127 = vector.shape_cast %reduce_max3A_126 : vector<256xf32> to vector<256x1xf32>
    %eq3A_128 = vector.broadcast %broadcast_in_dim3A_127 : vector<256x1xf32> to vector<256x2048xf32>
    %eq3A_129 = arith.cmpf oeq, %select_n3A_124, %eq3A_128 : vector<256x2048xf32>
    %jit3A_130 = arith.constant 2048 : i32
    %broadcast_in_dim3A_131 = vector.broadcast %jit3A_130 : i32 to vector<256x2048xi32>
    %select_n3A_132 = arith.select %eq3A_129, %iota3A, %broadcast_in_dim3A_131 : vector<256x2048xi1>, vector<256x2048xi32>
    %reduce_min3A_133 = arith.constant dense<2147483647> : vector<256xi32>
    %reduce_min3A_134 = vector.multi_reduction <minsi>, %select_n3A_132, %reduce_min3A_133 [1] : vector<256x2048xi32> to vector<256xi32>
    %broadcast_in_dim3A_135 = vector.shape_cast %reduce_min3A_134 : vector<256xi32> to vector<256x1xi32>
    %eq3A_136 = arith.constant 4 : i32
    %eq3A_137 = vector.broadcast %eq3A_136 : i32 to vector<256x32xi32>
    %eq3A_138 = arith.cmpi eq, %iota3A_25, %eq3A_137 : vector<256x32xi32>
    %mul3A_139 = arith.constant 2048 : i32
    %mul3A_140 = arith.muli %arg0, %mul3A_139 : i32
    %add3A_141 = vector.broadcast %mul3A_140 : i32 to vector<256x1xi32>
    %add3A_142 = arith.addi %broadcast_in_dim3A_135, %add3A_141 : vector<256x1xi32>
    %broadcast_in_dim3A_143 = vector.shape_cast %add3A_142 : vector<256x1xi32> to vector<256x1xi32>
    %broadcast_in_dim3A_144 = vector.broadcast %broadcast_in_dim3A_143 : vector<256x1xi32> to vector<256x32xi32>
    %select_n3A_145 = arith.select %eq3A_138, %broadcast_in_dim3A_144, %select_n3A_119 : vector<256x32xi1>, vector<256x32xi32>
    %eq3A_146 = vector.broadcast %broadcast_in_dim3A_135 : vector<256x1xi32> to vector<256x2048xi32>
    %eq3A_147 = arith.cmpi eq, %iota3A, %eq3A_146 : vector<256x2048xi32>
    %jit3A_148 = arith.constant -3.000000e+38 : f32
    %broadcast_in_dim3A_149 = vector.broadcast %jit3A_148 : f32 to vector<256x2048xf32>
    %select_n3A_150 = arith.select %eq3A_147, %broadcast_in_dim3A_149, %select_n3A_124 : vector<256x2048xi1>, vector<256x2048xf32>
    %reduce_max3A_151 = arith.constant dense<0xFF800000> : vector<256xf32>
    %reduce_max3A_152 = vector.multi_reduction <maximumf>, %select_n3A_150, %reduce_max3A_151 [1] : vector<256x2048xf32> to vector<256xf32>
    %broadcast_in_dim3A_153 = vector.shape_cast %reduce_max3A_152 : vector<256xf32> to vector<256x1xf32>
    %eq3A_154 = vector.broadcast %broadcast_in_dim3A_153 : vector<256x1xf32> to vector<256x2048xf32>
    %eq3A_155 = arith.cmpf oeq, %select_n3A_150, %eq3A_154 : vector<256x2048xf32>
    %jit3A_156 = arith.constant 2048 : i32
    %broadcast_in_dim3A_157 = vector.broadcast %jit3A_156 : i32 to vector<256x2048xi32>
    %select_n3A_158 = arith.select %eq3A_155, %iota3A, %broadcast_in_dim3A_157 : vector<256x2048xi1>, vector<256x2048xi32>
    %reduce_min3A_159 = arith.constant dense<2147483647> : vector<256xi32>
    %reduce_min3A_160 = vector.multi_reduction <minsi>, %select_n3A_158, %reduce_min3A_159 [1] : vector<256x2048xi32> to vector<256xi32>
    %broadcast_in_dim3A_161 = vector.shape_cast %reduce_min3A_160 : vector<256xi32> to vector<256x1xi32>
    %eq3A_162 = arith.constant 5 : i32
    %eq3A_163 = vector.broadcast %eq3A_162 : i32 to vector<256x32xi32>
    %eq3A_164 = arith.cmpi eq, %iota3A_25, %eq3A_163 : vector<256x32xi32>
    %mul3A_165 = arith.constant 2048 : i32
    %mul3A_166 = arith.muli %arg0, %mul3A_165 : i32
    %add3A_167 = vector.broadcast %mul3A_166 : i32 to vector<256x1xi32>
    %add3A_168 = arith.addi %broadcast_in_dim3A_161, %add3A_167 : vector<256x1xi32>
    %broadcast_in_dim3A_169 = vector.shape_cast %add3A_168 : vector<256x1xi32> to vector<256x1xi32>
    %broadcast_in_dim3A_170 = vector.broadcast %broadcast_in_dim3A_169 : vector<256x1xi32> to vector<256x32xi32>
    %select_n3A_171 = arith.select %eq3A_164, %broadcast_in_dim3A_170, %select_n3A_145 : vector<256x32xi1>, vector<256x32xi32>
    %eq3A_172 = vector.broadcast %broadcast_in_dim3A_161 : vector<256x1xi32> to vector<256x2048xi32>
    %eq3A_173 = arith.cmpi eq, %iota3A, %eq3A_172 : vector<256x2048xi32>
    %jit3A_174 = arith.constant -3.000000e+38 : f32
    %broadcast_in_dim3A_175 = vector.broadcast %jit3A_174 : f32 to vector<256x2048xf32>
    %select_n3A_176 = arith.select %eq3A_173, %broadcast_in_dim3A_175, %select_n3A_150 : vector<256x2048xi1>, vector<256x2048xf32>
    %reduce_max3A_177 = arith.constant dense<0xFF800000> : vector<256xf32>
    %reduce_max3A_178 = vector.multi_reduction <maximumf>, %select_n3A_176, %reduce_max3A_177 [1] : vector<256x2048xf32> to vector<256xf32>
    %broadcast_in_dim3A_179 = vector.shape_cast %reduce_max3A_178 : vector<256xf32> to vector<256x1xf32>
    %eq3A_180 = vector.broadcast %broadcast_in_dim3A_179 : vector<256x1xf32> to vector<256x2048xf32>
    %eq3A_181 = arith.cmpf oeq, %select_n3A_176, %eq3A_180 : vector<256x2048xf32>
    %jit3A_182 = arith.constant 2048 : i32
    %broadcast_in_dim3A_183 = vector.broadcast %jit3A_182 : i32 to vector<256x2048xi32>
    %select_n3A_184 = arith.select %eq3A_181, %iota3A, %broadcast_in_dim3A_183 : vector<256x2048xi1>, vector<256x2048xi32>
    %reduce_min3A_185 = arith.constant dense<2147483647> : vector<256xi32>
    %reduce_min3A_186 = vector.multi_reduction <minsi>, %select_n3A_184, %reduce_min3A_185 [1] : vector<256x2048xi32> to vector<256xi32>
    %broadcast_in_dim3A_187 = vector.shape_cast %reduce_min3A_186 : vector<256xi32> to vector<256x1xi32>
    %eq3A_188 = arith.constant 6 : i32
    %eq3A_189 = vector.broadcast %eq3A_188 : i32 to vector<256x32xi32>
    %eq3A_190 = arith.cmpi eq, %iota3A_25, %eq3A_189 : vector<256x32xi32>
    %mul3A_191 = arith.constant 2048 : i32
    %mul3A_192 = arith.muli %arg0, %mul3A_191 : i32
    %add3A_193 = vector.broadcast %mul3A_192 : i32 to vector<256x1xi32>
    %add3A_194 = arith.addi %broadcast_in_dim3A_187, %add3A_193 : vector<256x1xi32>
    %broadcast_in_dim3A_195 = vector.shape_cast %add3A_194 : vector<256x1xi32> to vector<256x1xi32>
    %broadcast_in_dim3A_196 = vector.broadcast %broadcast_in_dim3A_195 : vector<256x1xi32> to vector<256x32xi32>
    %select_n3A_197 = arith.select %eq3A_190, %broadcast_in_dim3A_196, %select_n3A_171 : vector<256x32xi1>, vector<256x32xi32>
    %eq3A_198 = vector.broadcast %broadcast_in_dim3A_187 : vector<256x1xi32> to vector<256x2048xi32>
    %eq3A_199 = arith.cmpi eq, %iota3A, %eq3A_198 : vector<256x2048xi32>
    %jit3A_200 = arith.constant -3.000000e+38 : f32
    %broadcast_in_dim3A_201 = vector.broadcast %jit3A_200 : f32 to vector<256x2048xf32>
    %select_n3A_202 = arith.select %eq3A_199, %broadcast_in_dim3A_201, %select_n3A_176 : vector<256x2048xi1>, vector<256x2048xf32>
    %reduce_max3A_203 = arith.constant dense<0xFF800000> : vector<256xf32>
    %reduce_max3A_204 = vector.multi_reduction <maximumf>, %select_n3A_202, %reduce_max3A_203 [1] : vector<256x2048xf32> to vector<256xf32>
    %broadcast_in_dim3A_205 = vector.shape_cast %reduce_max3A_204 : vector<256xf32> to vector<256x1xf32>
    %eq3A_206 = vector.broadcast %broadcast_in_dim3A_205 : vector<256x1xf32> to vector<256x2048xf32>
    %eq3A_207 = arith.cmpf oeq, %select_n3A_202, %eq3A_206 : vector<256x2048xf32>
    %jit3A_208 = arith.constant 2048 : i32
    %broadcast_in_dim3A_209 = vector.broadcast %jit3A_208 : i32 to vector<256x2048xi32>
    %select_n3A_210 = arith.select %eq3A_207, %iota3A, %broadcast_in_dim3A_209 : vector<256x2048xi1>, vector<256x2048xi32>
    %reduce_min3A_211 = arith.constant dense<2147483647> : vector<256xi32>
    %reduce_min3A_212 = vector.multi_reduction <minsi>, %select_n3A_210, %reduce_min3A_211 [1] : vector<256x2048xi32> to vector<256xi32>
    %broadcast_in_dim3A_213 = vector.shape_cast %reduce_min3A_212 : vector<256xi32> to vector<256x1xi32>
    %eq3A_214 = arith.constant 7 : i32
    %eq3A_215 = vector.broadcast %eq3A_214 : i32 to vector<256x32xi32>
    %eq3A_216 = arith.cmpi eq, %iota3A_25, %eq3A_215 : vector<256x32xi32>
    %mul3A_217 = arith.constant 2048 : i32
    %mul3A_218 = arith.muli %arg0, %mul3A_217 : i32
    %add3A_219 = vector.broadcast %mul3A_218 : i32 to vector<256x1xi32>
    %add3A_220 = arith.addi %broadcast_in_dim3A_213, %add3A_219 : vector<256x1xi32>
    %broadcast_in_dim3A_221 = vector.shape_cast %add3A_220 : vector<256x1xi32> to vector<256x1xi32>
    %broadcast_in_dim3A_222 = vector.broadcast %broadcast_in_dim3A_221 : vector<256x1xi32> to vector<256x32xi32>
    %select_n3A_223 = arith.select %eq3A_216, %broadcast_in_dim3A_222, %select_n3A_197 : vector<256x32xi1>, vector<256x32xi32>
    %eq3A_224 = vector.broadcast %broadcast_in_dim3A_213 : vector<256x1xi32> to vector<256x2048xi32>
    %eq3A_225 = arith.cmpi eq, %iota3A, %eq3A_224 : vector<256x2048xi32>
    %jit3A_226 = arith.constant -3.000000e+38 : f32
    %broadcast_in_dim3A_227 = vector.broadcast %jit3A_226 : f32 to vector<256x2048xf32>
    %select_n3A_228 = arith.select %eq3A_225, %broadcast_in_dim3A_227, %select_n3A_202 : vector<256x2048xi1>, vector<256x2048xf32>
    %reduce_max3A_229 = arith.constant dense<0xFF800000> : vector<256xf32>
    %reduce_max3A_230 = vector.multi_reduction <maximumf>, %select_n3A_228, %reduce_max3A_229 [1] : vector<256x2048xf32> to vector<256xf32>
    %broadcast_in_dim3A_231 = vector.shape_cast %reduce_max3A_230 : vector<256xf32> to vector<256x1xf32>
    %eq3A_232 = vector.broadcast %broadcast_in_dim3A_231 : vector<256x1xf32> to vector<256x2048xf32>
    %eq3A_233 = arith.cmpf oeq, %select_n3A_228, %eq3A_232 : vector<256x2048xf32>
    %jit3A_234 = arith.constant 2048 : i32
    %broadcast_in_dim3A_235 = vector.broadcast %jit3A_234 : i32 to vector<256x2048xi32>
    %select_n3A_236 = arith.select %eq3A_233, %iota3A, %broadcast_in_dim3A_235 : vector<256x2048xi1>, vector<256x2048xi32>
    %reduce_min3A_237 = arith.constant dense<2147483647> : vector<256xi32>
    %reduce_min3A_238 = vector.multi_reduction <minsi>, %select_n3A_236, %reduce_min3A_237 [1] : vector<256x2048xi32> to vector<256xi32>
    %broadcast_in_dim3A_239 = vector.shape_cast %reduce_min3A_238 : vector<256xi32> to vector<256x1xi32>
    %eq3A_240 = arith.constant 8 : i32
    %eq3A_241 = vector.broadcast %eq3A_240 : i32 to vector<256x32xi32>
    %eq3A_242 = arith.cmpi eq, %iota3A_25, %eq3A_241 : vector<256x32xi32>
    %mul3A_243 = arith.constant 2048 : i32
    %mul3A_244 = arith.muli %arg0, %mul3A_243 : i32
    %add3A_245 = vector.broadcast %mul3A_244 : i32 to vector<256x1xi32>
    %add3A_246 = arith.addi %broadcast_in_dim3A_239, %add3A_245 : vector<256x1xi32>
    %broadcast_in_dim3A_247 = vector.shape_cast %add3A_246 : vector<256x1xi32> to vector<256x1xi32>
    %broadcast_in_dim3A_248 = vector.broadcast %broadcast_in_dim3A_247 : vector<256x1xi32> to vector<256x32xi32>
    %select_n3A_249 = arith.select %eq3A_242, %broadcast_in_dim3A_248, %select_n3A_223 : vector<256x32xi1>, vector<256x32xi32>
    %eq3A_250 = vector.broadcast %broadcast_in_dim3A_239 : vector<256x1xi32> to vector<256x2048xi32>
    %eq3A_251 = arith.cmpi eq, %iota3A, %eq3A_250 : vector<256x2048xi32>
    %jit3A_252 = arith.constant -3.000000e+38 : f32
    %broadcast_in_dim3A_253 = vector.broadcast %jit3A_252 : f32 to vector<256x2048xf32>
    %select_n3A_254 = arith.select %eq3A_251, %broadcast_in_dim3A_253, %select_n3A_228 : vector<256x2048xi1>, vector<256x2048xf32>
    %reduce_max3A_255 = arith.constant dense<0xFF800000> : vector<256xf32>
    %reduce_max3A_256 = vector.multi_reduction <maximumf>, %select_n3A_254, %reduce_max3A_255 [1] : vector<256x2048xf32> to vector<256xf32>
    %broadcast_in_dim3A_257 = vector.shape_cast %reduce_max3A_256 : vector<256xf32> to vector<256x1xf32>
    %eq3A_258 = vector.broadcast %broadcast_in_dim3A_257 : vector<256x1xf32> to vector<256x2048xf32>
    %eq3A_259 = arith.cmpf oeq, %select_n3A_254, %eq3A_258 : vector<256x2048xf32>
    %jit3A_260 = arith.constant 2048 : i32
    %broadcast_in_dim3A_261 = vector.broadcast %jit3A_260 : i32 to vector<256x2048xi32>
    %select_n3A_262 = arith.select %eq3A_259, %iota3A, %broadcast_in_dim3A_261 : vector<256x2048xi1>, vector<256x2048xi32>
    %reduce_min3A_263 = arith.constant dense<2147483647> : vector<256xi32>
    %reduce_min3A_264 = vector.multi_reduction <minsi>, %select_n3A_262, %reduce_min3A_263 [1] : vector<256x2048xi32> to vector<256xi32>
    %broadcast_in_dim3A_265 = vector.shape_cast %reduce_min3A_264 : vector<256xi32> to vector<256x1xi32>
    %eq3A_266 = arith.constant 9 : i32
    %eq3A_267 = vector.broadcast %eq3A_266 : i32 to vector<256x32xi32>
    %eq3A_268 = arith.cmpi eq, %iota3A_25, %eq3A_267 : vector<256x32xi32>
    %mul3A_269 = arith.constant 2048 : i32
    %mul3A_270 = arith.muli %arg0, %mul3A_269 : i32
    %add3A_271 = vector.broadcast %mul3A_270 : i32 to vector<256x1xi32>
    %add3A_272 = arith.addi %broadcast_in_dim3A_265, %add3A_271 : vector<256x1xi32>
    %broadcast_in_dim3A_273 = vector.shape_cast %add3A_272 : vector<256x1xi32> to vector<256x1xi32>
    %broadcast_in_dim3A_274 = vector.broadcast %broadcast_in_dim3A_273 : vector<256x1xi32> to vector<256x32xi32>
    %select_n3A_275 = arith.select %eq3A_268, %broadcast_in_dim3A_274, %select_n3A_249 : vector<256x32xi1>, vector<256x32xi32>
    %eq3A_276 = vector.broadcast %broadcast_in_dim3A_265 : vector<256x1xi32> to vector<256x2048xi32>
    %eq3A_277 = arith.cmpi eq, %iota3A, %eq3A_276 : vector<256x2048xi32>
    %jit3A_278 = arith.constant -3.000000e+38 : f32
    %broadcast_in_dim3A_279 = vector.broadcast %jit3A_278 : f32 to vector<256x2048xf32>
    %select_n3A_280 = arith.select %eq3A_277, %broadcast_in_dim3A_279, %select_n3A_254 : vector<256x2048xi1>, vector<256x2048xf32>
    %reduce_max3A_281 = arith.constant dense<0xFF800000> : vector<256xf32>
    %reduce_max3A_282 = vector.multi_reduction <maximumf>, %select_n3A_280, %reduce_max3A_281 [1] : vector<256x2048xf32> to vector<256xf32>
    %broadcast_in_dim3A_283 = vector.shape_cast %reduce_max3A_282 : vector<256xf32> to vector<256x1xf32>
    %eq3A_284 = vector.broadcast %broadcast_in_dim3A_283 : vector<256x1xf32> to vector<256x2048xf32>
    %eq3A_285 = arith.cmpf oeq, %select_n3A_280, %eq3A_284 : vector<256x2048xf32>
    %jit3A_286 = arith.constant 2048 : i32
    %broadcast_in_dim3A_287 = vector.broadcast %jit3A_286 : i32 to vector<256x2048xi32>
    %select_n3A_288 = arith.select %eq3A_285, %iota3A, %broadcast_in_dim3A_287 : vector<256x2048xi1>, vector<256x2048xi32>
    %reduce_min3A_289 = arith.constant dense<2147483647> : vector<256xi32>
    %reduce_min3A_290 = vector.multi_reduction <minsi>, %select_n3A_288, %reduce_min3A_289 [1] : vector<256x2048xi32> to vector<256xi32>
    %broadcast_in_dim3A_291 = vector.shape_cast %reduce_min3A_290 : vector<256xi32> to vector<256x1xi32>
    %eq3A_292 = arith.constant 10 : i32
    %eq3A_293 = vector.broadcast %eq3A_292 : i32 to vector<256x32xi32>
    %eq3A_294 = arith.cmpi eq, %iota3A_25, %eq3A_293 : vector<256x32xi32>
    %mul3A_295 = arith.constant 2048 : i32
    %mul3A_296 = arith.muli %arg0, %mul3A_295 : i32
    %add3A_297 = vector.broadcast %mul3A_296 : i32 to vector<256x1xi32>
    %add3A_298 = arith.addi %broadcast_in_dim3A_291, %add3A_297 : vector<256x1xi32>
    %broadcast_in_dim3A_299 = vector.shape_cast %add3A_298 : vector<256x1xi32> to vector<256x1xi32>
    %broadcast_in_dim3A_300 = vector.broadcast %broadcast_in_dim3A_299 : vector<256x1xi32> to vector<256x32xi32>
    %select_n3A_301 = arith.select %eq3A_294, %broadcast_in_dim3A_300, %select_n3A_275 : vector<256x32xi1>, vector<256x32xi32>
    %eq3A_302 = vector.broadcast %broadcast_in_dim3A_291 : vector<256x1xi32> to vector<256x2048xi32>
    %eq3A_303 = arith.cmpi eq, %iota3A, %eq3A_302 : vector<256x2048xi32>
    %jit3A_304 = arith.constant -3.000000e+38 : f32
    %broadcast_in_dim3A_305 = vector.broadcast %jit3A_304 : f32 to vector<256x2048xf32>
    %select_n3A_306 = arith.select %eq3A_303, %broadcast_in_dim3A_305, %select_n3A_280 : vector<256x2048xi1>, vector<256x2048xf32>
    %reduce_max3A_307 = arith.constant dense<0xFF800000> : vector<256xf32>
    %reduce_max3A_308 = vector.multi_reduction <maximumf>, %select_n3A_306, %reduce_max3A_307 [1] : vector<256x2048xf32> to vector<256xf32>
    %broadcast_in_dim3A_309 = vector.shape_cast %reduce_max3A_308 : vector<256xf32> to vector<256x1xf32>
    %eq3A_310 = vector.broadcast %broadcast_in_dim3A_309 : vector<256x1xf32> to vector<256x2048xf32>
    %eq3A_311 = arith.cmpf oeq, %select_n3A_306, %eq3A_310 : vector<256x2048xf32>
    %jit3A_312 = arith.constant 2048 : i32
    %broadcast_in_dim3A_313 = vector.broadcast %jit3A_312 : i32 to vector<256x2048xi32>
    %select_n3A_314 = arith.select %eq3A_311, %iota3A, %broadcast_in_dim3A_313 : vector<256x2048xi1>, vector<256x2048xi32>
    %reduce_min3A_315 = arith.constant dense<2147483647> : vector<256xi32>
    %reduce_min3A_316 = vector.multi_reduction <minsi>, %select_n3A_314, %reduce_min3A_315 [1] : vector<256x2048xi32> to vector<256xi32>
    %broadcast_in_dim3A_317 = vector.shape_cast %reduce_min3A_316 : vector<256xi32> to vector<256x1xi32>
    %eq3A_318 = arith.constant 11 : i32
    %eq3A_319 = vector.broadcast %eq3A_318 : i32 to vector<256x32xi32>
    %eq3A_320 = arith.cmpi eq, %iota3A_25, %eq3A_319 : vector<256x32xi32>
    %mul3A_321 = arith.constant 2048 : i32
    %mul3A_322 = arith.muli %arg0, %mul3A_321 : i32
    %add3A_323 = vector.broadcast %mul3A_322 : i32 to vector<256x1xi32>
    %add3A_324 = arith.addi %broadcast_in_dim3A_317, %add3A_323 : vector<256x1xi32>
    %broadcast_in_dim3A_325 = vector.shape_cast %add3A_324 : vector<256x1xi32> to vector<256x1xi32>
    %broadcast_in_dim3A_326 = vector.broadcast %broadcast_in_dim3A_325 : vector<256x1xi32> to vector<256x32xi32>
    %select_n3A_327 = arith.select %eq3A_320, %broadcast_in_dim3A_326, %select_n3A_301 : vector<256x32xi1>, vector<256x32xi32>
    %eq3A_328 = vector.broadcast %broadcast_in_dim3A_317 : vector<256x1xi32> to vector<256x2048xi32>
    %eq3A_329 = arith.cmpi eq, %iota3A, %eq3A_328 : vector<256x2048xi32>
    %jit3A_330 = arith.constant -3.000000e+38 : f32
    %broadcast_in_dim3A_331 = vector.broadcast %jit3A_330 : f32 to vector<256x2048xf32>
    %select_n3A_332 = arith.select %eq3A_329, %broadcast_in_dim3A_331, %select_n3A_306 : vector<256x2048xi1>, vector<256x2048xf32>
    %reduce_max3A_333 = arith.constant dense<0xFF800000> : vector<256xf32>
    %reduce_max3A_334 = vector.multi_reduction <maximumf>, %select_n3A_332, %reduce_max3A_333 [1] : vector<256x2048xf32> to vector<256xf32>
    %broadcast_in_dim3A_335 = vector.shape_cast %reduce_max3A_334 : vector<256xf32> to vector<256x1xf32>
    %eq3A_336 = vector.broadcast %broadcast_in_dim3A_335 : vector<256x1xf32> to vector<256x2048xf32>
    %eq3A_337 = arith.cmpf oeq, %select_n3A_332, %eq3A_336 : vector<256x2048xf32>
    %jit3A_338 = arith.constant 2048 : i32
    %broadcast_in_dim3A_339 = vector.broadcast %jit3A_338 : i32 to vector<256x2048xi32>
    %select_n3A_340 = arith.select %eq3A_337, %iota3A, %broadcast_in_dim3A_339 : vector<256x2048xi1>, vector<256x2048xi32>
    %reduce_min3A_341 = arith.constant dense<2147483647> : vector<256xi32>
    %reduce_min3A_342 = vector.multi_reduction <minsi>, %select_n3A_340, %reduce_min3A_341 [1] : vector<256x2048xi32> to vector<256xi32>
    %broadcast_in_dim3A_343 = vector.shape_cast %reduce_min3A_342 : vector<256xi32> to vector<256x1xi32>
    %eq3A_344 = arith.constant 12 : i32
    %eq3A_345 = vector.broadcast %eq3A_344 : i32 to vector<256x32xi32>
    %eq3A_346 = arith.cmpi eq, %iota3A_25, %eq3A_345 : vector<256x32xi32>
    %mul3A_347 = arith.constant 2048 : i32
    %mul3A_348 = arith.muli %arg0, %mul3A_347 : i32
    %add3A_349 = vector.broadcast %mul3A_348 : i32 to vector<256x1xi32>
    %add3A_350 = arith.addi %broadcast_in_dim3A_343, %add3A_349 : vector<256x1xi32>
    %broadcast_in_dim3A_351 = vector.shape_cast %add3A_350 : vector<256x1xi32> to vector<256x1xi32>
    %broadcast_in_dim3A_352 = vector.broadcast %broadcast_in_dim3A_351 : vector<256x1xi32> to vector<256x32xi32>
    %select_n3A_353 = arith.select %eq3A_346, %broadcast_in_dim3A_352, %select_n3A_327 : vector<256x32xi1>, vector<256x32xi32>
    %eq3A_354 = vector.broadcast %broadcast_in_dim3A_343 : vector<256x1xi32> to vector<256x2048xi32>
    %eq3A_355 = arith.cmpi eq, %iota3A, %eq3A_354 : vector<256x2048xi32>
    %jit3A_356 = arith.constant -3.000000e+38 : f32
    %broadcast_in_dim3A_357 = vector.broadcast %jit3A_356 : f32 to vector<256x2048xf32>
    %select_n3A_358 = arith.select %eq3A_355, %broadcast_in_dim3A_357, %select_n3A_332 : vector<256x2048xi1>, vector<256x2048xf32>
    %reduce_max3A_359 = arith.constant dense<0xFF800000> : vector<256xf32>
    %reduce_max3A_360 = vector.multi_reduction <maximumf>, %select_n3A_358, %reduce_max3A_359 [1] : vector<256x2048xf32> to vector<256xf32>
    %broadcast_in_dim3A_361 = vector.shape_cast %reduce_max3A_360 : vector<256xf32> to vector<256x1xf32>
    %eq3A_362 = vector.broadcast %broadcast_in_dim3A_361 : vector<256x1xf32> to vector<256x2048xf32>
    %eq3A_363 = arith.cmpf oeq, %select_n3A_358, %eq3A_362 : vector<256x2048xf32>
    %jit3A_364 = arith.constant 2048 : i32
    %broadcast_in_dim3A_365 = vector.broadcast %jit3A_364 : i32 to vector<256x2048xi32>
    %select_n3A_366 = arith.select %eq3A_363, %iota3A, %broadcast_in_dim3A_365 : vector<256x2048xi1>, vector<256x2048xi32>
    %reduce_min3A_367 = arith.constant dense<2147483647> : vector<256xi32>
    %reduce_min3A_368 = vector.multi_reduction <minsi>, %select_n3A_366, %reduce_min3A_367 [1] : vector<256x2048xi32> to vector<256xi32>
    %broadcast_in_dim3A_369 = vector.shape_cast %reduce_min3A_368 : vector<256xi32> to vector<256x1xi32>
    %eq3A_370 = arith.constant 13 : i32
    %eq3A_371 = vector.broadcast %eq3A_370 : i32 to vector<256x32xi32>
    %eq3A_372 = arith.cmpi eq, %iota3A_25, %eq3A_371 : vector<256x32xi32>
    %mul3A_373 = arith.constant 2048 : i32
    %mul3A_374 = arith.muli %arg0, %mul3A_373 : i32
    %add3A_375 = vector.broadcast %mul3A_374 : i32 to vector<256x1xi32>
    %add3A_376 = arith.addi %broadcast_in_dim3A_369, %add3A_375 : vector<256x1xi32>
    %broadcast_in_dim3A_377 = vector.shape_cast %add3A_376 : vector<256x1xi32> to vector<256x1xi32>
    %broadcast_in_dim3A_378 = vector.broadcast %broadcast_in_dim3A_377 : vector<256x1xi32> to vector<256x32xi32>
    %select_n3A_379 = arith.select %eq3A_372, %broadcast_in_dim3A_378, %select_n3A_353 : vector<256x32xi1>, vector<256x32xi32>
    %eq3A_380 = vector.broadcast %broadcast_in_dim3A_369 : vector<256x1xi32> to vector<256x2048xi32>
    %eq3A_381 = arith.cmpi eq, %iota3A, %eq3A_380 : vector<256x2048xi32>
    %jit3A_382 = arith.constant -3.000000e+38 : f32
    %broadcast_in_dim3A_383 = vector.broadcast %jit3A_382 : f32 to vector<256x2048xf32>
    %select_n3A_384 = arith.select %eq3A_381, %broadcast_in_dim3A_383, %select_n3A_358 : vector<256x2048xi1>, vector<256x2048xf32>
    %reduce_max3A_385 = arith.constant dense<0xFF800000> : vector<256xf32>
    %reduce_max3A_386 = vector.multi_reduction <maximumf>, %select_n3A_384, %reduce_max3A_385 [1] : vector<256x2048xf32> to vector<256xf32>
    %broadcast_in_dim3A_387 = vector.shape_cast %reduce_max3A_386 : vector<256xf32> to vector<256x1xf32>
    %eq3A_388 = vector.broadcast %broadcast_in_dim3A_387 : vector<256x1xf32> to vector<256x2048xf32>
    %eq3A_389 = arith.cmpf oeq, %select_n3A_384, %eq3A_388 : vector<256x2048xf32>
    %jit3A_390 = arith.constant 2048 : i32
    %broadcast_in_dim3A_391 = vector.broadcast %jit3A_390 : i32 to vector<256x2048xi32>
    %select_n3A_392 = arith.select %eq3A_389, %iota3A, %broadcast_in_dim3A_391 : vector<256x2048xi1>, vector<256x2048xi32>
    %reduce_min3A_393 = arith.constant dense<2147483647> : vector<256xi32>
    %reduce_min3A_394 = vector.multi_reduction <minsi>, %select_n3A_392, %reduce_min3A_393 [1] : vector<256x2048xi32> to vector<256xi32>
    %broadcast_in_dim3A_395 = vector.shape_cast %reduce_min3A_394 : vector<256xi32> to vector<256x1xi32>
    %eq3A_396 = arith.constant 14 : i32
    %eq3A_397 = vector.broadcast %eq3A_396 : i32 to vector<256x32xi32>
    %eq3A_398 = arith.cmpi eq, %iota3A_25, %eq3A_397 : vector<256x32xi32>
    %mul3A_399 = arith.constant 2048 : i32
    %mul3A_400 = arith.muli %arg0, %mul3A_399 : i32
    %add3A_401 = vector.broadcast %mul3A_400 : i32 to vector<256x1xi32>
    %add3A_402 = arith.addi %broadcast_in_dim3A_395, %add3A_401 : vector<256x1xi32>
    %broadcast_in_dim3A_403 = vector.shape_cast %add3A_402 : vector<256x1xi32> to vector<256x1xi32>
    %broadcast_in_dim3A_404 = vector.broadcast %broadcast_in_dim3A_403 : vector<256x1xi32> to vector<256x32xi32>
    %select_n3A_405 = arith.select %eq3A_398, %broadcast_in_dim3A_404, %select_n3A_379 : vector<256x32xi1>, vector<256x32xi32>
    %eq3A_406 = vector.broadcast %broadcast_in_dim3A_395 : vector<256x1xi32> to vector<256x2048xi32>
    %eq3A_407 = arith.cmpi eq, %iota3A, %eq3A_406 : vector<256x2048xi32>
    %jit3A_408 = arith.constant -3.000000e+38 : f32
    %broadcast_in_dim3A_409 = vector.broadcast %jit3A_408 : f32 to vector<256x2048xf32>
    %select_n3A_410 = arith.select %eq3A_407, %broadcast_in_dim3A_409, %select_n3A_384 : vector<256x2048xi1>, vector<256x2048xf32>
    %reduce_max3A_411 = arith.constant dense<0xFF800000> : vector<256xf32>
    %reduce_max3A_412 = vector.multi_reduction <maximumf>, %select_n3A_410, %reduce_max3A_411 [1] : vector<256x2048xf32> to vector<256xf32>
    %broadcast_in_dim3A_413 = vector.shape_cast %reduce_max3A_412 : vector<256xf32> to vector<256x1xf32>
    %eq3A_414 = vector.broadcast %broadcast_in_dim3A_413 : vector<256x1xf32> to vector<256x2048xf32>
    %eq3A_415 = arith.cmpf oeq, %select_n3A_410, %eq3A_414 : vector<256x2048xf32>
    %jit3A_416 = arith.constant 2048 : i32
    %broadcast_in_dim3A_417 = vector.broadcast %jit3A_416 : i32 to vector<256x2048xi32>
    %select_n3A_418 = arith.select %eq3A_415, %iota3A, %broadcast_in_dim3A_417 : vector<256x2048xi1>, vector<256x2048xi32>
    %reduce_min3A_419 = arith.constant dense<2147483647> : vector<256xi32>
    %reduce_min3A_420 = vector.multi_reduction <minsi>, %select_n3A_418, %reduce_min3A_419 [1] : vector<256x2048xi32> to vector<256xi32>
    %broadcast_in_dim3A_421 = vector.shape_cast %reduce_min3A_420 : vector<256xi32> to vector<256x1xi32>
    %eq3A_422 = arith.constant 15 : i32
    %eq3A_423 = vector.broadcast %eq3A_422 : i32 to vector<256x32xi32>
    %eq3A_424 = arith.cmpi eq, %iota3A_25, %eq3A_423 : vector<256x32xi32>
    %mul3A_425 = arith.constant 2048 : i32
    %mul3A_426 = arith.muli %arg0, %mul3A_425 : i32
    %add3A_427 = vector.broadcast %mul3A_426 : i32 to vector<256x1xi32>
    %add3A_428 = arith.addi %broadcast_in_dim3A_421, %add3A_427 : vector<256x1xi32>
    %broadcast_in_dim3A_429 = vector.shape_cast %add3A_428 : vector<256x1xi32> to vector<256x1xi32>
    %broadcast_in_dim3A_430 = vector.broadcast %broadcast_in_dim3A_429 : vector<256x1xi32> to vector<256x32xi32>
    %select_n3A_431 = arith.select %eq3A_424, %broadcast_in_dim3A_430, %select_n3A_405 : vector<256x32xi1>, vector<256x32xi32>
    %eq3A_432 = vector.broadcast %broadcast_in_dim3A_421 : vector<256x1xi32> to vector<256x2048xi32>
    %eq3A_433 = arith.cmpi eq, %iota3A, %eq3A_432 : vector<256x2048xi32>
    %jit3A_434 = arith.constant -3.000000e+38 : f32
    %broadcast_in_dim3A_435 = vector.broadcast %jit3A_434 : f32 to vector<256x2048xf32>
    %select_n3A_436 = arith.select %eq3A_433, %broadcast_in_dim3A_435, %select_n3A_410 : vector<256x2048xi1>, vector<256x2048xf32>
    %reduce_max3A_437 = arith.constant dense<0xFF800000> : vector<256xf32>
    %reduce_max3A_438 = vector.multi_reduction <maximumf>, %select_n3A_436, %reduce_max3A_437 [1] : vector<256x2048xf32> to vector<256xf32>
    %broadcast_in_dim3A_439 = vector.shape_cast %reduce_max3A_438 : vector<256xf32> to vector<256x1xf32>
    %eq3A_440 = vector.broadcast %broadcast_in_dim3A_439 : vector<256x1xf32> to vector<256x2048xf32>
    %eq3A_441 = arith.cmpf oeq, %select_n3A_436, %eq3A_440 : vector<256x2048xf32>
    %jit3A_442 = arith.constant 2048 : i32
    %broadcast_in_dim3A_443 = vector.broadcast %jit3A_442 : i32 to vector<256x2048xi32>
    %select_n3A_444 = arith.select %eq3A_441, %iota3A, %broadcast_in_dim3A_443 : vector<256x2048xi1>, vector<256x2048xi32>
    %reduce_min3A_445 = arith.constant dense<2147483647> : vector<256xi32>
    %reduce_min3A_446 = vector.multi_reduction <minsi>, %select_n3A_444, %reduce_min3A_445 [1] : vector<256x2048xi32> to vector<256xi32>
    %broadcast_in_dim3A_447 = vector.shape_cast %reduce_min3A_446 : vector<256xi32> to vector<256x1xi32>
    %eq3A_448 = arith.constant 16 : i32
    %eq3A_449 = vector.broadcast %eq3A_448 : i32 to vector<256x32xi32>
    %eq3A_450 = arith.cmpi eq, %iota3A_25, %eq3A_449 : vector<256x32xi32>
    %mul3A_451 = arith.constant 2048 : i32
    %mul3A_452 = arith.muli %arg0, %mul3A_451 : i32
    %add3A_453 = vector.broadcast %mul3A_452 : i32 to vector<256x1xi32>
    %add3A_454 = arith.addi %broadcast_in_dim3A_447, %add3A_453 : vector<256x1xi32>
    %broadcast_in_dim3A_455 = vector.shape_cast %add3A_454 : vector<256x1xi32> to vector<256x1xi32>
    %broadcast_in_dim3A_456 = vector.broadcast %broadcast_in_dim3A_455 : vector<256x1xi32> to vector<256x32xi32>
    %select_n3A_457 = arith.select %eq3A_450, %broadcast_in_dim3A_456, %select_n3A_431 : vector<256x32xi1>, vector<256x32xi32>
    %eq3A_458 = vector.broadcast %broadcast_in_dim3A_447 : vector<256x1xi32> to vector<256x2048xi32>
    %eq3A_459 = arith.cmpi eq, %iota3A, %eq3A_458 : vector<256x2048xi32>
    %jit3A_460 = arith.constant -3.000000e+38 : f32
    %broadcast_in_dim3A_461 = vector.broadcast %jit3A_460 : f32 to vector<256x2048xf32>
    %select_n3A_462 = arith.select %eq3A_459, %broadcast_in_dim3A_461, %select_n3A_436 : vector<256x2048xi1>, vector<256x2048xf32>
    %reduce_max3A_463 = arith.constant dense<0xFF800000> : vector<256xf32>
    %reduce_max3A_464 = vector.multi_reduction <maximumf>, %select_n3A_462, %reduce_max3A_463 [1] : vector<256x2048xf32> to vector<256xf32>
    %broadcast_in_dim3A_465 = vector.shape_cast %reduce_max3A_464 : vector<256xf32> to vector<256x1xf32>
    %eq3A_466 = vector.broadcast %broadcast_in_dim3A_465 : vector<256x1xf32> to vector<256x2048xf32>
    %eq3A_467 = arith.cmpf oeq, %select_n3A_462, %eq3A_466 : vector<256x2048xf32>
    %jit3A_468 = arith.constant 2048 : i32
    %broadcast_in_dim3A_469 = vector.broadcast %jit3A_468 : i32 to vector<256x2048xi32>
    %select_n3A_470 = arith.select %eq3A_467, %iota3A, %broadcast_in_dim3A_469 : vector<256x2048xi1>, vector<256x2048xi32>
    %reduce_min3A_471 = arith.constant dense<2147483647> : vector<256xi32>
    %reduce_min3A_472 = vector.multi_reduction <minsi>, %select_n3A_470, %reduce_min3A_471 [1] : vector<256x2048xi32> to vector<256xi32>
    %broadcast_in_dim3A_473 = vector.shape_cast %reduce_min3A_472 : vector<256xi32> to vector<256x1xi32>
    %eq3A_474 = arith.constant 17 : i32
    %eq3A_475 = vector.broadcast %eq3A_474 : i32 to vector<256x32xi32>
    %eq3A_476 = arith.cmpi eq, %iota3A_25, %eq3A_475 : vector<256x32xi32>
    %mul3A_477 = arith.constant 2048 : i32
    %mul3A_478 = arith.muli %arg0, %mul3A_477 : i32
    %add3A_479 = vector.broadcast %mul3A_478 : i32 to vector<256x1xi32>
    %add3A_480 = arith.addi %broadcast_in_dim3A_473, %add3A_479 : vector<256x1xi32>
    %broadcast_in_dim3A_481 = vector.shape_cast %add3A_480 : vector<256x1xi32> to vector<256x1xi32>
    %broadcast_in_dim3A_482 = vector.broadcast %broadcast_in_dim3A_481 : vector<256x1xi32> to vector<256x32xi32>
    %select_n3A_483 = arith.select %eq3A_476, %broadcast_in_dim3A_482, %select_n3A_457 : vector<256x32xi1>, vector<256x32xi32>
    %eq3A_484 = vector.broadcast %broadcast_in_dim3A_473 : vector<256x1xi32> to vector<256x2048xi32>
    %eq3A_485 = arith.cmpi eq, %iota3A, %eq3A_484 : vector<256x2048xi32>
    %jit3A_486 = arith.constant -3.000000e+38 : f32
    %broadcast_in_dim3A_487 = vector.broadcast %jit3A_486 : f32 to vector<256x2048xf32>
    %select_n3A_488 = arith.select %eq3A_485, %broadcast_in_dim3A_487, %select_n3A_462 : vector<256x2048xi1>, vector<256x2048xf32>
    %reduce_max3A_489 = arith.constant dense<0xFF800000> : vector<256xf32>
    %reduce_max3A_490 = vector.multi_reduction <maximumf>, %select_n3A_488, %reduce_max3A_489 [1] : vector<256x2048xf32> to vector<256xf32>
    %broadcast_in_dim3A_491 = vector.shape_cast %reduce_max3A_490 : vector<256xf32> to vector<256x1xf32>
    %eq3A_492 = vector.broadcast %broadcast_in_dim3A_491 : vector<256x1xf32> to vector<256x2048xf32>
    %eq3A_493 = arith.cmpf oeq, %select_n3A_488, %eq3A_492 : vector<256x2048xf32>
    %jit3A_494 = arith.constant 2048 : i32
    %broadcast_in_dim3A_495 = vector.broadcast %jit3A_494 : i32 to vector<256x2048xi32>
    %select_n3A_496 = arith.select %eq3A_493, %iota3A, %broadcast_in_dim3A_495 : vector<256x2048xi1>, vector<256x2048xi32>
    %reduce_min3A_497 = arith.constant dense<2147483647> : vector<256xi32>
    %reduce_min3A_498 = vector.multi_reduction <minsi>, %select_n3A_496, %reduce_min3A_497 [1] : vector<256x2048xi32> to vector<256xi32>
    %broadcast_in_dim3A_499 = vector.shape_cast %reduce_min3A_498 : vector<256xi32> to vector<256x1xi32>
    %eq3A_500 = arith.constant 18 : i32
    %eq3A_501 = vector.broadcast %eq3A_500 : i32 to vector<256x32xi32>
    %eq3A_502 = arith.cmpi eq, %iota3A_25, %eq3A_501 : vector<256x32xi32>
    %mul3A_503 = arith.constant 2048 : i32
    %mul3A_504 = arith.muli %arg0, %mul3A_503 : i32
    %add3A_505 = vector.broadcast %mul3A_504 : i32 to vector<256x1xi32>
    %add3A_506 = arith.addi %broadcast_in_dim3A_499, %add3A_505 : vector<256x1xi32>
    %broadcast_in_dim3A_507 = vector.shape_cast %add3A_506 : vector<256x1xi32> to vector<256x1xi32>
    %broadcast_in_dim3A_508 = vector.broadcast %broadcast_in_dim3A_507 : vector<256x1xi32> to vector<256x32xi32>
    %select_n3A_509 = arith.select %eq3A_502, %broadcast_in_dim3A_508, %select_n3A_483 : vector<256x32xi1>, vector<256x32xi32>
    %eq3A_510 = vector.broadcast %broadcast_in_dim3A_499 : vector<256x1xi32> to vector<256x2048xi32>
    %eq3A_511 = arith.cmpi eq, %iota3A, %eq3A_510 : vector<256x2048xi32>
    %jit3A_512 = arith.constant -3.000000e+38 : f32
    %broadcast_in_dim3A_513 = vector.broadcast %jit3A_512 : f32 to vector<256x2048xf32>
    %select_n3A_514 = arith.select %eq3A_511, %broadcast_in_dim3A_513, %select_n3A_488 : vector<256x2048xi1>, vector<256x2048xf32>
    %reduce_max3A_515 = arith.constant dense<0xFF800000> : vector<256xf32>
    %reduce_max3A_516 = vector.multi_reduction <maximumf>, %select_n3A_514, %reduce_max3A_515 [1] : vector<256x2048xf32> to vector<256xf32>
    %broadcast_in_dim3A_517 = vector.shape_cast %reduce_max3A_516 : vector<256xf32> to vector<256x1xf32>
    %eq3A_518 = vector.broadcast %broadcast_in_dim3A_517 : vector<256x1xf32> to vector<256x2048xf32>
    %eq3A_519 = arith.cmpf oeq, %select_n3A_514, %eq3A_518 : vector<256x2048xf32>
    %jit3A_520 = arith.constant 2048 : i32
    %broadcast_in_dim3A_521 = vector.broadcast %jit3A_520 : i32 to vector<256x2048xi32>
    %select_n3A_522 = arith.select %eq3A_519, %iota3A, %broadcast_in_dim3A_521 : vector<256x2048xi1>, vector<256x2048xi32>
    %reduce_min3A_523 = arith.constant dense<2147483647> : vector<256xi32>
    %reduce_min3A_524 = vector.multi_reduction <minsi>, %select_n3A_522, %reduce_min3A_523 [1] : vector<256x2048xi32> to vector<256xi32>
    %broadcast_in_dim3A_525 = vector.shape_cast %reduce_min3A_524 : vector<256xi32> to vector<256x1xi32>
    %eq3A_526 = arith.constant 19 : i32
    %eq3A_527 = vector.broadcast %eq3A_526 : i32 to vector<256x32xi32>
    %eq3A_528 = arith.cmpi eq, %iota3A_25, %eq3A_527 : vector<256x32xi32>
    %mul3A_529 = arith.constant 2048 : i32
    %mul3A_530 = arith.muli %arg0, %mul3A_529 : i32
    %add3A_531 = vector.broadcast %mul3A_530 : i32 to vector<256x1xi32>
    %add3A_532 = arith.addi %broadcast_in_dim3A_525, %add3A_531 : vector<256x1xi32>
    %broadcast_in_dim3A_533 = vector.shape_cast %add3A_532 : vector<256x1xi32> to vector<256x1xi32>
    %broadcast_in_dim3A_534 = vector.broadcast %broadcast_in_dim3A_533 : vector<256x1xi32> to vector<256x32xi32>
    %select_n3A_535 = arith.select %eq3A_528, %broadcast_in_dim3A_534, %select_n3A_509 : vector<256x32xi1>, vector<256x32xi32>
    %swap3A = arith.constant 0 : index
    %swap3A_536 = arith.constant 0 : index
    %swap3A_537 = arith.constant 0 : index
    %swap3A_538 = vector.load %arg6[%swap3A, %swap3A_536, %swap3A_537] : memref<1x256x32xi32, #tpu.memory_space<vmem>>, vector<1x256x32xi32>
    %swap3A_539 = vector.shape_cast %swap3A_538 : vector<1x256x32xi32> to vector<256x32xi32>
    %swap3A_540 = vector.shape_cast %select_n3A_535 : vector<256x32xi32> to vector<1x256x32xi32>
    tpu.vector_store %arg6[%swap3A, %swap3A_536, %swap3A_537], %swap3A_540 {strides = array<i32>} : memref<1x256x32xi32, #tpu.memory_space<vmem>>, vector<1x256x32xi32>,
    return
  }
  func.func @transform_0(%arg0: i32, %arg1: i32) -> (i32, i32, i32) {
    %c0_i32 = arith.constant 0 : i32
    %c0_i32_0 = arith.constant 0 : i32
    return %arg0, %arg1, %c0_i32 : i32, i32, i32
  }
  func.func @transform_1(%arg0: i32, %arg1: i32) -> (i32, i32, i32) {
    %c0_i32 = arith.constant 0 : i32
    %c0_i32_0 = arith.constant 0 : i32
    %c0_i32_1 = arith.constant 0 : i32
    return %arg0, %c0_i32, %c0_i32_0 : i32, i32, i32
  }
  func.func @transform_2(%arg0: i32, %arg1: i32) -> (i32, i32, i32) {
    %c0_i32 = arith.constant 0 : i32
    %c0_i32_0 = arith.constant 0 : i32
    %c0_i32_1 = arith.constant 0 : i32
    return %arg0, %c0_i32, %c0_i32_0 : i32, i32, i32
  }
  func.func @transform_3(%arg0: i32, %arg1: i32) -> (i32, i32, i32) {
    %c0_i32 = arith.constant 0 : i32
    %c0_i32_0 = arith.constant 0 : i32
    return %arg0, %arg1, %c0_i32 : i32, i32, i32
  }
  func.func @transform_4(%arg0: i32, %arg1: i32) -> (i32, i32, i32) {
    %c0_i32 = arith.constant 0 : i32
    %c0_i32_0 = arith.constant 0 : i32
    return %arg0, %arg1, %c0_i32 : i32, i32, i32
  }
}

</mosaic_0001>

<sc_bundles>
// kernel: gather_offload_async_start
scs
__scs_entry_jumppad:
0x0: {  	(pc) =	sbr.rel $0x88, $3  }
0x1: {  	(tag) =	ssettag $0x0;
	lr =	simm.s32 $0x1  }
0x2: {  	[smem:$0x3F87] =	sst lr;
	_ =	strace $0xD0000000  }
0x3: {  	_ = 	snop  }
0x4: {  	_ = 	snop  }
0x5: {  	_ = 	snop  }
0x6: {  	_ = 	snop  }
0x7: {  	_ = 	snop  }
__scs_overlays_trampoline_lowered:
0x8: {  	[smem:$0x3F96] =	sst s0  }
0x9: {  	[smem:$0x3F97] =	sst s1  }
0xa: {  	[smem:$0x3F98] =	sst s2  }
0xb: {  	[smem:$0x3F99] =	sst s3  }
0xc: {  	[smem:$0x3F9A] =	sst s4  }
0xd: {  	[smem:$0x3F9B] =	sst s5  }
0xe: {  	[smem:$0x3F9C] =	sst s6  }
0xf: {  	[smem:$0x3F9D] =	sst s7  }
0x10: {  	[smem:$0x3F9E] =	sst s8  }
0x11: {  	[smem:$0x3F9F] =	sst s9;
	s0 =	simm.s32 @!p0 $0x0  }
0x12: {  	s1 =	sld [smem:$0x3F85];
	s0 =	simm.s32 @p0 $0x1  }
0x13: {  	[smem:$0x3FA0] =	sst s0;
	s0 =	simm.s32 @!p1 $0x0  }
0x14: {  	s2 =	sld [smem:$0x3F84];
	s0 =	simm.s32 @p1 $0x1  }
0x15: {  	[smem:$0x3FA1] =	sst s0;
	s0 =	simm.s32 @!p2 $0x0  }
0x16: {  	s3 =	sld [smem:$0x3FDB];
	s0 =	simm.s32 @p2 $0x1  }
0x17: {  	s4 =	simm.s32 $0x1BF5;
	[smem:$0x3FA3] =	sst s0  }
0x18: {  	s0 =	sld [smem:$0x3F86];
	_ =	swait.ge [sflag:s4], $0x0  }
0x19: {  	s7 =	sld [smem:$0x3F87]  }
0x1a: {  	s8 =	sadd.s32 $0xFFFFE003, lr  }
0x1b: {  	s9 =	sadd.s32 $0xFFFFFEF7, lr;
	s5 =	simm.s32 $0xFFFFFFFF;
	p2 =	slt.u32 s8, $0xFFFFF086  }
0x1c: {  	p1 =	slt.u32 s9, $0xF7A;
	s5 =	simm.s32 @!p2 $0x0  }
0x1d: {  	s5 =	simm.s32 @p1 $0x1;
	p0 =	seq.s32 s7, s2  }
0x1e: {  	s7 =	smul.u32 @!p0 $0xF7A, s2;
	p2 =	seq.s32 @!p0 s5, $0x0  }
0x1f: {  	s9 =	smul.u32 $0xF7A, s1;
	s8 =	simm.s32 @!p0 $0x1BF5;
	p2 =	por !p2, p0  }
0x20: {  	[sflag:s8] =	ssyncset.s32 @!p0 $0xFFFFF086;
	s6 =	sadd.s32 @!p0 s3, s7;
	s7 =	simm.s32 @!p0 $0x108  }
0x21: {  	s3 =	sadd.s32 s3, s9;
	s6 =	sadd.s32 @!p0 $0x88, s6;
	s7 =	simm.s32 @p2 $0x1082  }
0x22: {  	[simem:s7], [sflag:s8] =	dma.local @!p0 [hbm:s6], $0xF7A  }
0x23: {  	s9 =	sor.u32 $0xD0000000, s2;
	s6 =	simm.s32 $0x108;
	_ =	swait.ge @!p0 [sflag:s8], $0x0  }
0x24: {  	s3 =	sadd.s32 $0x88, s3;
	s6 =	simm.s32 @!p1 $0x1082;
	[sflag:s4] =	ssyncset.s32 $0xFFFFF086  }
0x25: {  	[simem:s6], [sflag:s4] =	dma.local [hbm:s3], $0xF7A  }
0x26: {  	[smem:$0x3F87] =	sst s1;
	(tag) =	ssettag s2;
	_ =	strace s9  }
0x27: {  	s1 =	sld [smem:$0x3F97]  }
0x28: {  	s2 =	sld [smem:$0x3F98]  }
0x29: {  	s4 =	sld [smem:$0x3F9A]  }
0x2a: {  	p0 =	seq.s32 s5, $0x0;
	s5 =	sld [smem:$0x3F9B]  }
0x2b: {  	s6 =	sld [smem:$0x3F9C]  }
0x2c: {  	s7 =	sld [smem:$0x3F9D]  }
0x2d: {  	s3 =	simm.s32 $0x108;
	s8 =	sld [smem:$0x3F9E]  }
0x2e: {  	s3 =	simm.s32 @!p0 $0x1082;
	s9 =	sld [smem:$0x3F9F]  }
0x2f: {  	lr =	sadd.s32 s0, s3;
	s0 =	sld [smem:$0x3F96]  }
0x30: {  	s3 =	sld [smem:$0x3F99]  }
0x31: {  	[smem:$0x3FA2] =	sst s10  }
0x32: {  	s10 =	sld [smem:$0x3FA0];
	_ =	sdelay $0x3  }
0x33: {  	p0 =	seq.s32 s10, $0x1;
	s10 =	sld [smem:$0x3FA2];
	_ =	sdelay $0x3  }
0x34: {  	[smem:$0x3FA2] =	sst s10  }
0x35: {  	s10 =	sld [smem:$0x3FA1];
	_ =	sdelay $0x3  }
0x36: {  	p1 =	seq.s32 s10, $0x1;
	s10 =	sld [smem:$0x3FA2];
	_ =	sdelay $0x3  }
0x37: {  	[smem:$0x3FA2] =	sst s10  }
0x38: {  	s10 =	sld [smem:$0x3FA3]  }
0x39: {  	_ = 	snop;
	(pc) =	sbr.ind lr, $3  }
0x3a: {  	_ = 	snop  }
0x3b: {  	_ = 	snop  }
0x3c: {  	p2 =	seq.s32 s10, $0x1;
	s10 =	sld [smem:$0x3FA2]  }
0x3d: {  	_ =	shalt  }
0x3e: {  	_ =	shalt  }
0x3f: {  	_ =	shalt  }
0x40: {  	_ =	shalt  }
0x41: {  	_ =	shalt  }
0x42: {  	_ =	shalt  }
0x43: {  	_ =	shalt  }
0x44: {  	_ =	shalt  }
0x45: {  	_ =	shalt  }
0x46: {  	_ =	shalt  }
0x47: {  	_ =	shalt  }
0x48: {  	_ =	shalt  }
0x49: {  	_ =	shalt  }
0x4a: {  	_ =	shalt  }
0x4b: {  	_ =	shalt  }
0x4c: {  	_ =	shalt  }
0x4d: {  	_ =	shalt  }
0x4e: {  	_ =	shalt  }
0x4f: {  	_ =	shalt  }
0x50: {  	_ =	shalt  }
0x51: {  	_ =	shalt  }
0x52: {  	_ =	shalt  }
0x53: {  	_ =	shalt  }
0x54: {  	_ =	shalt  }
0x55: {  	_ =	shalt  }
0x56: {  	_ =	shalt  }
0x57: {  	_ =	shalt  }
0x58: {  	_ =	shalt  }
0x59: {  	_ =	shalt  }
0x5a: {  	_ =	shalt  }
0x5b: {  	_ =	shalt  }
0x5c: {  	_ =	shalt  }
0x5d: {  	_ =	shalt  }
0x5e: {  	_ =	shalt  }
0x5f: {  	_ =	shalt  }
0x60: {  	_ =	shalt  }
0x61: {  	_ =	shalt  }
0x62: {  	_ =	shalt  }
0x63: {  	_ =	shalt  }
0x64: {  	_ =	shalt  }
0x65: {  	_ =	shalt  }
0x66: {  	_ =	shalt  }
0x67: {  	_ =	shalt  }
0x68: {  	_ =	shalt  }
0x69: {  	_ =	shalt  }
0x6a: {  	_ =	shalt  }
0x6b: {  	_ =	shalt  }
0x6c: {  	_ =	shalt  }
0x6d: {  	_ =	shalt  }
0x6e: {  	_ =	shalt  }
0x6f: {  	_ =	shalt  }
0x70: {  	_ =	shalt  }
0x71: {  	_ =	shalt  }
0x72: {  	_ =	shalt  }
0x73: {  	_ =	shalt  }
0x74: {  	_ =	shalt  }
0x75: {  	_ =	shalt  }
0x76: {  	_ =	shalt  }
0x77: {  	_ =	shalt  }
0x78: {  	_ =	shalt  }
0x79: {  	_ =	shalt  }
0x7a: {  	_ =	shalt  }
0x7b: {  	_ =	shalt  }
0x7c: {  	_ =	shalt  }
0x7d: {  	_ =	shalt  }
0x7e: {  	_ =	shalt  }
0x7f: {  	_ =	shalt  }
0x80: {  	_ =	shalt  }
0x81: {  	_ =	shalt  }
0x82: {  	_ =	shalt  }
0x83: {  	_ =	shalt  }
0x84: {  	_ =	shalt  }
0x85: {  	_ =	shalt  }
0x86: {  	_ =	shalt  }
0x87: {  	_ =	shalt  }
.Lfunc_end0:
.L_simem_size_0:
called_computation.1_lowered:
.L_overlay_start_0:
0x88: {  	s2 =	sld [smem:$0x3FD9]  }
0x89: {  	s3 =	sld [smem:$0x3FFE];
	_ =	sdelay $0x1  }
0x8a: {  	s1 =	srdreg.scid  }
0x8b: {  	s0 =	sand.u32 $0x1, s1  }
0x8c: {  	s16 =	sshll.u32 s0, $0xA;
	s2 =	sadd.s32 s3, s2  }
0x8d: {  	s2 =	sadd.s32 s2, s16  }
0x8e: {  	[smem:$0x3FAE] =	sst s2  }
0x8f: {  	_ = 	snop  }
0x90: {  	(tm) =	ssettm $0x1  }
0x91: {  	s17 =	sld [smem:$0x3FFB];
	_ =	sdelay $0x3  }
0x92: {  	_ =	strace s17  }
0x93: {  	s2 =	sld [smem:$0x3FFC];
	_ =	sdelay $0x3  }
0x94: {  	_ =	strace s2  }
0x95: {  	s2 =	sld [smem:$0x3FFD];
	_ =	sdelay $0x3  }
0x96: {  	_ =	strace s2  }
0x97: {  	_ =	strace $0x8FFFFFFF  }
0x98: {  	s18 =	sld [smem:$0x3FDB];
	_ =	sdelay $0x1  }
0x99: {  	s19 =	simm.s32 $_scs_section_size  }
0x9a: {  	s4 =	simm.s32 $_size__tile_overlayer_lowered;
	s5 =	simm.s32 $_tile_overlayer_lowered  }
0x9b: {  	s22 =	simm.s32 $0x1BFF;
	s21 =	sshll.u32 s5, $0x1;
	s2 =	sadd.s32 s19, s18  }
0x9c: {  	s6 =	simm.s32 $0x0;
	s20 =	sshll.u32 s4, $0x1;
	s4 =	sadd.s32 s21, s2  }
0x9d: {  	[timem:s6], [sflag:s22] =	dma.local [hbm:s4], s20  }
0x9e: {  	_ =	swait.ge [sflag:s22], s20  }
0x9f: {  	s3 =	ssub.s32 $0x0, s20;
	[sflag:s22] =	ssyncset.done $0x0  }
0xa0: {  	[sflag:s22] =	ssyncadd.s32 s3;
	_ =	sdelay $0x1  }
0xa1: {  	s23 =	simm.s32 $0x1B8B  }
0xa2: {  	_ =	swait.ge [sflag:s23], $0x1  }
0xa3: {  	[sflag:s23] =	ssyncset.done $0x0  }
0xa4: {  	s25 =	simm.s32 $0x1B8E;
	s24 =	sld [smem:$0x3FFE];
	[sflag:s23] =	ssyncadd.s32 $0xFFFFFFFF  }
0xa5: {  	s26 =	simm.s32 $execute0_lowered;
	[smem:$0x3FD2] =	sst s25  }
0xa6: {  	s4 =	sshll.u32 s26, $0x1;
	_ =	strace $0x80000049;
	[dreg:$0x1] =	wrdreg $0xFFFFFFFF  }
0xa7: {  	s28 =	simm.s32 $_size_execute0_lowered;
	s2 =	sadd.s32 s2, s4;
	[dreg:$0x0] =	wrdreg $0x0  }
0xa8: {  	s4 =	sshll.u32 s28, $0x1;
	[dreg:$0x2] =	wrdreg s2  }
0xa9: {  	[dreg:$0x3] =	wrdreg s4  }
0xaa: {  	[dreg:$0x4] =	wrdreg $0xC0  }
0xab: {  	_ =	task [dreg:s6], $0x5FFFF  }
0xac: {  	[dreg:$0x1] =	wrdreg $0xFFFFFFFF  }
0xad: {  	[dreg:$0x0] =	wrdreg $0x60  }
0xae: {  	[dreg:$0x2] =	wrdreg s24  }
0xaf: {  	[dreg:$0x3] =	wrdreg $0x9  }
0xb0: {  	_ =	task.clear_ibuf [dreg:s6], $0x4FFFF;
	_ =	strace $0x90000049  }
0xb1: {  	s29 =	simm.s32 $0x9;
	_ =	strace $0x8000004B  }
0xb2: {  	_ =	swait.ge [sflag:s29], $0x1  }
0xb3: {  	[sflag:s29] =	ssyncadd.s32 $0xFFFFFFFF  }
0xb4: {  	_ =	strace $0x9000004B  }
0xb5: {  	_ =	sfence  }
0xb6: {  	s30 =	sld [smem:$0x0];
	_ =	sdelay $0x2  }
0xb7: {  	s31 =	sshll.u32 s1, $0xD;
	s1 =	sshrl.u32 s1, $0x2  }
0xb8: {  	s3 =	sand.u32 $0x4000, s31;
	s1 =	sadd.s32 s1, s30  }
0xb9: {  	s0 =	sor.u32 s3, s0;
	s1 =	sshll.u32 s1, $0x11  }
0xba: {  	s0 =	sor.u32 s1, s0  }
0xbb: {  	s0 =	sadd.s32 $0x8F2B, s0  }
0xbc: {  	[sflag:s0] =	ssyncadd.remote.s32 $0x1  }
0xbd: {  	_ =	sfence.sel $0xFFFF  }
0xbe: {  	[dreg:$0x0] =	wrdreg $0xFFFFFFFF;
	(pc) =	sbr.abs _section_cstart, $3  }
0xbf: {  	[dreg:$0x1] =	wrdreg $0xFFFFFFFF  }
0xc0: {  	_ =	task.clear_ibuf [dreg:s6], $0x2FFFF;
	_ =	strace $0x9FFFFFFF  }
0xc1: {  	(tm) =	ssettm $0x7FFFFFFF  }
tec
execute0_lowered:
.L_overlay_start_1:
0x0: {  	(tag) =	ssettag $0x1  }
0x1: {  	s2 =	rddreg [dreg:$0x0]  }
0x2: {  	s1 =	srdreg.scid;
	s0 =	rddreg [dreg:$0x1]  }
0x3: {  	_ =	strace $0x8000004A;
	s4 =	simm.s32 $0x1;
	s6 =	simm.s32 $0x2  }
0x4: {  	s10 =	simm.s32 $0x3;
	p3 =	por $0x0, $0x0;
	s3 =	sshll.u32 s1, $0x4  }
.Ltmp0:
0x5: {  	s1 =	stileid.u32;
	s5 =	sand.u32 $0x10, s3;
	(pc) =	sbr.rel .LBB2_1-.Ltmp0, $4  }
0x6: {  	s11 =	simm.s32 $0x80;
	[sflag:s4] =	ssyncpa.u1 $0x0;
	s5 =	sor.u32 s1, s5  }
0x7: {  	s7 =	sadd.s32 $0x21C200, s2;
	[sflag:s6] =	ssyncpa.u1 $0x0;
	s5 =	smul.u32 $0x2800, s5  }
0x8: {  	s8 =	sadd.s32 $0xA000, s2;
	s3 =	sadd.s32 $0x11C200, s2;
	[sflag:s10] =	ssyncpa.u1 $0x0  }
0x9: {  	v0 =	vlaneseq.u32;
	s10 =	simm.s32 $0x0;
	s9 =	sadd.s32 $0x2800, s5;
	s12 =	smov.u32 s5  }
.LBB2_6:
0xa: {  	s15 =	sadd.s32 s17, s15  }
0xb: {  	v2 =	vld.msk [tilespmem:s15+$0x0 ss:$0x1], $0x1;
	_ =	sdelay $0x2  }
0xc: {  	(v2sf) =	vpush v1, $0x1  }
0xd: {  	(v2sf) =	vpush v1, $0x0  }
0xe: {  	(v2sf) =	vpush v2, $0x0;
	_ =	sdelay $0xc  }
0xf: {  	p0 =	seq.s32 s18, $0x13C;
	s15 =	simm.s32 $0x1;
	s18 =	spop (v2sf)  }
0x10: {  	s15 =	simm.s32 @!p0 $0x2;
	s18 =	simm.s32 @p1 $0xFFFFFFFF;
	s19 =	spop (v2sf)  }
0x11: {  	v1 =	vmov s15;
	p0 =	sne.s32 s19, s18;
	s18 =	simm.s32 $0x1;
	s28 =	spop (v2sf)  }
0x12: {  	vm0 =	vgt.u32 v1, v0;
	s18 =	simm.s32 @!p0 $0x0;
	s29 =	sshll.u32 s28, $0x9;
	s15 =	sshll.u32 s28, $0x7  }
0x13: {  	s16 =	sadd.s32 s18, s16;
	s19 =	sand.u32 $0xFFFFF000, s29;
	s15 =	sand.u32 $0x380, s15  }
0x14: {  	s16 =	sshll.u32 s16, $0xB;
	s15 =	sor.u32 s15, s19  }
0x15: {  	s16 =	sshra.s32 s16, $0x2;
	s15 =	sshrl.u32 s15, $0x3  }
0x16: {  	s13 =	sadd.s32 s17, s13;
	s14 =	sadd.s32 s16, s14;
	s15 =	sadd.s32 s7, s15  }
0x17: {  	[hbm:s15] =	stream.strided.scatter [tilespmem:s14], [sflag:$0x3], $0x200, s11, s11, $0x38;
	[tilespmem:$0x14140] =	vst v63  }
0x18: {  	v1 =	vld.msk [tilespmem:s13+$0x0 ss:$0x1], vm0;
	_ =	sdelay $0x4  }
0x19: {  	(v2sf) =	vpush v1, $0x1  }
0x1a: {  	(v2sf) =	vpush v1, $0x0;
	_ =	sdelay $0xb  }
0x1b: {  	s13 =	sld [smem:$0x7FC];
	_ =	sdelay $0x1  }
0x1c: {  	s30 =	spop (v2sf)  }
0x1d: {  	p3 =	seq.s32 s13, $0x1;
	s31 =	spop (v2sf)  }
.LBB2_7:
0x1e: {  	p0 =	slt.u32 s10, $0x2;
	s10 =	sadd.s32 $0x1, s10  }
0x1f: {  	p2 =	sne.s32 s10, $0x82  }
.Ltmp1:
0x20: {  	_ = 	snop;
	(pc) =	sbr.rel @!p2 .LBB2_8-.Ltmp1, $4  }
0x21: {  	s13 =	simm.s32 @!p0 $0x3  }
0x22: {  	s14 =	sadd.s32 $0x50, s12;
	_ =	swait.ge @!p0 [sflag:s13], $0xA000  }
0x23: {  	s12 =	smov.u32 s5;
	p1 =	slt.s32 s14, s9;
	[sflag:s13] =	ssyncset.done @!p0 $0x0  }
0x24: {  	p3 =	por !p3, !p3;
	s12 =	smov.u32 @p1 s14;
	[sflag:s13] =	ssyncadd.s32 @!p0 $0xFFFF6000  }
.LBB2_1:
0x25: {  	p0 =	sgt.u32 s10, $0x7F  }
0x26: {  	s13 =	sxor.u32 @!p0 $0xFFFFFFFF, s10  }
0x27: {  	s13 =	sand.u32 @!p0 $0x1, s13  }
0x28: {  	s14 =	sshrl.u32 @!p0 s12, $0x3;
	s13 =	smul.u32 @!p0 $0x50, s13  }
0x29: {  	s16 =	sand.u32 @!p0 $0x7, s12;
	s15 =	sadd.s32 @!p0 s2, s14  }
0x2a: {  	[tilespmem:s13], [sflag:$0x2] =	stream.linear.gather @!p0 [hbm4b:s15+s16], $0x50, $0x38;
	[tilespmem:$0x14140] =	vst v63  }
0x2b: {  	s31 =	sadd.s32 $0xFFFFFFFF, s10;
	s14 =	sadd.s32 @!p0 s8, s14;
	s13 =	sadd.s32 @!p0 $0xA0, s13  }
0x2c: {  	[tilespmem:s13], [sflag:$0x2] =	stream.linear.gather @!p0 [hbm4b:s14+s16], $0x50, $0x38;
	[tilespmem:$0x14140] =	vst v63  }
0x2d: {  	p0 =	sgt.u32 s31, $0x7F  }
.Ltmp2:
0x2e: {  	_ = 	snop;
	(pc) =	sbr.rel @p0 .LBB2_7-.Ltmp2, $1  }
0x2f: {  	_ =	sdelay $0x3  }
0x30: {  	p0 =	por $0x0, $0x0;
	s13 =	simm.s32 $0x1  }
0x31: {  	s13 =	simm.s32 @!p0 $0x2  }
0x32: {  	v1 =	vmov s13  }
0x33: {  	s14 =	simm.s32 @!p3 $0x0;
	s13 =	simm.s32 $0x1;
	vm0 =	vgt.u32 v1, v0  }
0x34: {  	s14 =	simm.s32 @p3 $0x1;
	s13 =	simm.s32 @!p3 $0x0  }
0x35: {  	[smem:$0x7FC] =	sst s14;
	s13 =	smul.u32 $0x140, s13  }
0x36: {  	_ =	swait.ge [sflag:s6], $0xA0  }
0x37: {  	[sflag:s6] =	ssyncset.done $0x0;
	s13 =	sshrl.u32 s13, $0x2  }
0x38: {  	[sflag:s6] =	ssyncadd.s32 $0xFFFFFF60;
	s24 =	sadd.s32 $0x0, s13  }
0x39: {  	v1 =	vld.msk [tilespmem:s24+$0x0 ss:$0x1], vm0;
	_ =	sdelay $0x4  }
0x3a: {  	(v2sf) =	vpush v1, $0x1  }
0x3b: {  	(v2sf) =	vpush v1, $0x0  }
0x3c: {  	p1 =	por $0x0, $0x0;
	s14 =	simm.s32 $0x1  }
0x3d: {  	s14 =	simm.s32 @!p1 $0x2  }
0x3e: {  	v2 =	vmov s14  }
0x3f: {  	vm0 =	vgt.u32 v2, v0;
	_ =	sdelay $0x4  }
0x40: {  	p2 =	por $0x0, $0x0;
	s14 =	simm.s32 $0x1;
	s25 =	sadd.s32 $0x1, s13  }
0x41: {  	s14 =	simm.s32 @!p2 $0x2;
	v2 =	vld.msk [tilespmem:s25+$0x0 ss:$0x1], vm0  }
0x42: {  	v3 =	vmov s14  }
0x43: {  	vm0 =	vgt.u32 v3, v0  }
0x44: {  	p0 =	por p0, p0  }
0x45: {  	p0 =	por p0, p0;
	s14 =	spop (v2sf)  }
0x46: {  	(v2sf) =	vpush v2, $0x1;
	s14 =	simm.s32 @p0 $0xFFFFFFFF;
	s15 =	spop (v2sf)  }
0x47: {  	p0 =	seq.s32 s15, s14  }
0x48: {  	s26 =	sadd.s32 $0x2, s13;
	(v2sf) =	vpush v2, $0x0;
	v3 =	vshrl.u32 @!p0 v1, $0x3  }
0x49: {  	v5 =	vld.msk [tilespmem:s26+$0x0 ss:$0x1], vm0;
	vm1 =	veq.s32 @!p0 v1, $0x80000000;
	v3 =	vand.u32 @!p0 $0x7FF, v3  }
0x4a: {  	v1 =	vshll.u32 @!p0 v1, $0x14;
	p3 =	por p0, p0;
	v3 =	vsel @!p0 vm1, $0xFFFFFFFF, v3  }
0x4b: {  	v1 =	vand.u32 @!p3 $0x700000, v1;
	(v2sf) =	vpush @!p3 v3, $0x0  }
0x4c: {  	v1 =	vsel @!p3 vm1, $0xFFF00000, v1  }
0x4d: {  	(v2sf) =	vpush @!p3 v1, $0x0  }
0x4e: {  	(v2sf) =	vpush v5, $0x1  }
0x4f: {  	(v2sf) =	vpush v5, $0x0  }
0x50: {  	s28 =	sand.u32 $0x1, s10;
	p5 =	por $0x0, $0x0;
	s15 =	simm.s32 $0x1  }
0x51: {  	s16 =	simm.s32 $0x0;
	p4 =	por p2, p2;
	s15 =	simm.s32 @!p5 $0x2  }
0x52: {  	s20 =	simm.s32 $0x1;
	p4 =	por p4, p4;
	p1 =	por p1, p1;
	v1 =	vmov s15  }
0x53: {  	p1 =	por p1, p1;
	s29 =	sadd.s32 $0x3, s13;
	s14 =	smul.u32 $0x28000, s28;
	vm0 =	vgt.u32 v1, v0  }
0x54: {  	s31 =	sadd.s32 $0x4, s13;
	s19 =	simm.s32 @!p0 $0x1;
	p5 =	por p5, p5  }
0x55: {  	s14 =	sshrl.u32 s14, $0x2;
	s19 =	smov.u32 @p3 s16;
	s17 =	spop (v2sf)  }
0x56: {  	s16 =	simm.s32 @!p5 $0x0;
	s17 =	simm.s32 @p1 $0xFFFFFFFF;
	p1 =	por $0x0, $0x0  }
0x57: {  	s14 =	sor.u32 $0x140, s14;
	s18 =	spop (v2sf);
	s20 =	simm.s32 @!p1 $0x2  }
0x58: {  	s16 =	simm.s32 @p5 $0x1;
	s15 =	sadd.s32 $0xA0, s13;
	p2 =	seq.s32 s18, s17;
	v3 =	vmov s20  }
0x59: {  	p3 =	por p3, p3;
	v1 =	vld.msk [tilespmem:s29+$0x0 ss:$0x1], vm0;
	[smem:$0x7FD] =	sst s16;
	s18 =	simm.s32 $0x14;
	vm0 =	vgt.u32 v3, v0;
	v3 =	vshrl.u32 @!p2 v2, $0x3  }
0x5a: {  	vm1 =	veq.s32 @!p2 v2, $0x80000000;
	s16 =	sadd.s32 @!p2 $0x1, s19;
	p5 =	por p2, p2;
	v2 =	vshll.u32 @!p2 v2, $0x14;
	v3 =	vand.u32 @!p2 $0x7FF, v3;
	s21 =	spop @!p0 (v2sf)  }
0x5b: {  	s17 =	sshll.u32 @!p2 s19, $0xB;
	s16 =	smov.u32 @p5 s19;
	v2 =	vand.u32 @!p5 $0x700000, v2;
	v3 =	vsel @!p2 vm1, $0xFFFFFFFF, v3;
	s19 =	sshll.u32 @!p3 s21, $0x9  }
0x5c: {  	v2 =	vsel @!p5 vm1, $0xFFF00000, v2;
	s22 =	spop @!p0 (v2sf);
	(v2sf) =	vpush @!p5 v3, $0x0;
	s21 =	sshll.u32 @!p3 s21, $0x7;
	s19 =	sand.u32 @!p3 $0xFFFFF000, s19  }
0x5d: {  	(v2sf) =	vpush @!p5 v2, $0x0;
	s21 =	sand.u32 @!p3 $0x380, s21;
	s23 =	spop (v2sf);
	s19 =	sadd.s32 @!p3 s22, s19  }
0x5e: {  	(v2sf) =	vpush v1, $0x1;
	s23 =	simm.s32 @p4 $0xFFFFFFFF;
	s30 =	spop (v2sf);
	s19 =	sor.u32 @!p3 s21, s19  }
0x5f: {  	s20 =	simm.s32 @!p3 $0x80;
	(v2sf) =	vpush v1, $0x0;
	p6 =	seq.s32 s30, s23;
	s22 =	sshrl.u32 @!p3 s19, $0x3  }
0x60: {  	v2 =	vld.msk [tilespmem:s31+$0x0 ss:$0x1], vm0;
	vm0 =	veq.s32 @!p6 v5, $0x80000000;
	v4 =	vshrl.u32 @!p6 v5, $0x3;
	v3 =	vshll.u32 @!p6 v5, $0x14;
	s19 =	sshll.u32 @!p6 s16, $0xB;
	s21 =	sadd.s32 @!p3 s3, s22;
	s22 =	sadd.s32 @!p3 $0x0, s14  }
.LBB2_3:
0x61: {  	s29 =	sld [smem:$0x7FD];
	_ =	sdelay $0x1  }
0x62: {  	[tilespmem:s22], [sflag:$0x1] =	stream.strided.gather @!p3 [hbm:s21], $0x200, s20, s20, $0x38;
	[tilespmem:$0x14140] =	vst v63  }
0x63: {  	p4 =	por p2, p2;
	s23 =	smov.u32 s16;
	p0 =	seq.s32 s29, $0x1  }
0x64: {  	p2 =	por p6, p6;
	v4 =	vand.u32 @!p6 $0x7FF, v4;
	p6 =	por p0, p0;
	p0 =	por p1, p1  }
0x65: {  	s22 =	smov.u32 s17;
	s17 =	smov.u32 s19;
	s19 =	simm.s32 @!p0 $0x0  }
0x66: {  	s28 =	smov.u32 s18;
	p3 =	por p5, p5;
	s19 =	simm.s32 @p0 $0x1  }
0x67: {  	p1 =	seq.s32 s28, $0x13C;
	[smem:$0x7FD] =	sst s19;
	s19 =	simm.s32 $0x1  }
0x68: {  	s18 =	sadd.s32 $0x4, s18;
	v4 =	vsel @!p2 vm0, $0xFFFFFFFF, v4;
	p5 =	por p2, p2;
	s19 =	simm.s32 @!p1 $0x2  }
0x69: {  	s16 =	sadd.s32 @!p2 $0x1, s16;
	s20 =	simm.s32 @!p3 $0x80;
	s22 =	sshra.s32 @!p3 s22, $0x2;
	(v2sf) =	vpush @!p5 v4, $0x0;
	v4 =	vmov s19  }
0x6a: {  	s21 =	sshra.s32 s28, $0x2;
	s16 =	smov.u32 @p5 s23;
	s19 =	spop @!p4 (v2sf);
	vm1 =	vgt.u32 v4, v0  }
0x6b: {  	v3 =	vand.u32 @!p5 $0x700000, v3;
	p0 =	sne.s32 s18, $0x140;
	s23 =	sshll.u32 @!p3 s19, $0x9;
	s19 =	sshll.u32 @!p3 s19, $0x7  }
.Ltmp3:
0x6c: {  	v3 =	vsel @!p5 vm0, $0xFFF00000, v3;
	s23 =	sand.u32 @!p3 $0xFFFFF000, s23;
	s24 =	spop @!p4 (v2sf);
	(pc) =	sbr.rel @p0 .LBB2_3-.Ltmp3, $4  }
0x6d: {  	(v2sf) =	vpush @!p5 v3, $0x0;
	s19 =	sand.u32 @!p3 $0x380, s19;
	s25 =	spop (v2sf);
	s23 =	sadd.s32 @!p3 s24, s23  }
0x6e: {  	(v2sf) =	vpush v2, $0x1;
	s25 =	simm.s32 @p6 $0xFFFFFFFF;
	s30 =	spop (v2sf);
	s19 =	sor.u32 @!p3 s19, s23  }
0x6f: {  	s31 =	sadd.s32 s21, s13;
	(v2sf) =	vpush v2, $0x0;
	p6 =	seq.s32 s30, s25;
	s21 =	sshrl.u32 @!p3 s19, $0x3  }
0x70: {  	s22 =	sadd.s32 @!p3 s22, s14;
	vm0 =	veq.s32 @!p6 v1, $0x80000000;
	v4 =	vshrl.u32 @!p6 v1, $0x3;
	v3 =	vshll.u32 @!p6 v1, $0x14;
	s19 =	sshll.u32 @!p6 s16, $0xB;
	s21 =	sadd.s32 @!p3 s3, s21;
	v1 =	vmovc v2;
	v2 =	vld.msk [tilespmem:s31+$0x0 ss:$0x1], vm1  }
0x71: {  	_ = 	snop  }
0x72: {  	v4 =	vand.u32 @!p6 $0x7FF, v4;
	p0 =	por p6, p6  }
0x73: {  	v4 =	vsel @!p6 vm0, $0xFFFFFFFF, v4;
	v3 =	vand.u32 @!p0 $0x700000, v3  }
0x74: {  	(v2sf) =	vpush @!p0 v4, $0x0;
	v3 =	vsel @!p0 vm0, $0xFFF00000, v3  }
0x75: {  	(v2sf) =	vpush @!p0 v3, $0x0  }
0x76: {  	(v2sf) =	vpush v2, $0x1  }
0x77: {  	(v2sf) =	vpush v2, $0x0;
	_ =	sdelay $0x1  }
0x78: {  	s24 =	sld [smem:$0x7FD];
	_ =	sdelay $0x1  }
0x79: {  	s18 =	spop @!p2 (v2sf)  }
0x7a: {  	p4 =	seq.s32 s24, $0x1;
	s23 =	spop @!p2 (v2sf)  }
0x7b: {  	p2 =	por p4, p4;
	s24 =	spop (v2sf)  }
0x7c: {  	s24 =	simm.s32 @p2 $0xFFFFFFFF;
	s25 =	spop (v2sf)  }
0x7d: {  	p2 =	seq.s32 s25, s24  }
0x7e: {  	v3 =	vshrl.u32 @!p2 v1, $0x3  }
0x7f: {  	[tilespmem:s22], [sflag:$0x1] =	stream.strided.gather @!p3 [hbm:s21], $0x200, s20, s20, $0x38;
	vm0 =	veq.s32 @!p2 v1, $0x80000000;
	v3 =	vand.u32 @!p2 $0x7FF, v3;
	[tilespmem:$0x14140] =	vst v63  }
0x80: {  	p3 =	por p1, p1;
	p4 =	por p5, p5;
	v1 =	vshll.u32 @!p2 v1, $0x14;
	p1 =	por p2, p2;
	v3 =	vsel @!p2 vm0, $0xFFFFFFFF, v3  }
0x81: {  	p3 =	por p3, p3;
	s20 =	sshll.u32 @!p4 s18, $0x9;
	v1 =	vand.u32 @!p1 $0x700000, v1;
	s21 =	spop @!p6 (v2sf);
	(v2sf) =	vpush @!p1 v3, $0x0  }
0x82: {  	s18 =	sshll.u32 @!p4 s18, $0x7;
	s20 =	sand.u32 @!p4 $0xFFFFF000, s20;
	v1 =	vsel @!p1 vm0, $0xFFF00000, v1;
	s22 =	spop @!p6 (v2sf)  }
0x83: {  	s18 =	sand.u32 @!p4 $0x380, s18;
	s20 =	sadd.s32 @!p4 s23, s20;
	(v2sf) =	vpush @!p1 v1, $0x0;
	s23 =	spop (v2sf)  }
0x84: {  	s18 =	sor.u32 @!p4 s18, s20;
	s23 =	simm.s32 @p3 $0xFFFFFFFF;
	s24 =	spop (v2sf)  }
0x85: {  	s17 =	sshra.s32 @!p4 s17, $0x2;
	s18 =	sshrl.u32 @!p4 s18, $0x3;
	p3 =	seq.s32 s24, s23  }
0x86: {  	s17 =	sadd.s32 @!p4 s17, s14;
	s20 =	simm.s32 @!p4 $0x80;
	s18 =	sadd.s32 @!p4 s3, s18;
	v1 =	vshrl.u32 @!p3 v2, $0x3  }
0x87: {  	[tilespmem:s17], [sflag:$0x1] =	stream.strided.gather @!p4 [hbm:s18], $0x200, s20, s20, $0x38;
	vm0 =	veq.s32 @!p3 v2, $0x80000000;
	v1 =	vand.u32 @!p3 $0x7FF, v1;
	[tilespmem:$0x14140] =	vst v63  }
0x88: {  	p5 =	por p0, p0;
	v2 =	vshll.u32 @!p3 v2, $0x14;
	p4 =	por p3, p3;
	v1 =	vsel @!p3 vm0, $0xFFFFFFFF, v1  }
0x89: {  	s17 =	sshll.u32 @!p5 s21, $0x9;
	v2 =	vand.u32 @!p4 $0x700000, v2;
	(v2sf) =	vpush @!p4 v1, $0x0  }
0x8a: {  	s18 =	sshll.u32 @!p5 s21, $0x7;
	s17 =	sand.u32 @!p5 $0xFFFFF000, s17;
	v1 =	vsel @!p4 vm0, $0xFFF00000, v2  }
0x8b: {  	s18 =	sand.u32 @!p5 $0x380, s18;
	s17 =	sadd.s32 @!p5 s22, s17;
	(v2sf) =	vpush @!p4 v1, $0x0  }
0x8c: {  	s17 =	sor.u32 @!p5 s18, s17  }
0x8d: {  	s18 =	sshra.s32 @!p5 s19, $0x2;
	s17 =	sshrl.u32 @!p5 s17, $0x3  }
0x8e: {  	s19 =	simm.s32 @!p5 $0x80;
	s18 =	sadd.s32 @!p5 s18, s14;
	s17 =	sadd.s32 @!p5 s3, s17  }
0x8f: {  	[tilespmem:s18], [sflag:$0x1] =	stream.strided.gather @!p5 [hbm:s17], $0x200, s19, s19, $0x38;
	[tilespmem:$0x14140] =	vst v63  }
0x90: {  	p5 =	por p1, p1;
	s17 =	spop @!p2 (v2sf)  }
0x91: {  	s18 =	sadd.s32 @!p6 $0x1, s16;
	s19 =	sshll.u32 @!p5 s17, $0x9  }
0x92: {  	s17 =	sshll.u32 @!p5 s17, $0x7;
	s20 =	spop @!p2 (v2sf);
	s19 =	sand.u32 @!p5 $0xFFFFF000, s19  }
0x93: {  	s18 =	smov.u32 @p0 s16;
	s16 =	sand.u32 @!p5 $0x380, s17;
	s17 =	sadd.s32 @!p5 s20, s19  }
0x94: {  	s19 =	sshll.u32 @!p2 s18, $0xB;
	s16 =	sor.u32 @!p5 s16, s17  }
0x95: {  	s17 =	sshra.s32 @!p5 s19, $0x2;
	s16 =	sshrl.u32 @!p5 s16, $0x3  }
0x96: {  	s19 =	simm.s32 @!p5 $0x80;
	s17 =	sadd.s32 @!p5 s17, s14;
	s16 =	sadd.s32 @!p5 s3, s16  }
0x97: {  	[tilespmem:s17], [sflag:$0x1] =	stream.strided.gather @!p5 [hbm:s16], $0x200, s19, s19, $0x38;
	[tilespmem:$0x14140] =	vst v63  }
0x98: {  	p0 =	por p4, p4;
	s16 =	spop @!p3 (v2sf)  }
0x99: {  	s17 =	sadd.s32 @!p2 $0x1, s18;
	s19 =	sshll.u32 @!p0 s16, $0x9;
	s16 =	sshll.u32 @!p0 s16, $0x7  }
0x9a: {  	s20 =	spop @!p3 (v2sf);
	s17 =	smov.u32 @p1 s18;
	s19 =	sand.u32 @!p0 $0xFFFFF000, s19  }
0x9b: {  	s16 =	sand.u32 @!p0 $0x380, s16;
	s18 =	sadd.s32 @!p0 s20, s19;
	s20 =	sadd.s32 @!p3 $0x1, s17  }
0x9c: {  	s19 =	sshll.u32 @!p3 s17, $0xB;
	s16 =	sor.u32 @!p0 s16, s18;
	s20 =	smov.u32 @p4 s17  }
0x9d: {  	s17 =	sshra.s32 @!p0 s19, $0x2;
	s18 =	simm.s32 @!p0 $0x80;
	s16 =	sshrl.u32 @!p0 s16, $0x3  }
0x9e: {  	s17 =	sadd.s32 @!p0 s17, s14;
	s25 =	sshll.u32 s20, $0x9;
	s16 =	sadd.s32 @!p0 s3, s16  }
0x9f: {  	[tilespmem:s17], [sflag:$0x1] =	stream.strided.gather @!p0 [hbm:s16], $0x200, s18, s18, $0x38;
	[tilespmem:$0x14140] =	vst v63  }
0xa0: {  	s16 =	sand.u32 $0x3FFFFE00, s25  }
0xa1: {  	_ =	swait.ge [sflag:s4], s16  }
0xa2: {  	s16 =	ssub.s32 $0x0, s16;
	[sflag:s4] =	ssyncset.done $0x0  }
0xa3: {  	s26 =	sadd.s32 $0x0, s15;
	[sflag:s4] =	ssyncadd.s32 s16  }
0xa4: {  	v1 =	vld.msk [tilespmem:s26+$0x0 ss:$0x1], $0x1;
	_ =	sdelay $0x4  }
0xa5: {  	(v2sf) =	vpush v1, $0x0;
	_ =	sdelay $0xc  }
0xa6: {  	p0 =	por $0x0, $0x0;
	s16 =	simm.s32 $0x1  }
0xa7: {  	s16 =	simm.s32 @!p0 $0x2  }
0xa8: {  	v1 =	vmov s16;
	s28 =	spop (v2sf)  }
0xa9: {  	vm15 =	vgt.u32 v1, v0;
	s29 =	sshll.u32 s28, $0x9;
	s17 =	sshll.u32 s28, $0x7  }
0xaa: {  	s16 =	sand.u32 $0xFFFFF000, s29;
	s17 =	sand.u32 $0x380, s17  }
0xab: {  	s16 =	sor.u32 s17, s16  }
0xac: {  	s30 =	sadd.s32 $0x0, s14;
	s31 =	sadd.s32 $0x0, s13;
	s16 =	sshrl.u32 s16, $0x3  }
0xad: {  	s19 =	simm.s32 $0x8;
	s18 =	simm.s32 $0x4;
	s16 =	sadd.s32 s7, s16  }
0xae: {  	[hbm:s16] =	stream.strided.scatter [tilespmem:s30], [sflag:$0x3], $0x200, s11, s11, $0x38;
	[tilespmem:$0x14140] =	vst v63  }
0xaf: {  	p1 =	por p0, p0;
	s17 =	simm.s32 $0x1;
	s16 =	simm.s32 $0x0;
	v1 =	vld.msk [tilespmem:s31+$0x0 ss:$0x1], vm15  }
.LBB2_5:
0xb0: {  	p0 =	sne.s32 s19, $0x13C;
	s20 =	sadd.s32 s17, s15  }
0xb1: {  	v2 =	vld.msk [tilespmem:s20+$0x0 ss:$0x1], $0x1;
	_ =	sdelay $0x3  }
0xb2: {  	(v2sf) =	vpush v1, $0x1  }
0xb3: {  	(v2sf) =	vpush v1, $0x0  }
0xb4: {  	(v2sf) =	vpush v2, $0x0;
	_ =	sdelay $0xb  }
0xb5: {  	p2 =	seq.s32 s18, $0x13C;
	s18 =	smov.u32 s19;
	s20 =	simm.s32 $0x1  }
0xb6: {  	s20 =	simm.s32 @!p2 $0x2;
	s21 =	spop (v2sf)  }
0xb7: {  	s21 =	simm.s32 @p1 $0xFFFFFFFF;
	s22 =	spop (v2sf);
	p1 =	por p2, p2  }
0xb8: {  	v1 =	vmov s20;
	s20 =	spop (v2sf);
	p2 =	sne.s32 s22, s21;
	s22 =	simm.s32 $0x1  }
0xb9: {  	vm0 =	vgt.u32 v1, v0;
	s21 =	sshll.u32 s20, $0x9;
	s20 =	sshll.u32 s20, $0x7;
	s22 =	simm.s32 @!p2 $0x0  }
0xba: {  	s21 =	sand.u32 $0xFFFFF000, s21;
	s20 =	sand.u32 $0x380, s20;
	s16 =	sadd.s32 s22, s16  }
.Ltmp4:
0xbb: {  	s20 =	sor.u32 s20, s21;
	s21 =	sshll.u32 s16, $0xB;
	(pc) =	sbr.rel @p0 .LBB2_5-.Ltmp4, $4  }
0xbc: {  	s20 =	sshrl.u32 s20, $0x3;
	s21 =	sshra.s32 s21, $0x2  }
0xbd: {  	s22 =	sadd.s32 s17, s13;
	s21 =	sadd.s32 s21, s14;
	s20 =	sadd.s32 s7, s20  }
0xbe: {  	[hbm:s20] =	stream.strided.scatter [tilespmem:s21], [sflag:$0x3], $0x200, s11, s11, $0x38;
	[tilespmem:$0x14140] =	vst v63  }
0xbf: {  	s19 =	sadd.s32 $0x4, s19;
	s17 =	sshra.s32 s18, $0x2;
	v1 =	vld.msk [tilespmem:s22+$0x0 ss:$0x1], vm0  }
.Ltmp5:
0xc0: {  	_ = 	snop;
	(pc) =	sbr.rel .LBB2_6-.Ltmp5, $1  }
0xc1: {  	_ =	sdelay $0x3  }
.LBB2_8:
0xc2: {  	_ =	sfence.sel $0x180000  }
0xc3: {  	s2 =	simm.s32 $0x2;
	[bflag:$0x0] =	sbarrier.arrive $0xFFFF  }
0xc4: {  	s30 =	simm.s32 $0x3;
	[sflag:s2] =	ssyncpa.u1 $0x1  }
0xc5: {  	s31 =	simm.s32 $0x1;
	[sflag:s30] =	ssyncpa.u1 $0x1  }
0xc6: {  	[sflag:s31] =	ssyncpa.u1 $0x1  }
0xc7: {  	p0 =	sne.s32 s1, $0x0;
	_ =	strace $0x9000004A  }
0xc8: {  	s0 =	sadd.s32 @!p0 $0x100000, s0;
	[bflag:$0x2] =	sbarrier.arrive $0xFFFF  }
0xc9: {  	[sflag:s0] =	ssyncadd.tile.s32 @!p0 $0x1;
	_ =	shalt  }
.Lfunc_end2:
_tile_overlayer_lowered:
.L_overlay_start_2:
0xca: {  	(tag) =	ssettag $0x2  }
0xcb: {  	s0 =	rddreg [dreg:$0x0];
	s2 =	stileid.u32  }
0xcc: {  	s1 =	rddreg [dreg:$0x1];
	p0 =	sne.s32 s2, $0x0  }
0xcd: {  	s3 =	rddreg [dreg:$0x2];
	[bflag:$0x3] =	sbarrier.arrive $0xFFFF;
	s2 =	simm.s32 @!p0 $0x1C01  }
0xce: {  	[timem:s3], [sflag:s2] =	dma.local @!p0 [hbm:s0], s1  }
0xcf: {  	s0 =	simm.s32 @!p0 $0x1  }
0xd0: {  	_ =	swait.ge @!p0 [sflag:s0], s1  }
0xd1: {  	s1 =	ssub.s32 @!p0 $0x0, s1;
	[sflag:s0] =	ssyncset.done @!p0 $0x0  }
0xd2: {  	[sflag:s0] =	ssyncadd.s32 @!p0 s1  }
0xd3: {  	[bflag:$0x3] =	sbarrier.arrive $0xFFFF  }
0xd4: {  	_ =	shalt  }

// kernel: sparse-core-data-format-call.cloned.1.call-start
scs
called_computation_lowered:
.L_overlay_start_0:
0x0: {  	s1 =	sld [smem:$0x3FD9]  }
0x1: {  	s2 =	sld [smem:$0x3FFE];
	_ =	sdelay $0x1  }
0x2: {  	s3 =	srdreg.scid  }
0x3: {  	s0 =	sand.u32 $0x1, s3  }
0x4: {  	s17 =	sshll.u32 s0, $0xA;
	s1 =	sadd.s32 s2, s1  }
0x5: {  	s1 =	sadd.s32 s1, s17  }
0x6: {  	[smem:$0x3FAE] =	sst s1  }
0x7: {  	_ = 	snop  }
0x8: {  	(tm) =	ssettm $0x1  }
0x9: {  	s18 =	sld [smem:$0x3FFB];
	_ =	sdelay $0x3  }
0xa: {  	_ =	strace s18  }
0xb: {  	s1 =	sld [smem:$0x3FFC];
	_ =	sdelay $0x3  }
0xc: {  	_ =	strace s1  }
0xd: {  	s1 =	sld [smem:$0x3FFD];
	_ =	sdelay $0x3  }
0xe: {  	_ =	strace s1  }
0xf: {  	_ =	strace $0x8FFFFFFF  }
0x10: {  	s19 =	sld [smem:$0x3FDB];
	_ =	sdelay $0x1  }
0x11: {  	s20 =	simm.s32 $_scs_section_size  }
0x12: {  	s4 =	simm.s32 $_size__tile_overlayer_lowered;
	s5 =	simm.s32 $_tile_overlayer_lowered  }
0x13: {  	s23 =	simm.s32 $0x1BFF;
	s22 =	sshll.u32 s5, $0x1;
	s1 =	sadd.s32 s20, s19  }
0x14: {  	s6 =	simm.s32 $0x0;
	s21 =	sshll.u32 s4, $0x1;
	s4 =	sadd.s32 s22, s1  }
0x15: {  	[timem:s6], [sflag:s23] =	dma.local [hbm:s4], s21  }
0x16: {  	_ =	swait.ge [sflag:s23], s21  }
0x17: {  	s2 =	ssub.s32 $0x0, s21;
	[sflag:s23] =	ssyncset.done $0x0  }
0x18: {  	[sflag:s23] =	ssyncadd.s32 s2;
	_ =	sdelay $0x1  }
0x19: {  	s24 =	simm.s32 $0x1B8B  }
0x1a: {  	_ =	swait.ge [sflag:s24], $0x1  }
0x1b: {  	[sflag:s24] =	ssyncset.done $0x0  }
0x1c: {  	s26 =	simm.s32 $0x1B8E;
	s25 =	sld [smem:$0x3FFE];
	[sflag:s24] =	ssyncadd.s32 $0xFFFFFFFF  }
0x1d: {  	s27 =	simm.s32 $execute0_lowered;
	[smem:$0x3FD2] =	sst s26  }
0x1e: {  	s4 =	sshll.u32 s27, $0x1;
	_ =	strace $0x80000046;
	[dreg:$0x1] =	wrdreg $0xFFFFFFFF  }
0x1f: {  	s28 =	simm.s32 $_size_execute0_lowered;
	s1 =	sadd.s32 s1, s4;
	[dreg:$0x0] =	wrdreg $0x0  }
0x20: {  	s4 =	sshll.u32 s28, $0x1;
	[dreg:$0x2] =	wrdreg s1  }
0x21: {  	[dreg:$0x3] =	wrdreg s4  }
0x22: {  	[dreg:$0x4] =	wrdreg $0xC0  }
0x23: {  	_ =	task [dreg:s6], $0x5FFFF  }
0x24: {  	[dreg:$0x1] =	wrdreg $0xFFFFFFFF  }
0x25: {  	[dreg:$0x0] =	wrdreg $0x60  }
0x26: {  	[dreg:$0x2] =	wrdreg s25  }
0x27: {  	[dreg:$0x3] =	wrdreg $0x9  }
0x28: {  	_ =	task.clear_ibuf [dreg:s6], $0x4FFFF;
	_ =	strace $0x90000046  }
0x29: {  	s29 =	simm.s32 $0x9;
	_ =	strace $0x80000048  }
0x2a: {  	_ =	swait.ge [sflag:s29], $0x1  }
0x2b: {  	[sflag:s29] =	ssyncadd.s32 $0xFFFFFFFF  }
0x2c: {  	_ =	strace $0x90000048  }
0x2d: {  	_ =	sfence  }
0x2e: {  	s30 =	sld [smem:$0x0];
	_ =	sdelay $0x2  }
0x2f: {  	s31 =	sshll.u32 s3, $0xD;
	s3 =	sshrl.u32 s3, $0x2  }
0x30: {  	s2 =	sand.u32 $0x4000, s31;
	s1 =	sadd.s32 s3, s30  }
0x31: {  	s0 =	sor.u32 s2, s0;
	s1 =	sshll.u32 s1, $0x11  }
0x32: {  	s0 =	sor.u32 s1, s0  }
0x33: {  	s0 =	sadd.s32 $0x8F2B, s0  }
0x34: {  	[sflag:s0] =	ssyncadd.remote.s32 $0x1  }
0x35: {  	_ =	sfence.sel $0xFFFF  }
0x36: {  	[dreg:$0x0] =	wrdreg $0xFFFFFFFF;
	(pc) =	sbr.abs _section_cstart, $3  }
0x37: {  	[dreg:$0x1] =	wrdreg $0xFFFFFFFF  }
0x38: {  	_ =	task.clear_ibuf [dreg:s6], $0x2FFFF;
	_ =	strace $0x9FFFFFFF  }
0x39: {  	(tm) =	ssettm $0x7FFFFFFF  }
tec
execute0_lowered:
.L_overlay_start_1:
0x0: {  	(tag) =	ssettag $0x1  }
0x1: {  	s0 =	stileid.u32;
	s1 =	srdreg.scid  }
0x2: {  	s4 =	rddreg [dreg:$0x0];
	s5 =	simm.s32 $0x1;
	s8 =	simm.s32 $0x2  }
0x3: {  	s17 =	simm.s32 $0x0;
	s2 =	sshll.u32 s0, $0x4;
	s1 =	sshll.u32 s1, $0x8  }
0x4: {  	s9 =	simm.s32 $0x4000;
	s18 =	simm.s32 $0x0;
	s1 =	sor.u32 s2, s1  }
0x5: {  	s19 =	simm.s32 $0x0;
	s10 =	simm.s32 $0x0;
	s2 =	sand.u32 $0x180, s1  }
0x6: {  	s11 =	simm.s32 $0x0;
	s12 =	simm.s32 $0x0;
	s3 =	ssub.s32 $0x800, s2  }
0x7: {  	s13 =	simm.s32 $0x0;
	s7 =	sand.u32 $0x7, s0;
	s31 =	sand.u32 $0x180, s3  }
0x8: {  	s16 =	simm.s32 $0x0;
	s15 =	smov.u32 s7;
	p0 =	sne.s32 s31, $0x0  }
.Ltmp0:
0x9: {  	s6 =	sshrl.u32 s3, $0x9;
	s5 =	simm.s32 @!p0 $0x0;
	(pc) =	sbr.rel .LBB1_1-.Ltmp0, $4  }
0xa: {  	s1 =	rddreg [dreg:$0x1];
	_ =	strace $0x80000047;
	s6 =	sadd.s32 s5, s6  }
0xb: {  	s14 =	smov.u32 s2;
	s5 =	simm.s32 $0x1;
	s6 =	smul.u32 $0x14, s6  }
0xc: {  	s3 =	sadd.s32 $0x51C200, s4;
	s4 =	sadd.s32 $0x1C200, s4;
	[sflag:s5] =	ssyncpa.u1 $0x0  }
0xd: {  	p0 =	por $0x0, $0x0;
	[sflag:s8] =	ssyncpa.u1 $0x0;
	s8 =	sor.u32 $0x1, s6  }
.LBB1_4:
0xe: {  	s22 =	sshll.u32 s11, $0x3;
	p1 =	sgt.s32 s12, $0x7  }
0xf: {  	s23 =	smov.u32 s12;
	s24 =	sshra.s32 s12, $0x1F;
	p2 =	sgt.s32 s11, $0x780  }
0x10: {  	s27 =	smov.u32 s11;
	s28 =	sshra.s32 s11, $0x1F;
	s29 =	sshra.s32 s10, $0x1F  }
0x11: {  	s25 =	sshrl.u32 s22, $0xB;
	s23 =	simm.s32 @!p1 $0x7;
	s24 =	sand.u32 s24, s12  }
0x12: {  	s27 =	simm.s32 @!p2 $0x780;
	s31 =	sand.u32 s28, s11;
	p2 =	sgt.s32 s10, $0x13  }
0x13: {  	s28 =	smov.u32 s10;
	s22 =	sand.u32 $0x400, s22;
	s23 =	ssub.s32 s23, s24  }
0x14: {  	s26 =	smulhi.u32 $0x4924925, s25;
	s24 =	sadd.s32 $0xFFFFFFF9, s23;
	s23 =	ssub.s32 $0x8, s23  }
0x15: {  	s28 =	simm.s32 @!p2 $0x13;
	p1 =	sgt.s32 s24, $0x0;
	s23 =	smul.u32 $0x38, s23  }
0x16: {  	s24 =	ssub.s32 s27, s31;
	s27 =	sand.u32 s29, s10;
	s26 =	smul.u32 $0x38, s26  }
0x17: {  	s31 =	sand.u32 $0x78, s11;
	s27 =	ssub.s32 s28, s27;
	s30 =	sadd.s32 $0xFFFFF880, s24  }
0x18: {  	s24 =	ssub.s32 $0x800, s24;
	s22 =	sor.u32 s31, s22;
	s31 =	smul.u32 $0x3800, s10  }
0x19: {  	s28 =	sand.u32 $0x7, s11;
	p2 =	sgt.s32 s30, $0x7F;
	s23 =	simm.s32 @p1 $0x0  }
0x1a: {  	s29 =	sadd.s32 $0xFFFFFFED, s27;
	s30 =	smul.u32 $0x46000, s12;
	s24 =	simm.s32 @p2 $0x0  }
0x1b: {  	p1 =	sgt.s32 s29, $0x0;
	s23 =	smul.u32 s24, s23;
	s24 =	ssub.s32 $0x14, s27  }
0x1c: {  	s25 =	ssub.s32 s25, s26;
	s27 =	sadd.s32 s4, s30;
	s24 =	simm.s32 @p1 $0x0  }
0x1d: {  	[tilespmem:s21+$0x810 ss:$0x81] =	vst.msk $0xffff, v2;
	s25 =	sshll.u32 s25, $0x8;
	s23 =	smul.u32 s24, s23;
	s24 =	sadd.s32 s31, s27  }
0x1e: {  	[tilespmem:s21+$0x1020 ss:$0x81] =	vst.msk $0xffff, v0;
	s22 =	sshrl.u32 s22, $0x3;
	s29 =	sshll.u32 s28, $0x12;
	s24 =	sadd.s32 s25, s24  }
0x1f: {  	[tilespmem:s21+$0x0 ss:$0x81] =	vst.msk $0xffff, v1;
	s31 =	sor.u32 $0x400, s29;
	s30 =	sand.u32 $0x3FFFFFF8, s23;
	s22 =	sadd.s32 s22, s24  }
0x20: {  	[hbm4b:s22+s31] =	stream.strided.scatter [tilespmem:s20], [sflag:$0x2], s30, s9, s31, $0x20;
	[tilespmem:$0x8080] =	vst v63  }
.LBB1_5:
0x21: {  	p1 =	slt.u32 s16, $0x2  }
0x22: {  	p2 =	sgt.s32 @!p1 s19, $0x7  }
0x23: {  	s20 =	smov.u32 s19;
	s21 =	sshra.s32 @!p1 s19, $0x1F;
	p2 =	por !p2, p1  }
0x24: {  	p3 =	sgt.s32 @!p1 s18, $0x780;
	s19 =	sand.u32 @!p1 s21, s19;
	s20 =	simm.s32 @p2 $0x7  }
0x25: {  	s22 =	smov.u32 s17;
	p3 =	por !p3, p1;
	s19 =	ssub.s32 @!p1 s20, s19  }
0x26: {  	s21 =	sshra.s32 @!p1 s18, $0x1F;
	s20 =	sadd.s32 @!p1 $0xFFFFFFF9, s19;
	s19 =	ssub.s32 @!p1 $0x8, s19  }
0x27: {  	p2 =	sgt.s32 @!p1 s20, $0x0;
	s20 =	smov.u32 s18;
	s18 =	sand.u32 @!p1 s21, s18  }
0x28: {  	s21 =	sshra.s32 @!p1 s17, $0x1F;
	s20 =	simm.s32 @p3 $0x780;
	p3 =	sgt.s32 @!p1 s17, $0x13  }
0x29: {  	s19 =	smul.u32 @!p1 $0x38, s19;
	p3 =	por !p3, p1;
	s18 =	ssub.s32 @!p1 s20, s18  }
0x2a: {  	s17 =	sand.u32 @!p1 s21, s17;
	s22 =	simm.s32 @p3 $0x13;
	s20 =	sadd.s32 @!p1 $0xFFFFF880, s18  }
0x2b: {  	p2 =	por !p2, p1;
	s17 =	ssub.s32 @!p1 s22, s17;
	p3 =	sgt.s32 @!p1 s20, $0x7F  }
0x2c: {  	s18 =	ssub.s32 @!p1 $0x800, s18;
	s21 =	sadd.s32 @!p1 $0xFFFFFFED, s17;
	p3 =	por !p3, p1  }
0x2d: {  	s19 =	simm.s32 @!p2 $0x0;
	s18 =	simm.s32 @!p3 $0x0;
	p3 =	sgt.s32 @!p1 s21, $0x0  }
0x2e: {  	s17 =	ssub.s32 @!p1 $0x14, s17;
	p2 =	por !p3, p1;
	s18 =	smul.u32 @!p1 s18, s19  }
0x2f: {  	s20 =	sadd.s32 $0x1, s13;
	s21 =	smov.u32 s14;
	s17 =	simm.s32 @!p2 $0x0  }
0x30: {  	p2 =	sgt.s32 s20, $0x13;
	s17 =	smul.u32 @!p1 s17, s18;
	s18 =	sadd.s32 $0x200, s14  }
0x31: {  	s21 =	smov.u32 @p2 s18  }
0x32: {  	s23 =	smov.u32 s15;
	s18 =	sadd.s32 $0x8, s15;
	p3 =	sgt.s32 s21, $0x7FF  }
0x33: {  	p0 =	por !p0, !p0;
	s22 =	simm.s32 @!p1 $0x2;
	s23 =	smov.u32 @p3 s18  }
0x34: {  	s19 =	smov.u32 s12;
	s20 =	simm.s32 @p2 $0x0;
	p2 =	sgt.s32 s23, $0x7  }
0x35: {  	s17 =	sand.u32 @!p1 $0x3FFFFFF8, s17;
	s23 =	smov.u32 @p2 s7;
	p2 =	sne.s32 s16, s8  }
.Ltmp1:
0x36: {  	s12 =	smov.u32 s15;
	_ =	swait.ge @!p1 [sflag:s22], s17;
	(pc) =	sbr.rel @!p2 .LBB1_6-.Ltmp1, $4  }
0x37: {  	s24 =	ssub.s32 @!p1 $0x0, s17;
	s21 =	smov.u32 @p3 s2;
	s17 =	smov.u32 s10  }
0x38: {  	s18 =	smov.u32 s11;
	s10 =	smov.u32 s13;
	s11 =	smov.u32 s14  }
0x39: {  	s13 =	smov.u32 s20;
	[sflag:s22] =	ssyncset.done @!p1 $0x0;
	s14 =	smov.u32 s21  }
0x3a: {  	s16 =	sadd.s32 $0x1, s16;
	[sflag:s22] =	ssyncadd.s32 @!p1 s24;
	s15 =	smov.u32 s23  }
.LBB1_1:
0x3b: {  	p1 =	sge.u32 s16, s6  }
0x3c: {  	s20 =	sand.u32 @!p1 $0x1FFFFFF, s13;
	s22 =	smul.u32 @!p1 $0xC0000, s15  }
0x3d: {  	s21 =	smulhi.u32 @!p1 $0xAAAAAAB, s20  }
0x3e: {  	s24 =	smul.u32 @!p1 $0x180, s14  }
0x3f: {  	s21 =	smul.u32 @!p1 $0x18, s21  }
0x40: {  	s31 =	sadd.s32 $0xFFFFFFFF, s16;
	s22 =	sadd.s32 @!p1 s3, s22  }
0x41: {  	s23 =	sxor.u32 @!p1 $0xFFFFFFFF, s16;
	s22 =	sadd.s32 @!p1 s24, s22;
	s20 =	ssub.s32 @!p1 s20, s21  }
0x42: {  	s21 =	sshll.u32 @!p1 s23, $0xD;
	s23 =	simm.s32 @!p1 $0xC00;
	s20 =	sshll.u32 @!p1 s20, $0x4  }
0x43: {  	s21 =	sand.u32 @!p1 $0x2000, s21;
	s20 =	sadd.s32 @!p1 s20, s22;
	s22 =	simm.s32 @!p1 $0x40  }
0x44: {  	[tilespmem:s21], [sflag:$0x1] =	stream.strided.gather @!p1 [hbm4b:s20+s22], $0x2000, s23, s22, $0x38;
	[tilespmem:$0x8080] =	vst v63  }
0x45: {  	p1 =	sge.u32 s31, s6  }
.Ltmp2:
0x46: {  	_ = 	snop;
	(pc) =	sbr.rel @p1 .LBB1_5-.Ltmp2, $1  }
0x47: {  	_ =	sdelay $0x3  }
0x48: {  	s20 =	simm.s32 $0x1  }
0x49: {  	_ =	swait.ge [sflag:s5], $0x2000;
	s20 =	simm.s32 @!p0 $0x0  }
0x4a: {  	[sflag:s5] =	ssyncset.done $0x0;
	s21 =	sshll.u32 s20, $0xD  }
0x4b: {  	[sflag:s5] =	ssyncadd.s32 $0xFFFFE000;
	s24 =	sor.u32 $0x20, s21  }
0x4c: {  	s20 =	smul.u32 $0x8100, s20;
	v3 =	vld [tilespmem:s24+$0x10]  }
0x4d: {  	s30 =	sand.u32 $0x1, s16;
	v2 =	vld [tilespmem:s24+$0xFFFFFFF0]  }
0x4e: {  	s21 =	smul.u32 $0x8100, s30;
	s20 =	sshrl.u32 s20, $0x2;
	v0 =	vld [tilespmem:s24+$0x0]  }
0x4f: {  	v1 =	vld [tilespmem:s24+$0xFFFFFFE0];
	s22 =	sor.u32 $0x4000, s20  }
0x50: {  	s31 =	sshrl.u32 s21, $0x2;
	s21 =	sadd.s32 $0x0, s22  }
0x51: {  	s23 =	simm.s32 $0x4;
	s24 =	sadd.s32 $0x40, s24;
	s20 =	sor.u32 $0x4000, s31;
	[tilespmem:s21+$0x1830 ss:$0x81] =	vst.msk $0xffff, v3  }
.LBB1_3:
0x52: {  	v3 =	vld [tilespmem:s24+$0x10];
	p1 =	sne.s32 s23, $0x1FC;
	[tilespmem:s21+$0x810 ss:$0x81] =	vst.msk $0xffff, v2;
	s25 =	smov.u32 s23;
	s23 =	sadd.s32 $0x4, s23  }
.Ltmp3:
0x53: {  	v2 =	vld [tilespmem:s24+$0xFFFFFFF0];
	[tilespmem:s21+$0x1020 ss:$0x81] =	vst.msk $0xffff, v0;
	(pc) =	sbr.rel @p1 .LBB1_3-.Ltmp3, $4  }
0x54: {  	v0 =	vld [tilespmem:s24+$0x0];
	[tilespmem:s21+$0x0 ss:$0x81] =	vst.msk $0xffff, v1  }
0x55: {  	s21 =	sshra.s32 s25, $0x2;
	v1 =	vld [tilespmem:s24+$0xFFFFFFE0]  }
0x56: {  	s21 =	sadd.s32 s21, s22  }
0x57: {  	s24 =	sadd.s32 $0x40, s24;
	[tilespmem:s21+$0x1830 ss:$0x81] =	vst.msk $0xffff, v3  }
.Ltmp4:
0x58: {  	_ = 	snop;
	(pc) =	sbr.rel .LBB1_4-.Ltmp4, $1  }
0x59: {  	_ =	sdelay $0x3  }
.LBB1_6:
0x5a: {  	_ =	sfence.sel $0x180000  }
0x5b: {  	s2 =	simm.s32 $0x1;
	[bflag:$0x0] =	sbarrier.arrive $0xFFFF  }
0x5c: {  	s31 =	simm.s32 $0x2;
	[sflag:s2] =	ssyncpa.u1 $0x1  }
0x5d: {  	[sflag:s31] =	ssyncpa.u1 $0x1  }
0x5e: {  	p0 =	sne.s32 s0, $0x0;
	_ =	strace $0x90000047  }
0x5f: {  	s0 =	sadd.s32 @!p0 $0x100000, s1;
	[bflag:$0x2] =	sbarrier.arrive $0xFFFF  }
0x60: {  	[sflag:s0] =	ssyncadd.tile.s32 @!p0 $0x1;
	_ =	shalt  }
.Lfunc_end1:
_tile_overlayer_lowered:
.L_overlay_start_2:
0x61: {  	(tag) =	ssettag $0x2  }
0x62: {  	s0 =	rddreg [dreg:$0x0];
	s2 =	stileid.u32  }
0x63: {  	s1 =	rddreg [dreg:$0x1];
	p0 =	sne.s32 s2, $0x0  }
0x64: {  	s3 =	rddreg [dreg:$0x2];
	[bflag:$0x3] =	sbarrier.arrive $0xFFFF;
	s2 =	simm.s32 @!p0 $0x1C01  }
0x65: {  	[timem:s3], [sflag:s2] =	dma.local @!p0 [hbm:s0], s1  }
0x66: {  	s0 =	simm.s32 @!p0 $0x1  }
0x67: {  	_ =	swait.ge @!p0 [sflag:s0], s1  }
0x68: {  	s1 =	ssub.s32 @!p0 $0x0, s1;
	[sflag:s0] =	ssyncset.done @!p0 $0x0  }
0x69: {  	[sflag:s0] =	ssyncadd.s32 @!p0 s1  }
0x6a: {  	[bflag:$0x3] =	sbarrier.arrive $0xFFFF  }
0x6b: {  	_ =	shalt  }

</sc_bundles>
